<compile_context>
chip_gen: v7x
topology: tpu7x:2x2x1
jax: 0.10.2.dev20260603
libtpu: 0.0.44.dev20260713+nightly
codegen_flags: <defaults>
</compile_context>

<pallas_src>
import functools

import jax
import jax.numpy as jnp
from jax import lax
from jax.experimental import pallas as pl
from jax.experimental.pallas import tpu as pltpu
from jax.experimental.pallas import tpu_sc as plsc

D = 18
NW = 32
BLK = 128
TS = 8


def _sc_lookup(idx_t, table_flat):
    T, B = idx_t.shape
    blocks_per_w = B // NW // BLK
    nt = T // TS
    mesh = plsc.VectorSubcoreMesh(
        core_axis_name="c", subcore_axis_name="s", num_cores=2, num_subcores=16
    )

    @functools.partial(
        pl.kernel,
        out_type=jax.ShapeDtypeStruct((D, T, B), jnp.float32),
        mesh=mesh,
        scratch_types=[
            pltpu.VMEM((table_flat.shape[0],), jnp.float32),
            pltpu.VMEM((TS, BLK), jnp.int32),
            pltpu.VMEM((TS, BLK), jnp.int32),
            pltpu.VMEM((D, TS, BLK), jnp.float32),
            pltpu.VMEM((D, TS, BLK), jnp.float32),
            pltpu.SemaphoreType.DMA,
            pltpu.SemaphoreType.DMA,
            pltpu.SemaphoreType.DMA,
            pltpu.SemaphoreType.DMA,
        ],
        compiler_params=pltpu.CompilerParams(
            needs_layout_passes=False, use_tc_tiling_on_sc=True
        ),
    )
    def k(idx_hbm, tab_hbm, out_hbm, tab_v, idx_a, idx_b, out_a, out_b,
          isem_a, isem_b, osem_a, osem_b):
        wid = lax.axis_index("s") * 2 + lax.axis_index("c")
        b_base = wid * (blocks_per_w * BLK)
        pltpu.sync_copy(tab_hbm, tab_v)

        n_g = BLK // 16

        def compute(idx_v, out_v):
            @plsc.parallel_loop(0, TS * n_g, unroll=2)
            def tg_body(i):
                t = i // n_g
                g16 = (i % n_g) * 16
                toks = idx_v[t, pl.ds(g16, 16)]
                row18 = toks * D
                for c in range(D):
                    vals = plsc.load_gather(tab_v, [row18 + c])
                    out_v[c, t, pl.ds(g16, 16)] = vals

        for blk2 in range(blocks_per_w // 2):
            bufs = (
                (b_base + (2 * blk2) * BLK, idx_a, out_a, isem_a, osem_a),
                (b_base + (2 * blk2 + 1) * BLK, idx_b, out_b, isem_b, osem_b),
            )
            for b0, idx_v, out_v, isem, osem in bufs:
                pltpu.async_copy(
                    idx_hbm.at[pl.ds(0, TS), pl.ds(b0, BLK)], idx_v, isem
                )

            def t_tile_body(t0i, carry):
                t0 = t0i * TS
                for b0, idx_v, out_v, isem, osem in bufs:
                    out_slice = out_hbm.at[:, pl.ds(t0, TS), pl.ds(b0, BLK)]
                    pltpu.make_async_copy(
                        idx_hbm.at[pl.ds(t0, TS), pl.ds(b0, BLK)], idx_v, isem
                    ).wait()

                    @pl.when(t0i >= 1)
                    def _():
                        pltpu.make_async_copy(out_v, out_slice, osem).wait()

                    compute(idx_v, out_v)
                    pltpu.async_copy(out_v, out_slice, osem)

                    @pl.when(t0i < nt - 1)
                    def _():
                        pltpu.async_copy(
                            idx_hbm.at[pl.ds(t0 + TS, TS), pl.ds(b0, BLK)],
                            idx_v,
                            isem,
                        )

                return carry

            lax.fori_loop(0, nt, t_tile_body, 0)
            for b0, idx_v, out_v, isem, osem in bufs:
                pltpu.make_async_copy(
                    out_v,
                    out_hbm.at[:, pl.ds(0, TS), pl.ds(b0, BLK)],
                    osem,
                ).wait()

    return k(idx_t, table_flat)


def kernel(indices, table):
    tab_flat = table.reshape(-1)
    pad = (-tab_flat.shape[0]) % 8
    tab_flat = jnp.pad(tab_flat, (0, pad))
    out_t = _sc_lookup(indices.T.astype(jnp.int32), tab_flat)
    return jnp.transpose(out_t, (2, 1, 0))

# --- scband reference (transcript-rebuilt; emitter-appended) ---
"""Pipeline reference for scband-line-decoder-37160057045266 (READ-ONLY COPY).

The authoritative reference and input builder live on the scoring server;
editing this copy changes nothing except your own understanding.
"""

import jax, jax.numpy as jnp
import numpy as np

VOCAB = 71  # len('\r' + digits + ascii_uppercase + punctuation + ' \n')
EMBED_DIM = 18

def setup_inputs(seed: int = 0) -> dict:
    key = jax.random.key(seed)
    k1, k2 = jax.random.split(key)
    indices = jax.random.randint(k1, (16384, 200), 0, VOCAB, dtype=jnp.int64 if jax.config.jax_enable_x64 else jnp.int32)
    table = jax.random.normal(k2, (VOCAB, EMBED_DIM), dtype=jnp.float32)
    return {"indices": indices, "table": table}

def reference(indices, table):
    # LineDecoder.embed(indices): nn.Embedding lookup
    return jnp.take(table, indices, axis=0)

if __name__ == "__main__":
    import jax
    _d = setup_inputs()
    print(jax.jit(kernel)(*tuple(_d.values())))

</pallas_src>

<mosaic_0001>
#map = affine_map<(d0, d1) -> (0, 0)>
#map1 = affine_map<(d0, d1) -> (0)>
#map2 = affine_map<(d0, d1) -> (0, 0, 0)>
module attributes {stable_mosaic.version = 14 : i64} {
  func.func @k(%arg0: i32, %arg1: i32, %arg2: memref<200x16384xi32, #tpu.memory_space<hbm>>, %arg3: memref<1280xf32, #tpu.memory_space<hbm>>, %arg4: memref<18x200x16384xf32, #tpu.memory_space<hbm>>, %arg5: memref<1280xf32, #tpu.memory_space<vmem>>, %arg6: memref<8x128xi32, #tpu.memory_space<vmem>>, %arg7: memref<8x128xi32, #tpu.memory_space<vmem>>, %arg8: memref<18x8x128xf32, #tpu.memory_space<vmem>>, %arg9: memref<18x8x128xf32, #tpu.memory_space<vmem>>, %arg10: memref<!tpu.dma_semaphore, #tpu.memory_space<semaphore_mem>>, %arg11: memref<!tpu.dma_semaphore, #tpu.memory_space<semaphore_mem>>, %arg12: memref<!tpu.dma_semaphore, #tpu.memory_space<semaphore_mem>>, %arg13: memref<!tpu.dma_semaphore, #tpu.memory_space<semaphore_mem>>) attributes {dimension_semantics = [#tpu.dimension_semantics<core_parallel>, #tpu.dimension_semantics<subcore_parallel>], iteration_bounds = array<i64: 2, 16>, scalar_prefetch = 0 : i64, scratch_operands = 9 : i64, tpu.core_type = #tpu.core_type<sc_vector_subcore>, window_params = [{transform_indices = #map}, {transform_indices = #map1}, {transform_indices = #map2}]} {
    %mul3A = arith.constant 2 : i32
    %mul3A_0 = arith.muli %arg1, %mul3A : i32
    %add3A = arith.addi %mul3A_0, %arg0 : i32
    %mul3A_1 = arith.constant 512 : i32
    %mul3A_2 = arith.muli %add3A, %mul3A_1 : i32
    "tpu.region"() ({
      %run_scoped3A = tpu.sem_alloc : memref<!tpu.dma_semaphore, #tpu.memory_space<semaphore_mem>>
      tpu.enqueue_dma source(%arg3 : memref<1280xf32, #tpu.memory_space<hbm>>) target(%arg5 : memref<1280xf32, #tpu.memory_space<vmem>>) target_semaphore(%run_scoped3A : memref<!tpu.dma_semaphore, #tpu.memory_space<semaphore_mem>>)
      tpu.wait_dma2 semaphore(%run_scoped3A : memref<!tpu.dma_semaphore, #tpu.memory_space<semaphore_mem>>) src(%arg3 : memref<1280xf32, #tpu.memory_space<hbm>>) dst(%arg5 : memref<1280xf32, #tpu.memory_space<vmem>>)
      tpu.yield
    }) : () -> ()
    %add3A_3 = arith.constant 0 : i32
    %add3A_4 = arith.addi %mul3A_2, %add3A_3 : i32
    %add3A_5 = arith.constant 128 : i32
    %add3A_6 = arith.addi %mul3A_2, %add3A_5 : i32
    %dma_start3A = arith.constant 0 : i32
    %dma_start3A_7 = tpu.memref_slice %arg2[%dma_start3A, %add3A_4] : memref<200x16384xi32, #tpu.memory_space<hbm>> -> memref<8x128xi32, #tpu.memory_space<hbm>>
    %dma_start3A_8 = arith.constant 0 : i32
    %dma_start3A_9 = tpu.memref_slice %arg2[%dma_start3A_8, %add3A_4] : memref<200x16384xi32, #tpu.memory_space<hbm>> -> memref<8x128xi32, #tpu.memory_space<hbm>>
    tpu.enqueue_dma source(%dma_start3A_9 : memref<8x128xi32, #tpu.memory_space<hbm>>) target(%arg6 : memref<8x128xi32, #tpu.memory_space<vmem>>) target_semaphore(%arg10 : memref<!tpu.dma_semaphore, #tpu.memory_space<semaphore_mem>>)
    %dma_start3A_10 = arith.constant 0 : i32
    %dma_start3A_11 = tpu.memref_slice %arg2[%dma_start3A_10, %add3A_6] : memref<200x16384xi32, #tpu.memory_space<hbm>> -> memref<8x128xi32, #tpu.memory_space<hbm>>
    %dma_start3A_12 = arith.constant 0 : i32
    %dma_start3A_13 = tpu.memref_slice %arg2[%dma_start3A_12, %add3A_6] : memref<200x16384xi32, #tpu.memory_space<hbm>> -> memref<8x128xi32, #tpu.memory_space<hbm>>
    tpu.enqueue_dma source(%dma_start3A_13 : memref<8x128xi32, #tpu.memory_space<hbm>>) target(%arg7 : memref<8x128xi32, #tpu.memory_space<vmem>>) target_semaphore(%arg11 : memref<!tpu.dma_semaphore, #tpu.memory_space<semaphore_mem>>)
    %scan3A = arith.constant 0 : i32
    %scan3A_14 = arith.constant 0 : i32
    %scan3A_15 = arith.constant 25 : i32
    %scan3A_16 = arith.addi %scan3A_14, %scan3A_15 : i32
    %scan3A_17 = arith.constant 1 : i32
    scf.for %scan3A_60 = %scan3A_14 to %scan3A_16 step %scan3A_17  : i32 {
      %mul3A_61 = arith.constant 8 : i32
      %mul3A_62 = arith.muli %scan3A_60, %mul3A_61 : i32
      %dma_wait3A_63 = tpu.memref_slice %arg2[%mul3A_62, %add3A_4] : memref<200x16384xi32, #tpu.memory_space<hbm>> -> memref<8x128xi32, #tpu.memory_space<hbm>>
      %dma_wait3A_64 = tpu.memref_slice %arg2[%mul3A_62, %add3A_4] : memref<200x16384xi32, #tpu.memory_space<hbm>> -> memref<8x128xi32, #tpu.memory_space<hbm>>
      tpu.wait_dma2 semaphore(%arg10 : memref<!tpu.dma_semaphore, #tpu.memory_space<semaphore_mem>>) src(%dma_wait3A_64 : memref<8x128xi32, #tpu.memory_space<hbm>>) dst(%arg6 : memref<8x128xi32, #tpu.memory_space<vmem>>)
      %ge3A = arith.constant 1 : i32
      %ge3A_65 = arith.cmpi sge, %scan3A_60, %ge3A : i32
      %convert_element_type3A = arith.extui %ge3A_65 : i1 to i32
      %cond3A = arith.constant 0 : i32
      %cond3A_66 = arith.cmpi ne, %convert_element_type3A, %cond3A : i32
      scf.if %cond3A_66 {
        %dma_wait3A_96 = arith.constant 0 : i32
        %dma_wait3A_97 = tpu.memref_slice %arg4[%dma_wait3A_96, %mul3A_62, %add3A_4] : memref<18x200x16384xf32, #tpu.memory_space<hbm>> -> memref<18x8x128xf32, #tpu.memory_space<hbm>>
        %dma_wait3A_98 = arith.constant 0 : i32
        %dma_wait3A_99 = tpu.memref_slice %arg4[%dma_wait3A_98, %mul3A_62, %add3A_4] : memref<18x200x16384xf32, #tpu.memory_space<hbm>> -> memref<18x8x128xf32, #tpu.memory_space<hbm>>
        tpu.wait_dma2 semaphore(%arg12 : memref<!tpu.dma_semaphore, #tpu.memory_space<semaphore_mem>>) src(%arg8 : memref<18x8x128xf32, #tpu.memory_space<vmem>>) dst(%dma_wait3A_99 : memref<18x8x128xf32, #tpu.memory_space<hbm>>)
      } else {
      }
      %parallel_loop3A = arith.constant 0 : i32
      %parallel_loop3A_67 = arith.constant 64 : i32
      %parallel_loop3A_68 = arith.constant 1 : i32
      scf.for %parallel_loop3A_96 = %parallel_loop3A to %parallel_loop3A_67 step %parallel_loop3A_68  : i32 {
        %parallel_loop3A_97 = arith.constant 8 : i32
        %parallel_loop3A_98 = arith.divsi %parallel_loop3A_96, %parallel_loop3A_97 : i32
        %parallel_loop3A_99 = arith.constant 0 : i32
        %parallel_loop3A_100 = arith.cmpi sgt, %parallel_loop3A_96, %parallel_loop3A_99 : i32
        %parallel_loop3A_101 = arith.extui %parallel_loop3A_100 : i1 to i32
        %parallel_loop3A_102 = arith.constant 0 : i32
        %parallel_loop3A_103 = arith.cmpi slt, %parallel_loop3A_96, %parallel_loop3A_102 : i32
        %parallel_loop3A_104 = arith.extui %parallel_loop3A_103 : i1 to i32
        %parallel_loop3A_105 = arith.subi %parallel_loop3A_101, %parallel_loop3A_104 : i32
        %parallel_loop3A_106 = arith.constant 0 : i32
        %parallel_loop3A_107 = arith.cmpi sgt, %parallel_loop3A_97, %parallel_loop3A_106 : i32
        %parallel_loop3A_108 = arith.extui %parallel_loop3A_107 : i1 to i32
        %parallel_loop3A_109 = arith.constant 0 : i32
        %parallel_loop3A_110 = arith.cmpi slt, %parallel_loop3A_97, %parallel_loop3A_109 : i32
        %parallel_loop3A_111 = arith.extui %parallel_loop3A_110 : i1 to i32
        %parallel_loop3A_112 = arith.subi %parallel_loop3A_108, %parallel_loop3A_111 : i32
        %parallel_loop3A_113 = arith.cmpi ne, %parallel_loop3A_105, %parallel_loop3A_112 : i32
        %parallel_loop3A_114 = arith.remsi %parallel_loop3A_96, %parallel_loop3A_97 : i32
        %parallel_loop3A_115 = arith.constant 0 : i32
        %parallel_loop3A_116 = arith.cmpi ne, %parallel_loop3A_114, %parallel_loop3A_115 : i32
        %parallel_loop3A_117 = arith.andi %parallel_loop3A_113, %parallel_loop3A_116 : i1
        %parallel_loop3A_118 = arith.constant 1 : i32
        %parallel_loop3A_119 = arith.subi %parallel_loop3A_98, %parallel_loop3A_118 : i32
        %parallel_loop3A_120 = arith.select %parallel_loop3A_117, %parallel_loop3A_119, %parallel_loop3A_98 : i32
        %parallel_loop3A_121 = arith.constant 8 : i32
        %parallel_loop3A_122 = arith.constant 0 : i32
        %parallel_loop3A_123 = arith.cmpi eq, %parallel_loop3A_121, %parallel_loop3A_122 : i32
        %parallel_loop3A_124 = arith.constant 1 : i32
        %parallel_loop3A_125 = arith.select %parallel_loop3A_123, %parallel_loop3A_124, %parallel_loop3A_121 : i32
        %parallel_loop3A_126 = arith.remsi %parallel_loop3A_96, %parallel_loop3A_125 : i32
        %parallel_loop3A_127 = arith.constant 0 : i32
        %parallel_loop3A_128 = arith.cmpi ne, %parallel_loop3A_126, %parallel_loop3A_127 : i32
        %parallel_loop3A_129 = arith.constant 0 : i32
        %parallel_loop3A_130 = arith.cmpi slt, %parallel_loop3A_126, %parallel_loop3A_129 : i32
        %parallel_loop3A_131 = arith.constant 0 : i32
        %parallel_loop3A_132 = arith.cmpi slt, %parallel_loop3A_125, %parallel_loop3A_131 : i32
        %parallel_loop3A_133 = arith.xori %parallel_loop3A_130, %parallel_loop3A_132 : i1
        %parallel_loop3A_134 = arith.andi %parallel_loop3A_133, %parallel_loop3A_128 : i1
        %parallel_loop3A_135 = arith.addi %parallel_loop3A_126, %parallel_loop3A_125 : i32
        %parallel_loop3A_136 = arith.select %parallel_loop3A_134, %parallel_loop3A_135, %parallel_loop3A_126 : i32
        %parallel_loop3A_137 = arith.constant 16 : i32
        %parallel_loop3A_138 = arith.muli %parallel_loop3A_136, %parallel_loop3A_137 : i32
        %parallel_loop3A_139 = arith.index_cast %parallel_loop3A_120 : i32 to index
        %parallel_loop3A_140 = arith.index_cast %parallel_loop3A_138 : i32 to index
        %parallel_loop3A_141 = tpu.vector_load %arg6[%parallel_loop3A_139, %parallel_loop3A_140] {strides = array<i32>} : memref<8x128xi32, #tpu.memory_space<vmem>>, vector<16xi32>,
        %parallel_loop3A_142 = arith.constant 18 : i32
        %parallel_loop3A_143 = vector.broadcast %parallel_loop3A_142 : i32 to vector<16xi32>
        %parallel_loop3A_144 = arith.muli %parallel_loop3A_141, %parallel_loop3A_143 : vector<16xi32>
        %parallel_loop3A_145 = arith.constant 0 : i32
        %parallel_loop3A_146 = vector.broadcast %parallel_loop3A_145 : i32 to vector<16xi32>
        %parallel_loop3A_147 = arith.addi %parallel_loop3A_144, %parallel_loop3A_146 : vector<16xi32>
        %parallel_loop3A_148 = tpu.vector_load_idx %arg5[%parallel_loop3A_147] : memref<1280xf32, #tpu.memory_space<vmem>>[vector<16xi32>], vector<16xf32>,
        %parallel_loop3A_149 = arith.constant 0 : i32
        %parallel_loop3A_150 = arith.index_cast %parallel_loop3A_149 : i32 to index
        %parallel_loop3A_151 = arith.index_cast %parallel_loop3A_120 : i32 to index
        %parallel_loop3A_152 = arith.index_cast %parallel_loop3A_138 : i32 to index
        %parallel_loop3A_153 = tpu.vector_load %arg8[%parallel_loop3A_150, %parallel_loop3A_151, %parallel_loop3A_152] {strides = array<i32>} : memref<18x8x128xf32, #tpu.memory_space<vmem>>, vector<16xf32>,
        tpu.vector_store %arg8[%parallel_loop3A_150, %parallel_loop3A_151, %parallel_loop3A_152], %parallel_loop3A_148 {strides = array<i32>} : memref<18x8x128xf32, #tpu.memory_space<vmem>>, vector<16xf32>,
        %parallel_loop3A_154 = arith.constant 1 : i32
        %parallel_loop3A_155 = vector.broadcast %parallel_loop3A_154 : i32 to vector<16xi32>
        %parallel_loop3A_156 = arith.addi %parallel_loop3A_144, %parallel_loop3A_155 : vector<16xi32>
        %parallel_loop3A_157 = tpu.vector_load_idx %arg5[%parallel_loop3A_156] : memref<1280xf32, #tpu.memory_space<vmem>>[vector<16xi32>], vector<16xf32>,
        %parallel_loop3A_158 = arith.constant 1 : i32
        %parallel_loop3A_159 = arith.index_cast %parallel_loop3A_158 : i32 to index
        %parallel_loop3A_160 = arith.index_cast %parallel_loop3A_120 : i32 to index
        %parallel_loop3A_161 = arith.index_cast %parallel_loop3A_138 : i32 to index
        %parallel_loop3A_162 = tpu.vector_load %arg8[%parallel_loop3A_159, %parallel_loop3A_160, %parallel_loop3A_161] {strides = array<i32>} : memref<18x8x128xf32, #tpu.memory_space<vmem>>, vector<16xf32>,
        tpu.vector_store %arg8[%parallel_loop3A_159, %parallel_loop3A_160, %parallel_loop3A_161], %parallel_loop3A_157 {strides = array<i32>} : memref<18x8x128xf32, #tpu.memory_space<vmem>>, vector<16xf32>,
        %parallel_loop3A_163 = arith.constant 2 : i32
        %parallel_loop3A_164 = vector.broadcast %parallel_loop3A_163 : i32 to vector<16xi32>
        %parallel_loop3A_165 = arith.addi %parallel_loop3A_144, %parallel_loop3A_164 : vector<16xi32>
        %parallel_loop3A_166 = tpu.vector_load_idx %arg5[%parallel_loop3A_165] : memref<1280xf32, #tpu.memory_space<vmem>>[vector<16xi32>], vector<16xf32>,
        %parallel_loop3A_167 = arith.constant 2 : i32
        %parallel_loop3A_168 = arith.index_cast %parallel_loop3A_167 : i32 to index
        %parallel_loop3A_169 = arith.index_cast %parallel_loop3A_120 : i32 to index
        %parallel_loop3A_170 = arith.index_cast %parallel_loop3A_138 : i32 to index
        %parallel_loop3A_171 = tpu.vector_load %arg8[%parallel_loop3A_168, %parallel_loop3A_169, %parallel_loop3A_170] {strides = array<i32>} : memref<18x8x128xf32, #tpu.memory_space<vmem>>, vector<16xf32>,
        tpu.vector_store %arg8[%parallel_loop3A_168, %parallel_loop3A_169, %parallel_loop3A_170], %parallel_loop3A_166 {strides = array<i32>} : memref<18x8x128xf32, #tpu.memory_space<vmem>>, vector<16xf32>,
        %parallel_loop3A_172 = arith.constant 3 : i32
        %parallel_loop3A_173 = vector.broadcast %parallel_loop3A_172 : i32 to vector<16xi32>
        %parallel_loop3A_174 = arith.addi %parallel_loop3A_144, %parallel_loop3A_173 : vector<16xi32>
        %parallel_loop3A_175 = tpu.vector_load_idx %arg5[%parallel_loop3A_174] : memref<1280xf32, #tpu.memory_space<vmem>>[vector<16xi32>], vector<16xf32>,
        %parallel_loop3A_176 = arith.constant 3 : i32
        %parallel_loop3A_177 = arith.index_cast %parallel_loop3A_176 : i32 to index
        %parallel_loop3A_178 = arith.index_cast %parallel_loop3A_120 : i32 to index
        %parallel_loop3A_179 = arith.index_cast %parallel_loop3A_138 : i32 to index
        %parallel_loop3A_180 = tpu.vector_load %arg8[%parallel_loop3A_177, %parallel_loop3A_178, %parallel_loop3A_179] {strides = array<i32>} : memref<18x8x128xf32, #tpu.memory_space<vmem>>, vector<16xf32>,
        tpu.vector_store %arg8[%parallel_loop3A_177, %parallel_loop3A_178, %parallel_loop3A_179], %parallel_loop3A_175 {strides = array<i32>} : memref<18x8x128xf32, #tpu.memory_space<vmem>>, vector<16xf32>,
        %parallel_loop3A_181 = arith.constant 4 : i32
        %parallel_loop3A_182 = vector.broadcast %parallel_loop3A_181 : i32 to vector<16xi32>
        %parallel_loop3A_183 = arith.addi %parallel_loop3A_144, %parallel_loop3A_182 : vector<16xi32>
        %parallel_loop3A_184 = tpu.vector_load_idx %arg5[%parallel_loop3A_183] : memref<1280xf32, #tpu.memory_space<vmem>>[vector<16xi32>], vector<16xf32>,
        %parallel_loop3A_185 = arith.constant 4 : i32
        %parallel_loop3A_186 = arith.index_cast %parallel_loop3A_185 : i32 to index
        %parallel_loop3A_187 = arith.index_cast %parallel_loop3A_120 : i32 to index
        %parallel_loop3A_188 = arith.index_cast %parallel_loop3A_138 : i32 to index
        %parallel_loop3A_189 = tpu.vector_load %arg8[%parallel_loop3A_186, %parallel_loop3A_187, %parallel_loop3A_188] {strides = array<i32>} : memref<18x8x128xf32, #tpu.memory_space<vmem>>, vector<16xf32>,
        tpu.vector_store %arg8[%parallel_loop3A_186, %parallel_loop3A_187, %parallel_loop3A_188], %parallel_loop3A_184 {strides = array<i32>} : memref<18x8x128xf32, #tpu.memory_space<vmem>>, vector<16xf32>,
        %parallel_loop3A_190 = arith.constant 5 : i32
        %parallel_loop3A_191 = vector.broadcast %parallel_loop3A_190 : i32 to vector<16xi32>
        %parallel_loop3A_192 = arith.addi %parallel_loop3A_144, %parallel_loop3A_191 : vector<16xi32>
        %parallel_loop3A_193 = tpu.vector_load_idx %arg5[%parallel_loop3A_192] : memref<1280xf32, #tpu.memory_space<vmem>>[vector<16xi32>], vector<16xf32>,
        %parallel_loop3A_194 = arith.constant 5 : i32
        %parallel_loop3A_195 = arith.index_cast %parallel_loop3A_194 : i32 to index
        %parallel_loop3A_196 = arith.index_cast %parallel_loop3A_120 : i32 to index
        %parallel_loop3A_197 = arith.index_cast %parallel_loop3A_138 : i32 to index
        %parallel_loop3A_198 = tpu.vector_load %arg8[%parallel_loop3A_195, %parallel_loop3A_196, %parallel_loop3A_197] {strides = array<i32>} : memref<18x8x128xf32, #tpu.memory_space<vmem>>, vector<16xf32>,
        tpu.vector_store %arg8[%parallel_loop3A_195, %parallel_loop3A_196, %parallel_loop3A_197], %parallel_loop3A_193 {strides = array<i32>} : memref<18x8x128xf32, #tpu.memory_space<vmem>>, vector<16xf32>,
        %parallel_loop3A_199 = arith.constant 6 : i32
        %parallel_loop3A_200 = vector.broadcast %parallel_loop3A_199 : i32 to vector<16xi32>
        %parallel_loop3A_201 = arith.addi %parallel_loop3A_144, %parallel_loop3A_200 : vector<16xi32>
        %parallel_loop3A_202 = tpu.vector_load_idx %arg5[%parallel_loop3A_201] : memref<1280xf32, #tpu.memory_space<vmem>>[vector<16xi32>], vector<16xf32>,
        %parallel_loop3A_203 = arith.constant 6 : i32
        %parallel_loop3A_204 = arith.index_cast %parallel_loop3A_203 : i32 to index
        %parallel_loop3A_205 = arith.index_cast %parallel_loop3A_120 : i32 to index
        %parallel_loop3A_206 = arith.index_cast %parallel_loop3A_138 : i32 to index
        %parallel_loop3A_207 = tpu.vector_load %arg8[%parallel_loop3A_204, %parallel_loop3A_205, %parallel_loop3A_206] {strides = array<i32>} : memref<18x8x128xf32, #tpu.memory_space<vmem>>, vector<16xf32>,
        tpu.vector_store %arg8[%parallel_loop3A_204, %parallel_loop3A_205, %parallel_loop3A_206], %parallel_loop3A_202 {strides = array<i32>} : memref<18x8x128xf32, #tpu.memory_space<vmem>>, vector<16xf32>,
        %parallel_loop3A_208 = arith.constant 7 : i32
        %parallel_loop3A_209 = vector.broadcast %parallel_loop3A_208 : i32 to vector<16xi32>
        %parallel_loop3A_210 = arith.addi %parallel_loop3A_144, %parallel_loop3A_209 : vector<16xi32>
        %parallel_loop3A_211 = tpu.vector_load_idx %arg5[%parallel_loop3A_210] : memref<1280xf32, #tpu.memory_space<vmem>>[vector<16xi32>], vector<16xf32>,
        %parallel_loop3A_212 = arith.constant 7 : i32
        %parallel_loop3A_213 = arith.index_cast %parallel_loop3A_212 : i32 to index
        %parallel_loop3A_214 = arith.index_cast %parallel_loop3A_120 : i32 to index
        %parallel_loop3A_215 = arith.index_cast %parallel_loop3A_138 : i32 to index
        %parallel_loop3A_216 = tpu.vector_load %arg8[%parallel_loop3A_213, %parallel_loop3A_214, %parallel_loop3A_215] {strides = array<i32>} : memref<18x8x128xf32, #tpu.memory_space<vmem>>, vector<16xf32>,
        tpu.vector_store %arg8[%parallel_loop3A_213, %parallel_loop3A_214, %parallel_loop3A_215], %parallel_loop3A_211 {strides = array<i32>} : memref<18x8x128xf32, #tpu.memory_space<vmem>>, vector<16xf32>,
        %parallel_loop3A_217 = arith.constant 8 : i32
        %parallel_loop3A_218 = vector.broadcast %parallel_loop3A_217 : i32 to vector<16xi32>
        %parallel_loop3A_219 = arith.addi %parallel_loop3A_144, %parallel_loop3A_218 : vector<16xi32>
        %parallel_loop3A_220 = tpu.vector_load_idx %arg5[%parallel_loop3A_219] : memref<1280xf32, #tpu.memory_space<vmem>>[vector<16xi32>], vector<16xf32>,
        %parallel_loop3A_221 = arith.constant 8 : i32
        %parallel_loop3A_222 = arith.index_cast %parallel_loop3A_221 : i32 to index
        %parallel_loop3A_223 = arith.index_cast %parallel_loop3A_120 : i32 to index
        %parallel_loop3A_224 = arith.index_cast %parallel_loop3A_138 : i32 to index
        %parallel_loop3A_225 = tpu.vector_load %arg8[%parallel_loop3A_222, %parallel_loop3A_223, %parallel_loop3A_224] {strides = array<i32>} : memref<18x8x128xf32, #tpu.memory_space<vmem>>, vector<16xf32>,
        tpu.vector_store %arg8[%parallel_loop3A_222, %parallel_loop3A_223, %parallel_loop3A_224], %parallel_loop3A_220 {strides = array<i32>} : memref<18x8x128xf32, #tpu.memory_space<vmem>>, vector<16xf32>,
        %parallel_loop3A_226 = arith.constant 9 : i32
        %parallel_loop3A_227 = vector.broadcast %parallel_loop3A_226 : i32 to vector<16xi32>
        %parallel_loop3A_228 = arith.addi %parallel_loop3A_144, %parallel_loop3A_227 : vector<16xi32>
        %parallel_loop3A_229 = tpu.vector_load_idx %arg5[%parallel_loop3A_228] : memref<1280xf32, #tpu.memory_space<vmem>>[vector<16xi32>], vector<16xf32>,
        %parallel_loop3A_230 = arith.constant 9 : i32
        %parallel_loop3A_231 = arith.index_cast %parallel_loop3A_230 : i32 to index
        %parallel_loop3A_232 = arith.index_cast %parallel_loop3A_120 : i32 to index
        %parallel_loop3A_233 = arith.index_cast %parallel_loop3A_138 : i32 to index
        %parallel_loop3A_234 = tpu.vector_load %arg8[%parallel_loop3A_231, %parallel_loop3A_232, %parallel_loop3A_233] {strides = array<i32>} : memref<18x8x128xf32, #tpu.memory_space<vmem>>, vector<16xf32>,
        tpu.vector_store %arg8[%parallel_loop3A_231, %parallel_loop3A_232, %parallel_loop3A_233], %parallel_loop3A_229 {strides = array<i32>} : memref<18x8x128xf32, #tpu.memory_space<vmem>>, vector<16xf32>,
        %parallel_loop3A_235 = arith.constant 10 : i32
        %parallel_loop3A_236 = vector.broadcast %parallel_loop3A_235 : i32 to vector<16xi32>
        %parallel_loop3A_237 = arith.addi %parallel_loop3A_144, %parallel_loop3A_236 : vector<16xi32>
        %parallel_loop3A_238 = tpu.vector_load_idx %arg5[%parallel_loop3A_237] : memref<1280xf32, #tpu.memory_space<vmem>>[vector<16xi32>], vector<16xf32>,
        %parallel_loop3A_239 = arith.constant 10 : i32
        %parallel_loop3A_240 = arith.index_cast %parallel_loop3A_239 : i32 to index
        %parallel_loop3A_241 = arith.index_cast %parallel_loop3A_120 : i32 to index
        %parallel_loop3A_242 = arith.index_cast %parallel_loop3A_138 : i32 to index
        %parallel_loop3A_243 = tpu.vector_load %arg8[%parallel_loop3A_240, %parallel_loop3A_241, %parallel_loop3A_242] {strides = array<i32>} : memref<18x8x128xf32, #tpu.memory_space<vmem>>, vector<16xf32>,
        tpu.vector_store %arg8[%parallel_loop3A_240, %parallel_loop3A_241, %parallel_loop3A_242], %parallel_loop3A_238 {strides = array<i32>} : memref<18x8x128xf32, #tpu.memory_space<vmem>>, vector<16xf32>,
        %parallel_loop3A_244 = arith.constant 11 : i32
        %parallel_loop3A_245 = vector.broadcast %parallel_loop3A_244 : i32 to vector<16xi32>
        %parallel_loop3A_246 = arith.addi %parallel_loop3A_144, %parallel_loop3A_245 : vector<16xi32>
        %parallel_loop3A_247 = tpu.vector_load_idx %arg5[%parallel_loop3A_246] : memref<1280xf32, #tpu.memory_space<vmem>>[vector<16xi32>], vector<16xf32>,
        %parallel_loop3A_248 = arith.constant 11 : i32
        %parallel_loop3A_249 = arith.index_cast %parallel_loop3A_248 : i32 to index
        %parallel_loop3A_250 = arith.index_cast %parallel_loop3A_120 : i32 to index
        %parallel_loop3A_251 = arith.index_cast %parallel_loop3A_138 : i32 to index
        %parallel_loop3A_252 = tpu.vector_load %arg8[%parallel_loop3A_249, %parallel_loop3A_250, %parallel_loop3A_251] {strides = array<i32>} : memref<18x8x128xf32, #tpu.memory_space<vmem>>, vector<16xf32>,
        tpu.vector_store %arg8[%parallel_loop3A_249, %parallel_loop3A_250, %parallel_loop3A_251], %parallel_loop3A_247 {strides = array<i32>} : memref<18x8x128xf32, #tpu.memory_space<vmem>>, vector<16xf32>,
        %parallel_loop3A_253 = arith.constant 12 : i32
        %parallel_loop3A_254 = vector.broadcast %parallel_loop3A_253 : i32 to vector<16xi32>
        %parallel_loop3A_255 = arith.addi %parallel_loop3A_144, %parallel_loop3A_254 : vector<16xi32>
        %parallel_loop3A_256 = tpu.vector_load_idx %arg5[%parallel_loop3A_255] : memref<1280xf32, #tpu.memory_space<vmem>>[vector<16xi32>], vector<16xf32>,
        %parallel_loop3A_257 = arith.constant 12 : i32
        %parallel_loop3A_258 = arith.index_cast %parallel_loop3A_257 : i32 to index
        %parallel_loop3A_259 = arith.index_cast %parallel_loop3A_120 : i32 to index
        %parallel_loop3A_260 = arith.index_cast %parallel_loop3A_138 : i32 to index
        %parallel_loop3A_261 = tpu.vector_load %arg8[%parallel_loop3A_258, %parallel_loop3A_259, %parallel_loop3A_260] {strides = array<i32>} : memref<18x8x128xf32, #tpu.memory_space<vmem>>, vector<16xf32>,
        tpu.vector_store %arg8[%parallel_loop3A_258, %parallel_loop3A_259, %parallel_loop3A_260], %parallel_loop3A_256 {strides = array<i32>} : memref<18x8x128xf32, #tpu.memory_space<vmem>>, vector<16xf32>,
        %parallel_loop3A_262 = arith.constant 13 : i32
        %parallel_loop3A_263 = vector.broadcast %parallel_loop3A_262 : i32 to vector<16xi32>
        %parallel_loop3A_264 = arith.addi %parallel_loop3A_144, %parallel_loop3A_263 : vector<16xi32>
        %parallel_loop3A_265 = tpu.vector_load_idx %arg5[%parallel_loop3A_264] : memref<1280xf32, #tpu.memory_space<vmem>>[vector<16xi32>], vector<16xf32>,
        %parallel_loop3A_266 = arith.constant 13 : i32
        %parallel_loop3A_267 = arith.index_cast %parallel_loop3A_266 : i32 to index
        %parallel_loop3A_268 = arith.index_cast %parallel_loop3A_120 : i32 to index
        %parallel_loop3A_269 = arith.index_cast %parallel_loop3A_138 : i32 to index
        %parallel_loop3A_270 = tpu.vector_load %arg8[%parallel_loop3A_267, %parallel_loop3A_268, %parallel_loop3A_269] {strides = array<i32>} : memref<18x8x128xf32, #tpu.memory_space<vmem>>, vector<16xf32>,
        tpu.vector_store %arg8[%parallel_loop3A_267, %parallel_loop3A_268, %parallel_loop3A_269], %parallel_loop3A_265 {strides = array<i32>} : memref<18x8x128xf32, #tpu.memory_space<vmem>>, vector<16xf32>,
        %parallel_loop3A_271 = arith.constant 14 : i32
        %parallel_loop3A_272 = vector.broadcast %parallel_loop3A_271 : i32 to vector<16xi32>
        %parallel_loop3A_273 = arith.addi %parallel_loop3A_144, %parallel_loop3A_272 : vector<16xi32>
        %parallel_loop3A_274 = tpu.vector_load_idx %arg5[%parallel_loop3A_273] : memref<1280xf32, #tpu.memory_space<vmem>>[vector<16xi32>], vector<16xf32>,
        %parallel_loop3A_275 = arith.constant 14 : i32
        %parallel_loop3A_276 = arith.index_cast %parallel_loop3A_275 : i32 to index
        %parallel_loop3A_277 = arith.index_cast %parallel_loop3A_120 : i32 to index
        %parallel_loop3A_278 = arith.index_cast %parallel_loop3A_138 : i32 to index
        %parallel_loop3A_279 = tpu.vector_load %arg8[%parallel_loop3A_276, %parallel_loop3A_277, %parallel_loop3A_278] {strides = array<i32>} : memref<18x8x128xf32, #tpu.memory_space<vmem>>, vector<16xf32>,
        tpu.vector_store %arg8[%parallel_loop3A_276, %parallel_loop3A_277, %parallel_loop3A_278], %parallel_loop3A_274 {strides = array<i32>} : memref<18x8x128xf32, #tpu.memory_space<vmem>>, vector<16xf32>,
        %parallel_loop3A_280 = arith.constant 15 : i32
        %parallel_loop3A_281 = vector.broadcast %parallel_loop3A_280 : i32 to vector<16xi32>
        %parallel_loop3A_282 = arith.addi %parallel_loop3A_144, %parallel_loop3A_281 : vector<16xi32>
        %parallel_loop3A_283 = tpu.vector_load_idx %arg5[%parallel_loop3A_282] : memref<1280xf32, #tpu.memory_space<vmem>>[vector<16xi32>], vector<16xf32>,
        %parallel_loop3A_284 = arith.constant 15 : i32
        %parallel_loop3A_285 = arith.index_cast %parallel_loop3A_284 : i32 to index
        %parallel_loop3A_286 = arith.index_cast %parallel_loop3A_120 : i32 to index
        %parallel_loop3A_287 = arith.index_cast %parallel_loop3A_138 : i32 to index
        %parallel_loop3A_288 = tpu.vector_load %arg8[%parallel_loop3A_285, %parallel_loop3A_286, %parallel_loop3A_287] {strides = array<i32>} : memref<18x8x128xf32, #tpu.memory_space<vmem>>, vector<16xf32>,
        tpu.vector_store %arg8[%parallel_loop3A_285, %parallel_loop3A_286, %parallel_loop3A_287], %parallel_loop3A_283 {strides = array<i32>} : memref<18x8x128xf32, #tpu.memory_space<vmem>>, vector<16xf32>,
        %parallel_loop3A_289 = arith.constant 16 : i32
        %parallel_loop3A_290 = vector.broadcast %parallel_loop3A_289 : i32 to vector<16xi32>
        %parallel_loop3A_291 = arith.addi %parallel_loop3A_144, %parallel_loop3A_290 : vector<16xi32>
        %parallel_loop3A_292 = tpu.vector_load_idx %arg5[%parallel_loop3A_291] : memref<1280xf32, #tpu.memory_space<vmem>>[vector<16xi32>], vector<16xf32>,
        %parallel_loop3A_293 = arith.constant 16 : i32
        %parallel_loop3A_294 = arith.index_cast %parallel_loop3A_293 : i32 to index
        %parallel_loop3A_295 = arith.index_cast %parallel_loop3A_120 : i32 to index
        %parallel_loop3A_296 = arith.index_cast %parallel_loop3A_138 : i32 to index
        %parallel_loop3A_297 = tpu.vector_load %arg8[%parallel_loop3A_294, %parallel_loop3A_295, %parallel_loop3A_296] {strides = array<i32>} : memref<18x8x128xf32, #tpu.memory_space<vmem>>, vector<16xf32>,
        tpu.vector_store %arg8[%parallel_loop3A_294, %parallel_loop3A_295, %parallel_loop3A_296], %parallel_loop3A_292 {strides = array<i32>} : memref<18x8x128xf32, #tpu.memory_space<vmem>>, vector<16xf32>,
        %parallel_loop3A_298 = arith.constant 17 : i32
        %parallel_loop3A_299 = vector.broadcast %parallel_loop3A_298 : i32 to vector<16xi32>
        %parallel_loop3A_300 = arith.addi %parallel_loop3A_144, %parallel_loop3A_299 : vector<16xi32>
        %parallel_loop3A_301 = tpu.vector_load_idx %arg5[%parallel_loop3A_300] : memref<1280xf32, #tpu.memory_space<vmem>>[vector<16xi32>], vector<16xf32>,
        %parallel_loop3A_302 = arith.constant 17 : i32
        %parallel_loop3A_303 = arith.index_cast %parallel_loop3A_302 : i32 to index
        %parallel_loop3A_304 = arith.index_cast %parallel_loop3A_120 : i32 to index
        %parallel_loop3A_305 = arith.index_cast %parallel_loop3A_138 : i32 to index
        %parallel_loop3A_306 = tpu.vector_load %arg8[%parallel_loop3A_303, %parallel_loop3A_304, %parallel_loop3A_305] {strides = array<i32>} : memref<18x8x128xf32, #tpu.memory_space<vmem>>, vector<16xf32>,
        tpu.vector_store %arg8[%parallel_loop3A_303, %parallel_loop3A_304, %parallel_loop3A_305], %parallel_loop3A_301 {strides = array<i32>} : memref<18x8x128xf32, #tpu.memory_space<vmem>>, vector<16xf32>,
      } {sc.loop_unroll_factor = 2 : i64, sc.parallel_access}
      %dma_start3A_69 = arith.constant 0 : i32
      %dma_start3A_70 = tpu.memref_slice %arg4[%dma_start3A_69, %mul3A_62, %add3A_4] : memref<18x200x16384xf32, #tpu.memory_space<hbm>> -> memref<18x8x128xf32, #tpu.memory_space<hbm>>
      %dma_start3A_71 = arith.constant 0 : i32
      %dma_start3A_72 = tpu.memref_slice %arg4[%dma_start3A_71, %mul3A_62, %add3A_4] : memref<18x200x16384xf32, #tpu.memory_space<hbm>> -> memref<18x8x128xf32, #tpu.memory_space<hbm>>
      tpu.enqueue_dma source(%arg8 : memref<18x8x128xf32, #tpu.memory_space<vmem>>) target(%dma_start3A_72 : memref<18x8x128xf32, #tpu.memory_space<hbm>>) target_semaphore(%arg12 : memref<!tpu.dma_semaphore, #tpu.memory_space<semaphore_mem>>)
      %lt3A = arith.constant 24 : i32
      %lt3A_73 = arith.cmpi slt, %scan3A_60, %lt3A : i32
      %convert_element_type3A_74 = arith.extui %lt3A_73 : i1 to i32
      %cond3A_75 = arith.constant 0 : i32
      %cond3A_76 = arith.cmpi ne, %convert_element_type3A_74, %cond3A_75 : i32
      scf.if %cond3A_76 {
        %add3A_96 = arith.constant 8 : i32
        %add3A_97 = arith.addi %mul3A_62, %add3A_96 : i32
        %dma_start3A_98 = tpu.memref_slice %arg2[%add3A_97, %add3A_4] : memref<200x16384xi32, #tpu.memory_space<hbm>> -> memref<8x128xi32, #tpu.memory_space<hbm>>
        %dma_start3A_99 = tpu.memref_slice %arg2[%add3A_97, %add3A_4] : memref<200x16384xi32, #tpu.memory_space<hbm>> -> memref<8x128xi32, #tpu.memory_space<hbm>>
        tpu.enqueue_dma source(%dma_start3A_99 : memref<8x128xi32, #tpu.memory_space<hbm>>) target(%arg6 : memref<8x128xi32, #tpu.memory_space<vmem>>) target_semaphore(%arg10 : memref<!tpu.dma_semaphore, #tpu.memory_space<semaphore_mem>>)
      } else {
      }
      %dma_wait3A_77 = tpu.memref_slice %arg2[%mul3A_62, %add3A_6] : memref<200x16384xi32, #tpu.memory_space<hbm>> -> memref<8x128xi32, #tpu.memory_space<hbm>>
      %dma_wait3A_78 = tpu.memref_slice %arg2[%mul3A_62, %add3A_6] : memref<200x16384xi32, #tpu.memory_space<hbm>> -> memref<8x128xi32, #tpu.memory_space<hbm>>
      tpu.wait_dma2 semaphore(%arg11 : memref<!tpu.dma_semaphore, #tpu.memory_space<semaphore_mem>>) src(%dma_wait3A_78 : memref<8x128xi32, #tpu.memory_space<hbm>>) dst(%arg7 : memref<8x128xi32, #tpu.memory_space<vmem>>)
      %ge3A_79 = arith.constant 1 : i32
      %ge3A_80 = arith.cmpi sge, %scan3A_60, %ge3A_79 : i32
      %convert_element_type3A_81 = arith.extui %ge3A_80 : i1 to i32
      %cond3A_82 = arith.constant 0 : i32
      %cond3A_83 = arith.cmpi ne, %convert_element_type3A_81, %cond3A_82 : i32
      scf.if %cond3A_83 {
        %dma_wait3A_96 = arith.constant 0 : i32
        %dma_wait3A_97 = tpu.memref_slice %arg4[%dma_wait3A_96, %mul3A_62, %add3A_6] : memref<18x200x16384xf32, #tpu.memory_space<hbm>> -> memref<18x8x128xf32, #tpu.memory_space<hbm>>
        %dma_wait3A_98 = arith.constant 0 : i32
        %dma_wait3A_99 = tpu.memref_slice %arg4[%dma_wait3A_98, %mul3A_62, %add3A_6] : memref<18x200x16384xf32, #tpu.memory_space<hbm>> -> memref<18x8x128xf32, #tpu.memory_space<hbm>>
        tpu.wait_dma2 semaphore(%arg13 : memref<!tpu.dma_semaphore, #tpu.memory_space<semaphore_mem>>) src(%arg9 : memref<18x8x128xf32, #tpu.memory_space<vmem>>) dst(%dma_wait3A_99 : memref<18x8x128xf32, #tpu.memory_space<hbm>>)
      } else {
      }
      %parallel_loop3A_84 = arith.constant 0 : i32
      %parallel_loop3A_85 = arith.constant 64 : i32
      %parallel_loop3A_86 = arith.constant 1 : i32
      scf.for %parallel_loop3A_96 = %parallel_loop3A_84 to %parallel_loop3A_85 step %parallel_loop3A_86  : i32 {
        %parallel_loop3A_97 = arith.constant 8 : i32
        %parallel_loop3A_98 = arith.divsi %parallel_loop3A_96, %parallel_loop3A_97 : i32
        %parallel_loop3A_99 = arith.constant 0 : i32
        %parallel_loop3A_100 = arith.cmpi sgt, %parallel_loop3A_96, %parallel_loop3A_99 : i32
        %parallel_loop3A_101 = arith.extui %parallel_loop3A_100 : i1 to i32
        %parallel_loop3A_102 = arith.constant 0 : i32
        %parallel_loop3A_103 = arith.cmpi slt, %parallel_loop3A_96, %parallel_loop3A_102 : i32
        %parallel_loop3A_104 = arith.extui %parallel_loop3A_103 : i1 to i32
        %parallel_loop3A_105 = arith.subi %parallel_loop3A_101, %parallel_loop3A_104 : i32
        %parallel_loop3A_106 = arith.constant 0 : i32
        %parallel_loop3A_107 = arith.cmpi sgt, %parallel_loop3A_97, %parallel_loop3A_106 : i32
        %parallel_loop3A_108 = arith.extui %parallel_loop3A_107 : i1 to i32
        %parallel_loop3A_109 = arith.constant 0 : i32
        %parallel_loop3A_110 = arith.cmpi slt, %parallel_loop3A_97, %parallel_loop3A_109 : i32
        %parallel_loop3A_111 = arith.extui %parallel_loop3A_110 : i1 to i32
        %parallel_loop3A_112 = arith.subi %parallel_loop3A_108, %parallel_loop3A_111 : i32
        %parallel_loop3A_113 = arith.cmpi ne, %parallel_loop3A_105, %parallel_loop3A_112 : i32
        %parallel_loop3A_114 = arith.remsi %parallel_loop3A_96, %parallel_loop3A_97 : i32
        %parallel_loop3A_115 = arith.constant 0 : i32
        %parallel_loop3A_116 = arith.cmpi ne, %parallel_loop3A_114, %parallel_loop3A_115 : i32
        %parallel_loop3A_117 = arith.andi %parallel_loop3A_113, %parallel_loop3A_116 : i1
        %parallel_loop3A_118 = arith.constant 1 : i32
        %parallel_loop3A_119 = arith.subi %parallel_loop3A_98, %parallel_loop3A_118 : i32
        %parallel_loop3A_120 = arith.select %parallel_loop3A_117, %parallel_loop3A_119, %parallel_loop3A_98 : i32
        %parallel_loop3A_121 = arith.constant 8 : i32
        %parallel_loop3A_122 = arith.constant 0 : i32
        %parallel_loop3A_123 = arith.cmpi eq, %parallel_loop3A_121, %parallel_loop3A_122 : i32
        %parallel_loop3A_124 = arith.constant 1 : i32
        %parallel_loop3A_125 = arith.select %parallel_loop3A_123, %parallel_loop3A_124, %parallel_loop3A_121 : i32
        %parallel_loop3A_126 = arith.remsi %parallel_loop3A_96, %parallel_loop3A_125 : i32
        %parallel_loop3A_127 = arith.constant 0 : i32
        %parallel_loop3A_128 = arith.cmpi ne, %parallel_loop3A_126, %parallel_loop3A_127 : i32
        %parallel_loop3A_129 = arith.constant 0 : i32
        %parallel_loop3A_130 = arith.cmpi slt, %parallel_loop3A_126, %parallel_loop3A_129 : i32
        %parallel_loop3A_131 = arith.constant 0 : i32
        %parallel_loop3A_132 = arith.cmpi slt, %parallel_loop3A_125, %parallel_loop3A_131 : i32
        %parallel_loop3A_133 = arith.xori %parallel_loop3A_130, %parallel_loop3A_132 : i1
        %parallel_loop3A_134 = arith.andi %parallel_loop3A_133, %parallel_loop3A_128 : i1
        %parallel_loop3A_135 = arith.addi %parallel_loop3A_126, %parallel_loop3A_125 : i32
        %parallel_loop3A_136 = arith.select %parallel_loop3A_134, %parallel_loop3A_135, %parallel_loop3A_126 : i32
        %parallel_loop3A_137 = arith.constant 16 : i32
        %parallel_loop3A_138 = arith.muli %parallel_loop3A_136, %parallel_loop3A_137 : i32
        %parallel_loop3A_139 = arith.index_cast %parallel_loop3A_120 : i32 to index
        %parallel_loop3A_140 = arith.index_cast %parallel_loop3A_138 : i32 to index
        %parallel_loop3A_141 = tpu.vector_load %arg7[%parallel_loop3A_139, %parallel_loop3A_140] {strides = array<i32>} : memref<8x128xi32, #tpu.memory_space<vmem>>, vector<16xi32>,
        %parallel_loop3A_142 = arith.constant 18 : i32
        %parallel_loop3A_143 = vector.broadcast %parallel_loop3A_142 : i32 to vector<16xi32>
        %parallel_loop3A_144 = arith.muli %parallel_loop3A_141, %parallel_loop3A_143 : vector<16xi32>
        %parallel_loop3A_145 = arith.constant 0 : i32
        %parallel_loop3A_146 = vector.broadcast %parallel_loop3A_145 : i32 to vector<16xi32>
        %parallel_loop3A_147 = arith.addi %parallel_loop3A_144, %parallel_loop3A_146 : vector<16xi32>
        %parallel_loop3A_148 = tpu.vector_load_idx %arg5[%parallel_loop3A_147] : memref<1280xf32, #tpu.memory_space<vmem>>[vector<16xi32>], vector<16xf32>,
        %parallel_loop3A_149 = arith.constant 0 : i32
        %parallel_loop3A_150 = arith.index_cast %parallel_loop3A_149 : i32 to index
        %parallel_loop3A_151 = arith.index_cast %parallel_loop3A_120 : i32 to index
        %parallel_loop3A_152 = arith.index_cast %parallel_loop3A_138 : i32 to index
        %parallel_loop3A_153 = tpu.vector_load %arg9[%parallel_loop3A_150, %parallel_loop3A_151, %parallel_loop3A_152] {strides = array<i32>} : memref<18x8x128xf32, #tpu.memory_space<vmem>>, vector<16xf32>,
        tpu.vector_store %arg9[%parallel_loop3A_150, %parallel_loop3A_151, %parallel_loop3A_152], %parallel_loop3A_148 {strides = array<i32>} : memref<18x8x128xf32, #tpu.memory_space<vmem>>, vector<16xf32>,
        %parallel_loop3A_154 = arith.constant 1 : i32
        %parallel_loop3A_155 = vector.broadcast %parallel_loop3A_154 : i32 to vector<16xi32>
        %parallel_loop3A_156 = arith.addi %parallel_loop3A_144, %parallel_loop3A_155 : vector<16xi32>
        %parallel_loop3A_157 = tpu.vector_load_idx %arg5[%parallel_loop3A_156] : memref<1280xf32, #tpu.memory_space<vmem>>[vector<16xi32>], vector<16xf32>,
        %parallel_loop3A_158 = arith.constant 1 : i32
        %parallel_loop3A_159 = arith.index_cast %parallel_loop3A_158 : i32 to index
        %parallel_loop3A_160 = arith.index_cast %parallel_loop3A_120 : i32 to index
        %parallel_loop3A_161 = arith.index_cast %parallel_loop3A_138 : i32 to index
        %parallel_loop3A_162 = tpu.vector_load %arg9[%parallel_loop3A_159, %parallel_loop3A_160, %parallel_loop3A_161] {strides = array<i32>} : memref<18x8x128xf32, #tpu.memory_space<vmem>>, vector<16xf32>,
        tpu.vector_store %arg9[%parallel_loop3A_159, %parallel_loop3A_160, %parallel_loop3A_161], %parallel_loop3A_157 {strides = array<i32>} : memref<18x8x128xf32, #tpu.memory_space<vmem>>, vector<16xf32>,
        %parallel_loop3A_163 = arith.constant 2 : i32
        %parallel_loop3A_164 = vector.broadcast %parallel_loop3A_163 : i32 to vector<16xi32>
        %parallel_loop3A_165 = arith.addi %parallel_loop3A_144, %parallel_loop3A_164 : vector<16xi32>
        %parallel_loop3A_166 = tpu.vector_load_idx %arg5[%parallel_loop3A_165] : memref<1280xf32, #tpu.memory_space<vmem>>[vector<16xi32>], vector<16xf32>,
        %parallel_loop3A_167 = arith.constant 2 : i32
        %parallel_loop3A_168 = arith.index_cast %parallel_loop3A_167 : i32 to index
        %parallel_loop3A_169 = arith.index_cast %parallel_loop3A_120 : i32 to index
        %parallel_loop3A_170 = arith.index_cast %parallel_loop3A_138 : i32 to index
        %parallel_loop3A_171 = tpu.vector_load %arg9[%parallel_loop3A_168, %parallel_loop3A_169, %parallel_loop3A_170] {strides = array<i32>} : memref<18x8x128xf32, #tpu.memory_space<vmem>>, vector<16xf32>,
        tpu.vector_store %arg9[%parallel_loop3A_168, %parallel_loop3A_169, %parallel_loop3A_170], %parallel_loop3A_166 {strides = array<i32>} : memref<18x8x128xf32, #tpu.memory_space<vmem>>, vector<16xf32>,
        %parallel_loop3A_172 = arith.constant 3 : i32
        %parallel_loop3A_173 = vector.broadcast %parallel_loop3A_172 : i32 to vector<16xi32>
        %parallel_loop3A_174 = arith.addi %parallel_loop3A_144, %parallel_loop3A_173 : vector<16xi32>
        %parallel_loop3A_175 = tpu.vector_load_idx %arg5[%parallel_loop3A_174] : memref<1280xf32, #tpu.memory_space<vmem>>[vector<16xi32>], vector<16xf32>,
        %parallel_loop3A_176 = arith.constant 3 : i32
        %parallel_loop3A_177 = arith.index_cast %parallel_loop3A_176 : i32 to index
        %parallel_loop3A_178 = arith.index_cast %parallel_loop3A_120 : i32 to index
        %parallel_loop3A_179 = arith.index_cast %parallel_loop3A_138 : i32 to index
        %parallel_loop3A_180 = tpu.vector_load %arg9[%parallel_loop3A_177, %parallel_loop3A_178, %parallel_loop3A_179] {strides = array<i32>} : memref<18x8x128xf32, #tpu.memory_space<vmem>>, vector<16xf32>,
        tpu.vector_store %arg9[%parallel_loop3A_177, %parallel_loop3A_178, %parallel_loop3A_179], %parallel_loop3A_175 {strides = array<i32>} : memref<18x8x128xf32, #tpu.memory_space<vmem>>, vector<16xf32>,
        %parallel_loop3A_181 = arith.constant 4 : i32
        %parallel_loop3A_182 = vector.broadcast %parallel_loop3A_181 : i32 to vector<16xi32>
        %parallel_loop3A_183 = arith.addi %parallel_loop3A_144, %parallel_loop3A_182 : vector<16xi32>
        %parallel_loop3A_184 = tpu.vector_load_idx %arg5[%parallel_loop3A_183] : memref<1280xf32, #tpu.memory_space<vmem>>[vector<16xi32>], vector<16xf32>,
        %parallel_loop3A_185 = arith.constant 4 : i32
        %parallel_loop3A_186 = arith.index_cast %parallel_loop3A_185 : i32 to index
        %parallel_loop3A_187 = arith.index_cast %parallel_loop3A_120 : i32 to index
        %parallel_loop3A_188 = arith.index_cast %parallel_loop3A_138 : i32 to index
        %parallel_loop3A_189 = tpu.vector_load %arg9[%parallel_loop3A_186, %parallel_loop3A_187, %parallel_loop3A_188] {strides = array<i32>} : memref<18x8x128xf32, #tpu.memory_space<vmem>>, vector<16xf32>,
        tpu.vector_store %arg9[%parallel_loop3A_186, %parallel_loop3A_187, %parallel_loop3A_188], %parallel_loop3A_184 {strides = array<i32>} : memref<18x8x128xf32, #tpu.memory_space<vmem>>, vector<16xf32>,
        %parallel_loop3A_190 = arith.constant 5 : i32
        %parallel_loop3A_191 = vector.broadcast %parallel_loop3A_190 : i32 to vector<16xi32>
        %parallel_loop3A_192 = arith.addi %parallel_loop3A_144, %parallel_loop3A_191 : vector<16xi32>
        %parallel_loop3A_193 = tpu.vector_load_idx %arg5[%parallel_loop3A_192] : memref<1280xf32, #tpu.memory_space<vmem>>[vector<16xi32>], vector<16xf32>,
        %parallel_loop3A_194 = arith.constant 5 : i32
        %parallel_loop3A_195 = arith.index_cast %parallel_loop3A_194 : i32 to index
        %parallel_loop3A_196 = arith.index_cast %parallel_loop3A_120 : i32 to index
        %parallel_loop3A_197 = arith.index_cast %parallel_loop3A_138 : i32 to index
        %parallel_loop3A_198 = tpu.vector_load %arg9[%parallel_loop3A_195, %parallel_loop3A_196, %parallel_loop3A_197] {strides = array<i32>} : memref<18x8x128xf32, #tpu.memory_space<vmem>>, vector<16xf32>,
        tpu.vector_store %arg9[%parallel_loop3A_195, %parallel_loop3A_196, %parallel_loop3A_197], %parallel_loop3A_193 {strides = array<i32>} : memref<18x8x128xf32, #tpu.memory_space<vmem>>, vector<16xf32>,
        %parallel_loop3A_199 = arith.constant 6 : i32
        %parallel_loop3A_200 = vector.broadcast %parallel_loop3A_199 : i32 to vector<16xi32>
        %parallel_loop3A_201 = arith.addi %parallel_loop3A_144, %parallel_loop3A_200 : vector<16xi32>
        %parallel_loop3A_202 = tpu.vector_load_idx %arg5[%parallel_loop3A_201] : memref<1280xf32, #tpu.memory_space<vmem>>[vector<16xi32>], vector<16xf32>,
        %parallel_loop3A_203 = arith.constant 6 : i32
        %parallel_loop3A_204 = arith.index_cast %parallel_loop3A_203 : i32 to index
        %parallel_loop3A_205 = arith.index_cast %parallel_loop3A_120 : i32 to index
        %parallel_loop3A_206 = arith.index_cast %parallel_loop3A_138 : i32 to index
        %parallel_loop3A_207 = tpu.vector_load %arg9[%parallel_loop3A_204, %parallel_loop3A_205, %parallel_loop3A_206] {strides = array<i32>} : memref<18x8x128xf32, #tpu.memory_space<vmem>>, vector<16xf32>,
        tpu.vector_store %arg9[%parallel_loop3A_204, %parallel_loop3A_205, %parallel_loop3A_206], %parallel_loop3A_202 {strides = array<i32>} : memref<18x8x128xf32, #tpu.memory_space<vmem>>, vector<16xf32>,
        %parallel_loop3A_208 = arith.constant 7 : i32
        %parallel_loop3A_209 = vector.broadcast %parallel_loop3A_208 : i32 to vector<16xi32>
        %parallel_loop3A_210 = arith.addi %parallel_loop3A_144, %parallel_loop3A_209 : vector<16xi32>
        %parallel_loop3A_211 = tpu.vector_load_idx %arg5[%parallel_loop3A_210] : memref<1280xf32, #tpu.memory_space<vmem>>[vector<16xi32>], vector<16xf32>,
        %parallel_loop3A_212 = arith.constant 7 : i32
        %parallel_loop3A_213 = arith.index_cast %parallel_loop3A_212 : i32 to index
        %parallel_loop3A_214 = arith.index_cast %parallel_loop3A_120 : i32 to index
        %parallel_loop3A_215 = arith.index_cast %parallel_loop3A_138 : i32 to index
        %parallel_loop3A_216 = tpu.vector_load %arg9[%parallel_loop3A_213, %parallel_loop3A_214, %parallel_loop3A_215] {strides = array<i32>} : memref<18x8x128xf32, #tpu.memory_space<vmem>>, vector<16xf32>,
        tpu.vector_store %arg9[%parallel_loop3A_213, %parallel_loop3A_214, %parallel_loop3A_215], %parallel_loop3A_211 {strides = array<i32>} : memref<18x8x128xf32, #tpu.memory_space<vmem>>, vector<16xf32>,
        %parallel_loop3A_217 = arith.constant 8 : i32
        %parallel_loop3A_218 = vector.broadcast %parallel_loop3A_217 : i32 to vector<16xi32>
        %parallel_loop3A_219 = arith.addi %parallel_loop3A_144, %parallel_loop3A_218 : vector<16xi32>
        %parallel_loop3A_220 = tpu.vector_load_idx %arg5[%parallel_loop3A_219] : memref<1280xf32, #tpu.memory_space<vmem>>[vector<16xi32>], vector<16xf32>,
        %parallel_loop3A_221 = arith.constant 8 : i32
        %parallel_loop3A_222 = arith.index_cast %parallel_loop3A_221 : i32 to index
        %parallel_loop3A_223 = arith.index_cast %parallel_loop3A_120 : i32 to index
        %parallel_loop3A_224 = arith.index_cast %parallel_loop3A_138 : i32 to index
        %parallel_loop3A_225 = tpu.vector_load %arg9[%parallel_loop3A_222, %parallel_loop3A_223, %parallel_loop3A_224] {strides = array<i32>} : memref<18x8x128xf32, #tpu.memory_space<vmem>>, vector<16xf32>,
        tpu.vector_store %arg9[%parallel_loop3A_222, %parallel_loop3A_223, %parallel_loop3A_224], %parallel_loop3A_220 {strides = array<i32>} : memref<18x8x128xf32, #tpu.memory_space<vmem>>, vector<16xf32>,
        %parallel_loop3A_226 = arith.constant 9 : i32
        %parallel_loop3A_227 = vector.broadcast %parallel_loop3A_226 : i32 to vector<16xi32>
        %parallel_loop3A_228 = arith.addi %parallel_loop3A_144, %parallel_loop3A_227 : vector<16xi32>
        %parallel_loop3A_229 = tpu.vector_load_idx %arg5[%parallel_loop3A_228] : memref<1280xf32, #tpu.memory_space<vmem>>[vector<16xi32>], vector<16xf32>,
        %parallel_loop3A_230 = arith.constant 9 : i32
        %parallel_loop3A_231 = arith.index_cast %parallel_loop3A_230 : i32 to index
        %parallel_loop3A_232 = arith.index_cast %parallel_loop3A_120 : i32 to index
        %parallel_loop3A_233 = arith.index_cast %parallel_loop3A_138 : i32 to index
        %parallel_loop3A_234 = tpu.vector_load %arg9[%parallel_loop3A_231, %parallel_loop3A_232, %parallel_loop3A_233] {strides = array<i32>} : memref<18x8x128xf32, #tpu.memory_space<vmem>>, vector<16xf32>,
        tpu.vector_store %arg9[%parallel_loop3A_231, %parallel_loop3A_232, %parallel_loop3A_233], %parallel_loop3A_229 {strides = array<i32>} : memref<18x8x128xf32, #tpu.memory_space<vmem>>, vector<16xf32>,
        %parallel_loop3A_235 = arith.constant 10 : i32
        %parallel_loop3A_236 = vector.broadcast %parallel_loop3A_235 : i32 to vector<16xi32>
        %parallel_loop3A_237 = arith.addi %parallel_loop3A_144, %parallel_loop3A_236 : vector<16xi32>
        %parallel_loop3A_238 = tpu.vector_load_idx %arg5[%parallel_loop3A_237] : memref<1280xf32, #tpu.memory_space<vmem>>[vector<16xi32>], vector<16xf32>,
        %parallel_loop3A_239 = arith.constant 10 : i32
        %parallel_loop3A_240 = arith.index_cast %parallel_loop3A_239 : i32 to index
        %parallel_loop3A_241 = arith.index_cast %parallel_loop3A_120 : i32 to index
        %parallel_loop3A_242 = arith.index_cast %parallel_loop3A_138 : i32 to index
        %parallel_loop3A_243 = tpu.vector_load %arg9[%parallel_loop3A_240, %parallel_loop3A_241, %parallel_loop3A_242] {strides = array<i32>} : memref<18x8x128xf32, #tpu.memory_space<vmem>>, vector<16xf32>,
        tpu.vector_store %arg9[%parallel_loop3A_240, %parallel_loop3A_241, %parallel_loop3A_242], %parallel_loop3A_238 {strides = array<i32>} : memref<18x8x128xf32, #tpu.memory_space<vmem>>, vector<16xf32>,
        %parallel_loop3A_244 = arith.constant 11 : i32
        %parallel_loop3A_245 = vector.broadcast %parallel_loop3A_244 : i32 to vector<16xi32>
        %parallel_loop3A_246 = arith.addi %parallel_loop3A_144, %parallel_loop3A_245 : vector<16xi32>
        %parallel_loop3A_247 = tpu.vector_load_idx %arg5[%parallel_loop3A_246] : memref<1280xf32, #tpu.memory_space<vmem>>[vector<16xi32>], vector<16xf32>,
        %parallel_loop3A_248 = arith.constant 11 : i32
        %parallel_loop3A_249 = arith.index_cast %parallel_loop3A_248 : i32 to index
        %parallel_loop3A_250 = arith.index_cast %parallel_loop3A_120 : i32 to index
        %parallel_loop3A_251 = arith.index_cast %parallel_loop3A_138 : i32 to index
        %parallel_loop3A_252 = tpu.vector_load %arg9[%parallel_loop3A_249, %parallel_loop3A_250, %parallel_loop3A_251] {strides = array<i32>} : memref<18x8x128xf32, #tpu.memory_space<vmem>>, vector<16xf32>,
        tpu.vector_store %arg9[%parallel_loop3A_249, %parallel_loop3A_250, %parallel_loop3A_251], %parallel_loop3A_247 {strides = array<i32>} : memref<18x8x128xf32, #tpu.memory_space<vmem>>, vector<16xf32>,
        %parallel_loop3A_253 = arith.constant 12 : i32
        %parallel_loop3A_254 = vector.broadcast %parallel_loop3A_253 : i32 to vector<16xi32>
        %parallel_loop3A_255 = arith.addi %parallel_loop3A_144, %parallel_loop3A_254 : vector<16xi32>
        %parallel_loop3A_256 = tpu.vector_load_idx %arg5[%parallel_loop3A_255] : memref<1280xf32, #tpu.memory_space<vmem>>[vector<16xi32>], vector<16xf32>,
        %parallel_loop3A_257 = arith.constant 12 : i32
        %parallel_loop3A_258 = arith.index_cast %parallel_loop3A_257 : i32 to index
        %parallel_loop3A_259 = arith.index_cast %parallel_loop3A_120 : i32 to index
        %parallel_loop3A_260 = arith.index_cast %parallel_loop3A_138 : i32 to index
        %parallel_loop3A_261 = tpu.vector_load %arg9[%parallel_loop3A_258, %parallel_loop3A_259, %parallel_loop3A_260] {strides = array<i32>} : memref<18x8x128xf32, #tpu.memory_space<vmem>>, vector<16xf32>,
        tpu.vector_store %arg9[%parallel_loop3A_258, %parallel_loop3A_259, %parallel_loop3A_260], %parallel_loop3A_256 {strides = array<i32>} : memref<18x8x128xf32, #tpu.memory_space<vmem>>, vector<16xf32>,
        %parallel_loop3A_262 = arith.constant 13 : i32
        %parallel_loop3A_263 = vector.broadcast %parallel_loop3A_262 : i32 to vector<16xi32>
        %parallel_loop3A_264 = arith.addi %parallel_loop3A_144, %parallel_loop3A_263 : vector<16xi32>
        %parallel_loop3A_265 = tpu.vector_load_idx %arg5[%parallel_loop3A_264] : memref<1280xf32, #tpu.memory_space<vmem>>[vector<16xi32>], vector<16xf32>,
        %parallel_loop3A_266 = arith.constant 13 : i32
        %parallel_loop3A_267 = arith.index_cast %parallel_loop3A_266 : i32 to index
        %parallel_loop3A_268 = arith.index_cast %parallel_loop3A_120 : i32 to index
        %parallel_loop3A_269 = arith.index_cast %parallel_loop3A_138 : i32 to index
        %parallel_loop3A_270 = tpu.vector_load %arg9[%parallel_loop3A_267, %parallel_loop3A_268, %parallel_loop3A_269] {strides = array<i32>} : memref<18x8x128xf32, #tpu.memory_space<vmem>>, vector<16xf32>,
        tpu.vector_store %arg9[%parallel_loop3A_267, %parallel_loop3A_268, %parallel_loop3A_269], %parallel_loop3A_265 {strides = array<i32>} : memref<18x8x128xf32, #tpu.memory_space<vmem>>, vector<16xf32>,
        %parallel_loop3A_271 = arith.constant 14 : i32
        %parallel_loop3A_272 = vector.broadcast %parallel_loop3A_271 : i32 to vector<16xi32>
        %parallel_loop3A_273 = arith.addi %parallel_loop3A_144, %parallel_loop3A_272 : vector<16xi32>
        %parallel_loop3A_274 = tpu.vector_load_idx %arg5[%parallel_loop3A_273] : memref<1280xf32, #tpu.memory_space<vmem>>[vector<16xi32>], vector<16xf32>,
        %parallel_loop3A_275 = arith.constant 14 : i32
        %parallel_loop3A_276 = arith.index_cast %parallel_loop3A_275 : i32 to index
        %parallel_loop3A_277 = arith.index_cast %parallel_loop3A_120 : i32 to index
        %parallel_loop3A_278 = arith.index_cast %parallel_loop3A_138 : i32 to index
        %parallel_loop3A_279 = tpu.vector_load %arg9[%parallel_loop3A_276, %parallel_loop3A_277, %parallel_loop3A_278] {strides = array<i32>} : memref<18x8x128xf32, #tpu.memory_space<vmem>>, vector<16xf32>,
        tpu.vector_store %arg9[%parallel_loop3A_276, %parallel_loop3A_277, %parallel_loop3A_278], %parallel_loop3A_274 {strides = array<i32>} : memref<18x8x128xf32, #tpu.memory_space<vmem>>, vector<16xf32>,
        %parallel_loop3A_280 = arith.constant 15 : i32
        %parallel_loop3A_281 = vector.broadcast %parallel_loop3A_280 : i32 to vector<16xi32>
        %parallel_loop3A_282 = arith.addi %parallel_loop3A_144, %parallel_loop3A_281 : vector<16xi32>
        %parallel_loop3A_283 = tpu.vector_load_idx %arg5[%parallel_loop3A_282] : memref<1280xf32, #tpu.memory_space<vmem>>[vector<16xi32>], vector<16xf32>,
        %parallel_loop3A_284 = arith.constant 15 : i32
        %parallel_loop3A_285 = arith.index_cast %parallel_loop3A_284 : i32 to index
        %parallel_loop3A_286 = arith.index_cast %parallel_loop3A_120 : i32 to index
        %parallel_loop3A_287 = arith.index_cast %parallel_loop3A_138 : i32 to index
        %parallel_loop3A_288 = tpu.vector_load %arg9[%parallel_loop3A_285, %parallel_loop3A_286, %parallel_loop3A_287] {strides = array<i32>} : memref<18x8x128xf32, #tpu.memory_space<vmem>>, vector<16xf32>,
        tpu.vector_store %arg9[%parallel_loop3A_285, %parallel_loop3A_286, %parallel_loop3A_287], %parallel_loop3A_283 {strides = array<i32>} : memref<18x8x128xf32, #tpu.memory_space<vmem>>, vector<16xf32>,
        %parallel_loop3A_289 = arith.constant 16 : i32
        %parallel_loop3A_290 = vector.broadcast %parallel_loop3A_289 : i32 to vector<16xi32>
        %parallel_loop3A_291 = arith.addi %parallel_loop3A_144, %parallel_loop3A_290 : vector<16xi32>
        %parallel_loop3A_292 = tpu.vector_load_idx %arg5[%parallel_loop3A_291] : memref<1280xf32, #tpu.memory_space<vmem>>[vector<16xi32>], vector<16xf32>,
        %parallel_loop3A_293 = arith.constant 16 : i32
        %parallel_loop3A_294 = arith.index_cast %parallel_loop3A_293 : i32 to index
        %parallel_loop3A_295 = arith.index_cast %parallel_loop3A_120 : i32 to index
        %parallel_loop3A_296 = arith.index_cast %parallel_loop3A_138 : i32 to index
        %parallel_loop3A_297 = tpu.vector_load %arg9[%parallel_loop3A_294, %parallel_loop3A_295, %parallel_loop3A_296] {strides = array<i32>} : memref<18x8x128xf32, #tpu.memory_space<vmem>>, vector<16xf32>,
        tpu.vector_store %arg9[%parallel_loop3A_294, %parallel_loop3A_295, %parallel_loop3A_296], %parallel_loop3A_292 {strides = array<i32>} : memref<18x8x128xf32, #tpu.memory_space<vmem>>, vector<16xf32>,
        %parallel_loop3A_298 = arith.constant 17 : i32
        %parallel_loop3A_299 = vector.broadcast %parallel_loop3A_298 : i32 to vector<16xi32>
        %parallel_loop3A_300 = arith.addi %parallel_loop3A_144, %parallel_loop3A_299 : vector<16xi32>
        %parallel_loop3A_301 = tpu.vector_load_idx %arg5[%parallel_loop3A_300] : memref<1280xf32, #tpu.memory_space<vmem>>[vector<16xi32>], vector<16xf32>,
        %parallel_loop3A_302 = arith.constant 17 : i32
        %parallel_loop3A_303 = arith.index_cast %parallel_loop3A_302 : i32 to index
        %parallel_loop3A_304 = arith.index_cast %parallel_loop3A_120 : i32 to index
        %parallel_loop3A_305 = arith.index_cast %parallel_loop3A_138 : i32 to index
        %parallel_loop3A_306 = tpu.vector_load %arg9[%parallel_loop3A_303, %parallel_loop3A_304, %parallel_loop3A_305] {strides = array<i32>} : memref<18x8x128xf32, #tpu.memory_space<vmem>>, vector<16xf32>,
        tpu.vector_store %arg9[%parallel_loop3A_303, %parallel_loop3A_304, %parallel_loop3A_305], %parallel_loop3A_301 {strides = array<i32>} : memref<18x8x128xf32, #tpu.memory_space<vmem>>, vector<16xf32>,
      } {sc.loop_unroll_factor = 2 : i64, sc.parallel_access}
      %dma_start3A_87 = arith.constant 0 : i32
      %dma_start3A_88 = tpu.memref_slice %arg4[%dma_start3A_87, %mul3A_62, %add3A_6] : memref<18x200x16384xf32, #tpu.memory_space<hbm>> -> memref<18x8x128xf32, #tpu.memory_space<hbm>>
      %dma_start3A_89 = arith.constant 0 : i32
      %dma_start3A_90 = tpu.memref_slice %arg4[%dma_start3A_89, %mul3A_62, %add3A_6] : memref<18x200x16384xf32, #tpu.memory_space<hbm>> -> memref<18x8x128xf32, #tpu.memory_space<hbm>>
      tpu.enqueue_dma source(%arg9 : memref<18x8x128xf32, #tpu.memory_space<vmem>>) target(%dma_start3A_90 : memref<18x8x128xf32, #tpu.memory_space<hbm>>) target_semaphore(%arg13 : memref<!tpu.dma_semaphore, #tpu.memory_space<semaphore_mem>>)
      %lt3A_91 = arith.constant 24 : i32
      %lt3A_92 = arith.cmpi slt, %scan3A_60, %lt3A_91 : i32
      %convert_element_type3A_93 = arith.extui %lt3A_92 : i1 to i32
      %cond3A_94 = arith.constant 0 : i32
      %cond3A_95 = arith.cmpi ne, %convert_element_type3A_93, %cond3A_94 : i32
      scf.if %cond3A_95 {
        %add3A_96 = arith.constant 8 : i32
        %add3A_97 = arith.addi %mul3A_62, %add3A_96 : i32
        %dma_start3A_98 = tpu.memref_slice %arg2[%add3A_97, %add3A_6] : memref<200x16384xi32, #tpu.memory_space<hbm>> -> memref<8x128xi32, #tpu.memory_space<hbm>>
        %dma_start3A_99 = tpu.memref_slice %arg2[%add3A_97, %add3A_6] : memref<200x16384xi32, #tpu.memory_space<hbm>> -> memref<8x128xi32, #tpu.memory_space<hbm>>
        tpu.enqueue_dma source(%dma_start3A_99 : memref<8x128xi32, #tpu.memory_space<hbm>>) target(%arg7 : memref<8x128xi32, #tpu.memory_space<vmem>>) target_semaphore(%arg11 : memref<!tpu.dma_semaphore, #tpu.memory_space<semaphore_mem>>)
      } else {
      }
    }
    %scan3A_18 = arith.constant 25 : i32
    %dma_wait3A = arith.constant 0 : i32
    %dma_wait3A_19 = arith.constant 0 : i32
    %dma_wait3A_20 = tpu.memref_slice %arg4[%dma_wait3A, %dma_wait3A_19, %add3A_4] : memref<18x200x16384xf32, #tpu.memory_space<hbm>> -> memref<18x8x128xf32, #tpu.memory_space<hbm>>
    %dma_wait3A_21 = arith.constant 0 : i32
    %dma_wait3A_22 = arith.constant 0 : i32
    %dma_wait3A_23 = tpu.memref_slice %arg4[%dma_wait3A_21, %dma_wait3A_22, %add3A_4] : memref<18x200x16384xf32, #tpu.memory_space<hbm>> -> memref<18x8x128xf32, #tpu.memory_space<hbm>>
    tpu.wait_dma2 semaphore(%arg12 : memref<!tpu.dma_semaphore, #tpu.memory_space<semaphore_mem>>) src(%arg8 : memref<18x8x128xf32, #tpu.memory_space<vmem>>) dst(%dma_wait3A_23 : memref<18x8x128xf32, #tpu.memory_space<hbm>>)
    %dma_wait3A_24 = arith.constant 0 : i32
    %dma_wait3A_25 = arith.constant 0 : i32
    %dma_wait3A_26 = tpu.memref_slice %arg4[%dma_wait3A_24, %dma_wait3A_25, %add3A_6] : memref<18x200x16384xf32, #tpu.memory_space<hbm>> -> memref<18x8x128xf32, #tpu.memory_space<hbm>>
    %dma_wait3A_27 = arith.constant 0 : i32
    %dma_wait3A_28 = arith.constant 0 : i32
    %dma_wait3A_29 = tpu.memref_slice %arg4[%dma_wait3A_27, %dma_wait3A_28, %add3A_6] : memref<18x200x16384xf32, #tpu.memory_space<hbm>> -> memref<18x8x128xf32, #tpu.memory_space<hbm>>
    tpu.wait_dma2 semaphore(%arg13 : memref<!tpu.dma_semaphore, #tpu.memory_space<semaphore_mem>>) src(%arg9 : memref<18x8x128xf32, #tpu.memory_space<vmem>>) dst(%dma_wait3A_29 : memref<18x8x128xf32, #tpu.memory_space<hbm>>)
    %add3A_30 = arith.constant 256 : i32
    %add3A_31 = arith.addi %mul3A_2, %add3A_30 : i32
    %add3A_32 = arith.constant 384 : i32
    %add3A_33 = arith.addi %mul3A_2, %add3A_32 : i32
    %dma_start3A_34 = arith.constant 0 : i32
    %dma_start3A_35 = tpu.memref_slice %arg2[%dma_start3A_34, %add3A_31] : memref<200x16384xi32, #tpu.memory_space<hbm>> -> memref<8x128xi32, #tpu.memory_space<hbm>>
    %dma_start3A_36 = arith.constant 0 : i32
    %dma_start3A_37 = tpu.memref_slice %arg2[%dma_start3A_36, %add3A_31] : memref<200x16384xi32, #tpu.memory_space<hbm>> -> memref<8x128xi32, #tpu.memory_space<hbm>>
    tpu.enqueue_dma source(%dma_start3A_37 : memref<8x128xi32, #tpu.memory_space<hbm>>) target(%arg6 : memref<8x128xi32, #tpu.memory_space<vmem>>) target_semaphore(%arg10 : memref<!tpu.dma_semaphore, #tpu.memory_space<semaphore_mem>>)
    %dma_start3A_38 = arith.constant 0 : i32
    %dma_start3A_39 = tpu.memref_slice %arg2[%dma_start3A_38, %add3A_33] : memref<200x16384xi32, #tpu.memory_space<hbm>> -> memref<8x128xi32, #tpu.memory_space<hbm>>
    %dma_start3A_40 = arith.constant 0 : i32
    %dma_start3A_41 = tpu.memref_slice %arg2[%dma_start3A_40, %add3A_33] : memref<200x16384xi32, #tpu.memory_space<hbm>> -> memref<8x128xi32, #tpu.memory_space<hbm>>
    tpu.enqueue_dma source(%dma_start3A_41 : memref<8x128xi32, #tpu.memory_space<hbm>>) target(%arg7 : memref<8x128xi32, #tpu.memory_space<vmem>>) target_semaphore(%arg11 : memref<!tpu.dma_semaphore, #tpu.memory_space<semaphore_mem>>)
    %scan3A_42 = arith.constant 0 : i32
    %scan3A_43 = arith.constant 0 : i32
    %scan3A_44 = arith.constant 25 : i32
    %scan3A_45 = arith.addi %scan3A_43, %scan3A_44 : i32
    %scan3A_46 = arith.constant 1 : i32
    scf.for %scan3A_60 = %scan3A_43 to %scan3A_45 step %scan3A_46  : i32 {
      %mul3A_61 = arith.constant 8 : i32
      %mul3A_62 = arith.muli %scan3A_60, %mul3A_61 : i32
      %dma_wait3A_63 = tpu.memref_slice %arg2[%mul3A_62, %add3A_31] : memref<200x16384xi32, #tpu.memory_space<hbm>> -> memref<8x128xi32, #tpu.memory_space<hbm>>
      %dma_wait3A_64 = tpu.memref_slice %arg2[%mul3A_62, %add3A_31] : memref<200x16384xi32, #tpu.memory_space<hbm>> -> memref<8x128xi32, #tpu.memory_space<hbm>>
      tpu.wait_dma2 semaphore(%arg10 : memref<!tpu.dma_semaphore, #tpu.memory_space<semaphore_mem>>) src(%dma_wait3A_64 : memref<8x128xi32, #tpu.memory_space<hbm>>) dst(%arg6 : memref<8x128xi32, #tpu.memory_space<vmem>>)
      %ge3A = arith.constant 1 : i32
      %ge3A_65 = arith.cmpi sge, %scan3A_60, %ge3A : i32
      %convert_element_type3A = arith.extui %ge3A_65 : i1 to i32
      %cond3A = arith.constant 0 : i32
      %cond3A_66 = arith.cmpi ne, %convert_element_type3A, %cond3A : i32
      scf.if %cond3A_66 {
        %dma_wait3A_96 = arith.constant 0 : i32
        %dma_wait3A_97 = tpu.memref_slice %arg4[%dma_wait3A_96, %mul3A_62, %add3A_31] : memref<18x200x16384xf32, #tpu.memory_space<hbm>> -> memref<18x8x128xf32, #tpu.memory_space<hbm>>
        %dma_wait3A_98 = arith.constant 0 : i32
        %dma_wait3A_99 = tpu.memref_slice %arg4[%dma_wait3A_98, %mul3A_62, %add3A_31] : memref<18x200x16384xf32, #tpu.memory_space<hbm>> -> memref<18x8x128xf32, #tpu.memory_space<hbm>>
        tpu.wait_dma2 semaphore(%arg12 : memref<!tpu.dma_semaphore, #tpu.memory_space<semaphore_mem>>) src(%arg8 : memref<18x8x128xf32, #tpu.memory_space<vmem>>) dst(%dma_wait3A_99 : memref<18x8x128xf32, #tpu.memory_space<hbm>>)
      } else {
      }
      %parallel_loop3A = arith.constant 0 : i32
      %parallel_loop3A_67 = arith.constant 64 : i32
      %parallel_loop3A_68 = arith.constant 1 : i32
      scf.for %parallel_loop3A_96 = %parallel_loop3A to %parallel_loop3A_67 step %parallel_loop3A_68  : i32 {
        %parallel_loop3A_97 = arith.constant 8 : i32
        %parallel_loop3A_98 = arith.divsi %parallel_loop3A_96, %parallel_loop3A_97 : i32
        %parallel_loop3A_99 = arith.constant 0 : i32
        %parallel_loop3A_100 = arith.cmpi sgt, %parallel_loop3A_96, %parallel_loop3A_99 : i32
        %parallel_loop3A_101 = arith.extui %parallel_loop3A_100 : i1 to i32
        %parallel_loop3A_102 = arith.constant 0 : i32
        %parallel_loop3A_103 = arith.cmpi slt, %parallel_loop3A_96, %parallel_loop3A_102 : i32
        %parallel_loop3A_104 = arith.extui %parallel_loop3A_103 : i1 to i32
        %parallel_loop3A_105 = arith.subi %parallel_loop3A_101, %parallel_loop3A_104 : i32
        %parallel_loop3A_106 = arith.constant 0 : i32
        %parallel_loop3A_107 = arith.cmpi sgt, %parallel_loop3A_97, %parallel_loop3A_106 : i32
        %parallel_loop3A_108 = arith.extui %parallel_loop3A_107 : i1 to i32
        %parallel_loop3A_109 = arith.constant 0 : i32
        %parallel_loop3A_110 = arith.cmpi slt, %parallel_loop3A_97, %parallel_loop3A_109 : i32
        %parallel_loop3A_111 = arith.extui %parallel_loop3A_110 : i1 to i32
        %parallel_loop3A_112 = arith.subi %parallel_loop3A_108, %parallel_loop3A_111 : i32
        %parallel_loop3A_113 = arith.cmpi ne, %parallel_loop3A_105, %parallel_loop3A_112 : i32
        %parallel_loop3A_114 = arith.remsi %parallel_loop3A_96, %parallel_loop3A_97 : i32
        %parallel_loop3A_115 = arith.constant 0 : i32
        %parallel_loop3A_116 = arith.cmpi ne, %parallel_loop3A_114, %parallel_loop3A_115 : i32
        %parallel_loop3A_117 = arith.andi %parallel_loop3A_113, %parallel_loop3A_116 : i1
        %parallel_loop3A_118 = arith.constant 1 : i32
        %parallel_loop3A_119 = arith.subi %parallel_loop3A_98, %parallel_loop3A_118 : i32
        %parallel_loop3A_120 = arith.select %parallel_loop3A_117, %parallel_loop3A_119, %parallel_loop3A_98 : i32
        %parallel_loop3A_121 = arith.constant 8 : i32
        %parallel_loop3A_122 = arith.constant 0 : i32
        %parallel_loop3A_123 = arith.cmpi eq, %parallel_loop3A_121, %parallel_loop3A_122 : i32
        %parallel_loop3A_124 = arith.constant 1 : i32
        %parallel_loop3A_125 = arith.select %parallel_loop3A_123, %parallel_loop3A_124, %parallel_loop3A_121 : i32
        %parallel_loop3A_126 = arith.remsi %parallel_loop3A_96, %parallel_loop3A_125 : i32
        %parallel_loop3A_127 = arith.constant 0 : i32
        %parallel_loop3A_128 = arith.cmpi ne, %parallel_loop3A_126, %parallel_loop3A_127 : i32
        %parallel_loop3A_129 = arith.constant 0 : i32
        %parallel_loop3A_130 = arith.cmpi slt, %parallel_loop3A_126, %parallel_loop3A_129 : i32
        %parallel_loop3A_131 = arith.constant 0 : i32
        %parallel_loop3A_132 = arith.cmpi slt, %parallel_loop3A_125, %parallel_loop3A_131 : i32
        %parallel_loop3A_133 = arith.xori %parallel_loop3A_130, %parallel_loop3A_132 : i1
        %parallel_loop3A_134 = arith.andi %parallel_loop3A_133, %parallel_loop3A_128 : i1
        %parallel_loop3A_135 = arith.addi %parallel_loop3A_126, %parallel_loop3A_125 : i32
        %parallel_loop3A_136 = arith.select %parallel_loop3A_134, %parallel_loop3A_135, %parallel_loop3A_126 : i32
        %parallel_loop3A_137 = arith.constant 16 : i32
        %parallel_loop3A_138 = arith.muli %parallel_loop3A_136, %parallel_loop3A_137 : i32
        %parallel_loop3A_139 = arith.index_cast %parallel_loop3A_120 : i32 to index
        %parallel_loop3A_140 = arith.index_cast %parallel_loop3A_138 : i32 to index
        %parallel_loop3A_141 = tpu.vector_load %arg6[%parallel_loop3A_139, %parallel_loop3A_140] {strides = array<i32>} : memref<8x128xi32, #tpu.memory_space<vmem>>, vector<16xi32>,
        %parallel_loop3A_142 = arith.constant 18 : i32
        %parallel_loop3A_143 = vector.broadcast %parallel_loop3A_142 : i32 to vector<16xi32>
        %parallel_loop3A_144 = arith.muli %parallel_loop3A_141, %parallel_loop3A_143 : vector<16xi32>
        %parallel_loop3A_145 = arith.constant 0 : i32
        %parallel_loop3A_146 = vector.broadcast %parallel_loop3A_145 : i32 to vector<16xi32>
        %parallel_loop3A_147 = arith.addi %parallel_loop3A_144, %parallel_loop3A_146 : vector<16xi32>
        %parallel_loop3A_148 = tpu.vector_load_idx %arg5[%parallel_loop3A_147] : memref<1280xf32, #tpu.memory_space<vmem>>[vector<16xi32>], vector<16xf32>,
        %parallel_loop3A_149 = arith.constant 0 : i32
        %parallel_loop3A_150 = arith.index_cast %parallel_loop3A_149 : i32 to index
        %parallel_loop3A_151 = arith.index_cast %parallel_loop3A_120 : i32 to index
        %parallel_loop3A_152 = arith.index_cast %parallel_loop3A_138 : i32 to index
        %parallel_loop3A_153 = tpu.vector_load %arg8[%parallel_loop3A_150, %parallel_loop3A_151, %parallel_loop3A_152] {strides = array<i32>} : memref<18x8x128xf32, #tpu.memory_space<vmem>>, vector<16xf32>,
        tpu.vector_store %arg8[%parallel_loop3A_150, %parallel_loop3A_151, %parallel_loop3A_152], %parallel_loop3A_148 {strides = array<i32>} : memref<18x8x128xf32, #tpu.memory_space<vmem>>, vector<16xf32>,
        %parallel_loop3A_154 = arith.constant 1 : i32
        %parallel_loop3A_155 = vector.broadcast %parallel_loop3A_154 : i32 to vector<16xi32>
        %parallel_loop3A_156 = arith.addi %parallel_loop3A_144, %parallel_loop3A_155 : vector<16xi32>
        %parallel_loop3A_157 = tpu.vector_load_idx %arg5[%parallel_loop3A_156] : memref<1280xf32, #tpu.memory_space<vmem>>[vector<16xi32>], vector<16xf32>,
        %parallel_loop3A_158 = arith.constant 1 : i32
        %parallel_loop3A_159 = arith.index_cast %parallel_loop3A_158 : i32 to index
        %parallel_loop3A_160 = arith.index_cast %parallel_loop3A_120 : i32 to index
        %parallel_loop3A_161 = arith.index_cast %parallel_loop3A_138 : i32 to index
        %parallel_loop3A_162 = tpu.vector_load %arg8[%parallel_loop3A_159, %parallel_loop3A_160, %parallel_loop3A_161] {strides = array<i32>} : memref<18x8x128xf32, #tpu.memory_space<vmem>>, vector<16xf32>,
        tpu.vector_store %arg8[%parallel_loop3A_159, %parallel_loop3A_160, %parallel_loop3A_161], %parallel_loop3A_157 {strides = array<i32>} : memref<18x8x128xf32, #tpu.memory_space<vmem>>, vector<16xf32>,
        %parallel_loop3A_163 = arith.constant 2 : i32
        %parallel_loop3A_164 = vector.broadcast %parallel_loop3A_163 : i32 to vector<16xi32>
        %parallel_loop3A_165 = arith.addi %parallel_loop3A_144, %parallel_loop3A_164 : vector<16xi32>
        %parallel_loop3A_166 = tpu.vector_load_idx %arg5[%parallel_loop3A_165] : memref<1280xf32, #tpu.memory_space<vmem>>[vector<16xi32>], vector<16xf32>,
        %parallel_loop3A_167 = arith.constant 2 : i32
        %parallel_loop3A_168 = arith.index_cast %parallel_loop3A_167 : i32 to index
        %parallel_loop3A_169 = arith.index_cast %parallel_loop3A_120 : i32 to index
        %parallel_loop3A_170 = arith.index_cast %parallel_loop3A_138 : i32 to index
        %parallel_loop3A_171 = tpu.vector_load %arg8[%parallel_loop3A_168, %parallel_loop3A_169, %parallel_loop3A_170] {strides = array<i32>} : memref<18x8x128xf32, #tpu.memory_space<vmem>>, vector<16xf32>,
        tpu.vector_store %arg8[%parallel_loop3A_168, %parallel_loop3A_169, %parallel_loop3A_170], %parallel_loop3A_166 {strides = array<i32>} : memref<18x8x128xf32, #tpu.memory_space<vmem>>, vector<16xf32>,
        %parallel_loop3A_172 = arith.constant 3 : i32
        %parallel_loop3A_173 = vector.broadcast %parallel_loop3A_172 : i32 to vector<16xi32>
        %parallel_loop3A_174 = arith.addi %parallel_loop3A_144, %parallel_loop3A_173 : vector<16xi32>
        %parallel_loop3A_175 = tpu.vector_load_idx %arg5[%parallel_loop3A_174] : memref<1280xf32, #tpu.memory_space<vmem>>[vector<16xi32>], vector<16xf32>,
        %parallel_loop3A_176 = arith.constant 3 : i32
        %parallel_loop3A_177 = arith.index_cast %parallel_loop3A_176 : i32 to index
        %parallel_loop3A_178 = arith.index_cast %parallel_loop3A_120 : i32 to index
        %parallel_loop3A_179 = arith.index_cast %parallel_loop3A_138 : i32 to index
        %parallel_loop3A_180 = tpu.vector_load %arg8[%parallel_loop3A_177, %parallel_loop3A_178, %parallel_loop3A_179] {strides = array<i32>} : memref<18x8x128xf32, #tpu.memory_space<vmem>>, vector<16xf32>,
        tpu.vector_store %arg8[%parallel_loop3A_177, %parallel_loop3A_178, %parallel_loop3A_179], %parallel_loop3A_175 {strides = array<i32>} : memref<18x8x128xf32, #tpu.memory_space<vmem>>, vector<16xf32>,
        %parallel_loop3A_181 = arith.constant 4 : i32
        %parallel_loop3A_182 = vector.broadcast %parallel_loop3A_181 : i32 to vector<16xi32>
        %parallel_loop3A_183 = arith.addi %parallel_loop3A_144, %parallel_loop3A_182 : vector<16xi32>
        %parallel_loop3A_184 = tpu.vector_load_idx %arg5[%parallel_loop3A_183] : memref<1280xf32, #tpu.memory_space<vmem>>[vector<16xi32>], vector<16xf32>,
        %parallel_loop3A_185 = arith.constant 4 : i32
        %parallel_loop3A_186 = arith.index_cast %parallel_loop3A_185 : i32 to index
        %parallel_loop3A_187 = arith.index_cast %parallel_loop3A_120 : i32 to index
        %parallel_loop3A_188 = arith.index_cast %parallel_loop3A_138 : i32 to index
        %parallel_loop3A_189 = tpu.vector_load %arg8[%parallel_loop3A_186, %parallel_loop3A_187, %parallel_loop3A_188] {strides = array<i32>} : memref<18x8x128xf32, #tpu.memory_space<vmem>>, vector<16xf32>,
        tpu.vector_store %arg8[%parallel_loop3A_186, %parallel_loop3A_187, %parallel_loop3A_188], %parallel_loop3A_184 {strides = array<i32>} : memref<18x8x128xf32, #tpu.memory_space<vmem>>, vector<16xf32>,
        %parallel_loop3A_190 = arith.constant 5 : i32
        %parallel_loop3A_191 = vector.broadcast %parallel_loop3A_190 : i32 to vector<16xi32>
        %parallel_loop3A_192 = arith.addi %parallel_loop3A_144, %parallel_loop3A_191 : vector<16xi32>
        %parallel_loop3A_193 = tpu.vector_load_idx %arg5[%parallel_loop3A_192] : memref<1280xf32, #tpu.memory_space<vmem>>[vector<16xi32>], vector<16xf32>,
        %parallel_loop3A_194 = arith.constant 5 : i32
        %parallel_loop3A_195 = arith.index_cast %parallel_loop3A_194 : i32 to index
        %parallel_loop3A_196 = arith.index_cast %parallel_loop3A_120 : i32 to index
        %parallel_loop3A_197 = arith.index_cast %parallel_loop3A_138 : i32 to index
        %parallel_loop3A_198 = tpu.vector_load %arg8[%parallel_loop3A_195, %parallel_loop3A_196, %parallel_loop3A_197] {strides = array<i32>} : memref<18x8x128xf32, #tpu.memory_space<vmem>>, vector<16xf32>,
        tpu.vector_store %arg8[%parallel_loop3A_195, %parallel_loop3A_196, %parallel_loop3A_197], %parallel_loop3A_193 {strides = array<i32>} : memref<18x8x128xf32, #tpu.memory_space<vmem>>, vector<16xf32>,
        %parallel_loop3A_199 = arith.constant 6 : i32
        %parallel_loop3A_200 = vector.broadcast %parallel_loop3A_199 : i32 to vector<16xi32>
        %parallel_loop3A_201 = arith.addi %parallel_loop3A_144, %parallel_loop3A_200 : vector<16xi32>
        %parallel_loop3A_202 = tpu.vector_load_idx %arg5[%parallel_loop3A_201] : memref<1280xf32, #tpu.memory_space<vmem>>[vector<16xi32>], vector<16xf32>,
        %parallel_loop3A_203 = arith.constant 6 : i32
        %parallel_loop3A_204 = arith.index_cast %parallel_loop3A_203 : i32 to index
        %parallel_loop3A_205 = arith.index_cast %parallel_loop3A_120 : i32 to index
        %parallel_loop3A_206 = arith.index_cast %parallel_loop3A_138 : i32 to index
        %parallel_loop3A_207 = tpu.vector_load %arg8[%parallel_loop3A_204, %parallel_loop3A_205, %parallel_loop3A_206] {strides = array<i32>} : memref<18x8x128xf32, #tpu.memory_space<vmem>>, vector<16xf32>,
        tpu.vector_store %arg8[%parallel_loop3A_204, %parallel_loop3A_205, %parallel_loop3A_206], %parallel_loop3A_202 {strides = array<i32>} : memref<18x8x128xf32, #tpu.memory_space<vmem>>, vector<16xf32>,
        %parallel_loop3A_208 = arith.constant 7 : i32
        %parallel_loop3A_209 = vector.broadcast %parallel_loop3A_208 : i32 to vector<16xi32>
        %parallel_loop3A_210 = arith.addi %parallel_loop3A_144, %parallel_loop3A_209 : vector<16xi32>
        %parallel_loop3A_211 = tpu.vector_load_idx %arg5[%parallel_loop3A_210] : memref<1280xf32, #tpu.memory_space<vmem>>[vector<16xi32>], vector<16xf32>,
        %parallel_loop3A_212 = arith.constant 7 : i32
        %parallel_loop3A_213 = arith.index_cast %parallel_loop3A_212 : i32 to index
        %parallel_loop3A_214 = arith.index_cast %parallel_loop3A_120 : i32 to index
        %parallel_loop3A_215 = arith.index_cast %parallel_loop3A_138 : i32 to index
        %parallel_loop3A_216 = tpu.vector_load %arg8[%parallel_loop3A_213, %parallel_loop3A_214, %parallel_loop3A_215] {strides = array<i32>} : memref<18x8x128xf32, #tpu.memory_space<vmem>>, vector<16xf32>,
        tpu.vector_store %arg8[%parallel_loop3A_213, %parallel_loop3A_214, %parallel_loop3A_215], %parallel_loop3A_211 {strides = array<i32>} : memref<18x8x128xf32, #tpu.memory_space<vmem>>, vector<16xf32>,
        %parallel_loop3A_217 = arith.constant 8 : i32
        %parallel_loop3A_218 = vector.broadcast %parallel_loop3A_217 : i32 to vector<16xi32>
        %parallel_loop3A_219 = arith.addi %parallel_loop3A_144, %parallel_loop3A_218 : vector<16xi32>
        %parallel_loop3A_220 = tpu.vector_load_idx %arg5[%parallel_loop3A_219] : memref<1280xf32, #tpu.memory_space<vmem>>[vector<16xi32>], vector<16xf32>,
        %parallel_loop3A_221 = arith.constant 8 : i32
        %parallel_loop3A_222 = arith.index_cast %parallel_loop3A_221 : i32 to index
        %parallel_loop3A_223 = arith.index_cast %parallel_loop3A_120 : i32 to index
        %parallel_loop3A_224 = arith.index_cast %parallel_loop3A_138 : i32 to index
        %parallel_loop3A_225 = tpu.vector_load %arg8[%parallel_loop3A_222, %parallel_loop3A_223, %parallel_loop3A_224] {strides = array<i32>} : memref<18x8x128xf32, #tpu.memory_space<vmem>>, vector<16xf32>,
        tpu.vector_store %arg8[%parallel_loop3A_222, %parallel_loop3A_223, %parallel_loop3A_224], %parallel_loop3A_220 {strides = array<i32>} : memref<18x8x128xf32, #tpu.memory_space<vmem>>, vector<16xf32>,
        %parallel_loop3A_226 = arith.constant 9 : i32
        %parallel_loop3A_227 = vector.broadcast %parallel_loop3A_226 : i32 to vector<16xi32>
        %parallel_loop3A_228 = arith.addi %parallel_loop3A_144, %parallel_loop3A_227 : vector<16xi32>
        %parallel_loop3A_229 = tpu.vector_load_idx %arg5[%parallel_loop3A_228] : memref<1280xf32, #tpu.memory_space<vmem>>[vector<16xi32>], vector<16xf32>,
        %parallel_loop3A_230 = arith.constant 9 : i32
        %parallel_loop3A_231 = arith.index_cast %parallel_loop3A_230 : i32 to index
        %parallel_loop3A_232 = arith.index_cast %parallel_loop3A_120 : i32 to index
        %parallel_loop3A_233 = arith.index_cast %parallel_loop3A_138 : i32 to index
        %parallel_loop3A_234 = tpu.vector_load %arg8[%parallel_loop3A_231, %parallel_loop3A_232, %parallel_loop3A_233] {strides = array<i32>} : memref<18x8x128xf32, #tpu.memory_space<vmem>>, vector<16xf32>,
        tpu.vector_store %arg8[%parallel_loop3A_231, %parallel_loop3A_232, %parallel_loop3A_233], %parallel_loop3A_229 {strides = array<i32>} : memref<18x8x128xf32, #tpu.memory_space<vmem>>, vector<16xf32>,
        %parallel_loop3A_235 = arith.constant 10 : i32
        %parallel_loop3A_236 = vector.broadcast %parallel_loop3A_235 : i32 to vector<16xi32>
        %parallel_loop3A_237 = arith.addi %parallel_loop3A_144, %parallel_loop3A_236 : vector<16xi32>
        %parallel_loop3A_238 = tpu.vector_load_idx %arg5[%parallel_loop3A_237] : memref<1280xf32, #tpu.memory_space<vmem>>[vector<16xi32>], vector<16xf32>,
        %parallel_loop3A_239 = arith.constant 10 : i32
        %parallel_loop3A_240 = arith.index_cast %parallel_loop3A_239 : i32 to index
        %parallel_loop3A_241 = arith.index_cast %parallel_loop3A_120 : i32 to index
        %parallel_loop3A_242 = arith.index_cast %parallel_loop3A_138 : i32 to index
        %parallel_loop3A_243 = tpu.vector_load %arg8[%parallel_loop3A_240, %parallel_loop3A_241, %parallel_loop3A_242] {strides = array<i32>} : memref<18x8x128xf32, #tpu.memory_space<vmem>>, vector<16xf32>,
        tpu.vector_store %arg8[%parallel_loop3A_240, %parallel_loop3A_241, %parallel_loop3A_242], %parallel_loop3A_238 {strides = array<i32>} : memref<18x8x128xf32, #tpu.memory_space<vmem>>, vector<16xf32>,
        %parallel_loop3A_244 = arith.constant 11 : i32
        %parallel_loop3A_245 = vector.broadcast %parallel_loop3A_244 : i32 to vector<16xi32>
        %parallel_loop3A_246 = arith.addi %parallel_loop3A_144, %parallel_loop3A_245 : vector<16xi32>
        %parallel_loop3A_247 = tpu.vector_load_idx %arg5[%parallel_loop3A_246] : memref<1280xf32, #tpu.memory_space<vmem>>[vector<16xi32>], vector<16xf32>,
        %parallel_loop3A_248 = arith.constant 11 : i32
        %parallel_loop3A_249 = arith.index_cast %parallel_loop3A_248 : i32 to index
        %parallel_loop3A_250 = arith.index_cast %parallel_loop3A_120 : i32 to index
        %parallel_loop3A_251 = arith.index_cast %parallel_loop3A_138 : i32 to index
        %parallel_loop3A_252 = tpu.vector_load %arg8[%parallel_loop3A_249, %parallel_loop3A_250, %parallel_loop3A_251] {strides = array<i32>} : memref<18x8x128xf32, #tpu.memory_space<vmem>>, vector<16xf32>,
        tpu.vector_store %arg8[%parallel_loop3A_249, %parallel_loop3A_250, %parallel_loop3A_251], %parallel_loop3A_247 {strides = array<i32>} : memref<18x8x128xf32, #tpu.memory_space<vmem>>, vector<16xf32>,
        %parallel_loop3A_253 = arith.constant 12 : i32
        %parallel_loop3A_254 = vector.broadcast %parallel_loop3A_253 : i32 to vector<16xi32>
        %parallel_loop3A_255 = arith.addi %parallel_loop3A_144, %parallel_loop3A_254 : vector<16xi32>
        %parallel_loop3A_256 = tpu.vector_load_idx %arg5[%parallel_loop3A_255] : memref<1280xf32, #tpu.memory_space<vmem>>[vector<16xi32>], vector<16xf32>,
        %parallel_loop3A_257 = arith.constant 12 : i32
        %parallel_loop3A_258 = arith.index_cast %parallel_loop3A_257 : i32 to index
        %parallel_loop3A_259 = arith.index_cast %parallel_loop3A_120 : i32 to index
        %parallel_loop3A_260 = arith.index_cast %parallel_loop3A_138 : i32 to index
        %parallel_loop3A_261 = tpu.vector_load %arg8[%parallel_loop3A_258, %parallel_loop3A_259, %parallel_loop3A_260] {strides = array<i32>} : memref<18x8x128xf32, #tpu.memory_space<vmem>>, vector<16xf32>,
        tpu.vector_store %arg8[%parallel_loop3A_258, %parallel_loop3A_259, %parallel_loop3A_260], %parallel_loop3A_256 {strides = array<i32>} : memref<18x8x128xf32, #tpu.memory_space<vmem>>, vector<16xf32>,
        %parallel_loop3A_262 = arith.constant 13 : i32
        %parallel_loop3A_263 = vector.broadcast %parallel_loop3A_262 : i32 to vector<16xi32>
        %parallel_loop3A_264 = arith.addi %parallel_loop3A_144, %parallel_loop3A_263 : vector<16xi32>
        %parallel_loop3A_265 = tpu.vector_load_idx %arg5[%parallel_loop3A_264] : memref<1280xf32, #tpu.memory_space<vmem>>[vector<16xi32>], vector<16xf32>,
        %parallel_loop3A_266 = arith.constant 13 : i32
        %parallel_loop3A_267 = arith.index_cast %parallel_loop3A_266 : i32 to index
        %parallel_loop3A_268 = arith.index_cast %parallel_loop3A_120 : i32 to index
        %parallel_loop3A_269 = arith.index_cast %parallel_loop3A_138 : i32 to index
        %parallel_loop3A_270 = tpu.vector_load %arg8[%parallel_loop3A_267, %parallel_loop3A_268, %parallel_loop3A_269] {strides = array<i32>} : memref<18x8x128xf32, #tpu.memory_space<vmem>>, vector<16xf32>,
        tpu.vector_store %arg8[%parallel_loop3A_267, %parallel_loop3A_268, %parallel_loop3A_269], %parallel_loop3A_265 {strides = array<i32>} : memref<18x8x128xf32, #tpu.memory_space<vmem>>, vector<16xf32>,
        %parallel_loop3A_271 = arith.constant 14 : i32
        %parallel_loop3A_272 = vector.broadcast %parallel_loop3A_271 : i32 to vector<16xi32>
        %parallel_loop3A_273 = arith.addi %parallel_loop3A_144, %parallel_loop3A_272 : vector<16xi32>
        %parallel_loop3A_274 = tpu.vector_load_idx %arg5[%parallel_loop3A_273] : memref<1280xf32, #tpu.memory_space<vmem>>[vector<16xi32>], vector<16xf32>,
        %parallel_loop3A_275 = arith.constant 14 : i32
        %parallel_loop3A_276 = arith.index_cast %parallel_loop3A_275 : i32 to index
        %parallel_loop3A_277 = arith.index_cast %parallel_loop3A_120 : i32 to index
        %parallel_loop3A_278 = arith.index_cast %parallel_loop3A_138 : i32 to index
        %parallel_loop3A_279 = tpu.vector_load %arg8[%parallel_loop3A_276, %parallel_loop3A_277, %parallel_loop3A_278] {strides = array<i32>} : memref<18x8x128xf32, #tpu.memory_space<vmem>>, vector<16xf32>,
        tpu.vector_store %arg8[%parallel_loop3A_276, %parallel_loop3A_277, %parallel_loop3A_278], %parallel_loop3A_274 {strides = array<i32>} : memref<18x8x128xf32, #tpu.memory_space<vmem>>, vector<16xf32>,
        %parallel_loop3A_280 = arith.constant 15 : i32
        %parallel_loop3A_281 = vector.broadcast %parallel_loop3A_280 : i32 to vector<16xi32>
        %parallel_loop3A_282 = arith.addi %parallel_loop3A_144, %parallel_loop3A_281 : vector<16xi32>
        %parallel_loop3A_283 = tpu.vector_load_idx %arg5[%parallel_loop3A_282] : memref<1280xf32, #tpu.memory_space<vmem>>[vector<16xi32>], vector<16xf32>,
        %parallel_loop3A_284 = arith.constant 15 : i32
        %parallel_loop3A_285 = arith.index_cast %parallel_loop3A_284 : i32 to index
        %parallel_loop3A_286 = arith.index_cast %parallel_loop3A_120 : i32 to index
        %parallel_loop3A_287 = arith.index_cast %parallel_loop3A_138 : i32 to index
        %parallel_loop3A_288 = tpu.vector_load %arg8[%parallel_loop3A_285, %parallel_loop3A_286, %parallel_loop3A_287] {strides = array<i32>} : memref<18x8x128xf32, #tpu.memory_space<vmem>>, vector<16xf32>,
        tpu.vector_store %arg8[%parallel_loop3A_285, %parallel_loop3A_286, %parallel_loop3A_287], %parallel_loop3A_283 {strides = array<i32>} : memref<18x8x128xf32, #tpu.memory_space<vmem>>, vector<16xf32>,
        %parallel_loop3A_289 = arith.constant 16 : i32
        %parallel_loop3A_290 = vector.broadcast %parallel_loop3A_289 : i32 to vector<16xi32>
        %parallel_loop3A_291 = arith.addi %parallel_loop3A_144, %parallel_loop3A_290 : vector<16xi32>
        %parallel_loop3A_292 = tpu.vector_load_idx %arg5[%parallel_loop3A_291] : memref<1280xf32, #tpu.memory_space<vmem>>[vector<16xi32>], vector<16xf32>,
        %parallel_loop3A_293 = arith.constant 16 : i32
        %parallel_loop3A_294 = arith.index_cast %parallel_loop3A_293 : i32 to index
        %parallel_loop3A_295 = arith.index_cast %parallel_loop3A_120 : i32 to index
        %parallel_loop3A_296 = arith.index_cast %parallel_loop3A_138 : i32 to index
        %parallel_loop3A_297 = tpu.vector_load %arg8[%parallel_loop3A_294, %parallel_loop3A_295, %parallel_loop3A_296] {strides = array<i32>} : memref<18x8x128xf32, #tpu.memory_space<vmem>>, vector<16xf32>,
        tpu.vector_store %arg8[%parallel_loop3A_294, %parallel_loop3A_295, %parallel_loop3A_296], %parallel_loop3A_292 {strides = array<i32>} : memref<18x8x128xf32, #tpu.memory_space<vmem>>, vector<16xf32>,
        %parallel_loop3A_298 = arith.constant 17 : i32
        %parallel_loop3A_299 = vector.broadcast %parallel_loop3A_298 : i32 to vector<16xi32>
        %parallel_loop3A_300 = arith.addi %parallel_loop3A_144, %parallel_loop3A_299 : vector<16xi32>
        %parallel_loop3A_301 = tpu.vector_load_idx %arg5[%parallel_loop3A_300] : memref<1280xf32, #tpu.memory_space<vmem>>[vector<16xi32>], vector<16xf32>,
        %parallel_loop3A_302 = arith.constant 17 : i32
        %parallel_loop3A_303 = arith.index_cast %parallel_loop3A_302 : i32 to index
        %parallel_loop3A_304 = arith.index_cast %parallel_loop3A_120 : i32 to index
        %parallel_loop3A_305 = arith.index_cast %parallel_loop3A_138 : i32 to index
        %parallel_loop3A_306 = tpu.vector_load %arg8[%parallel_loop3A_303, %parallel_loop3A_304, %parallel_loop3A_305] {strides = array<i32>} : memref<18x8x128xf32, #tpu.memory_space<vmem>>, vector<16xf32>,
        tpu.vector_store %arg8[%parallel_loop3A_303, %parallel_loop3A_304, %parallel_loop3A_305], %parallel_loop3A_301 {strides = array<i32>} : memref<18x8x128xf32, #tpu.memory_space<vmem>>, vector<16xf32>,
      } {sc.loop_unroll_factor = 2 : i64, sc.parallel_access}
      %dma_start3A_69 = arith.constant 0 : i32
      %dma_start3A_70 = tpu.memref_slice %arg4[%dma_start3A_69, %mul3A_62, %add3A_31] : memref<18x200x16384xf32, #tpu.memory_space<hbm>> -> memref<18x8x128xf32, #tpu.memory_space<hbm>>
      %dma_start3A_71 = arith.constant 0 : i32
      %dma_start3A_72 = tpu.memref_slice %arg4[%dma_start3A_71, %mul3A_62, %add3A_31] : memref<18x200x16384xf32, #tpu.memory_space<hbm>> -> memref<18x8x128xf32, #tpu.memory_space<hbm>>
      tpu.enqueue_dma source(%arg8 : memref<18x8x128xf32, #tpu.memory_space<vmem>>) target(%dma_start3A_72 : memref<18x8x128xf32, #tpu.memory_space<hbm>>) target_semaphore(%arg12 : memref<!tpu.dma_semaphore, #tpu.memory_space<semaphore_mem>>)
      %lt3A = arith.constant 24 : i32
      %lt3A_73 = arith.cmpi slt, %scan3A_60, %lt3A : i32
      %convert_element_type3A_74 = arith.extui %lt3A_73 : i1 to i32
      %cond3A_75 = arith.constant 0 : i32
      %cond3A_76 = arith.cmpi ne, %convert_element_type3A_74, %cond3A_75 : i32
      scf.if %cond3A_76 {
        %add3A_96 = arith.constant 8 : i32
        %add3A_97 = arith.addi %mul3A_62, %add3A_96 : i32
        %dma_start3A_98 = tpu.memref_slice %arg2[%add3A_97, %add3A_31] : memref<200x16384xi32, #tpu.memory_space<hbm>> -> memref<8x128xi32, #tpu.memory_space<hbm>>
        %dma_start3A_99 = tpu.memref_slice %arg2[%add3A_97, %add3A_31] : memref<200x16384xi32, #tpu.memory_space<hbm>> -> memref<8x128xi32, #tpu.memory_space<hbm>>
        tpu.enqueue_dma source(%dma_start3A_99 : memref<8x128xi32, #tpu.memory_space<hbm>>) target(%arg6 : memref<8x128xi32, #tpu.memory_space<vmem>>) target_semaphore(%arg10 : memref<!tpu.dma_semaphore, #tpu.memory_space<semaphore_mem>>)
      } else {
      }
      %dma_wait3A_77 = tpu.memref_slice %arg2[%mul3A_62, %add3A_33] : memref<200x16384xi32, #tpu.memory_space<hbm>> -> memref<8x128xi32, #tpu.memory_space<hbm>>
      %dma_wait3A_78 = tpu.memref_slice %arg2[%mul3A_62, %add3A_33] : memref<200x16384xi32, #tpu.memory_space<hbm>> -> memref<8x128xi32, #tpu.memory_space<hbm>>
      tpu.wait_dma2 semaphore(%arg11 : memref<!tpu.dma_semaphore, #tpu.memory_space<semaphore_mem>>) src(%dma_wait3A_78 : memref<8x128xi32, #tpu.memory_space<hbm>>) dst(%arg7 : memref<8x128xi32, #tpu.memory_space<vmem>>)
      %ge3A_79 = arith.constant 1 : i32
      %ge3A_80 = arith.cmpi sge, %scan3A_60, %ge3A_79 : i32
      %convert_element_type3A_81 = arith.extui %ge3A_80 : i1 to i32
      %cond3A_82 = arith.constant 0 : i32
      %cond3A_83 = arith.cmpi ne, %convert_element_type3A_81, %cond3A_82 : i32
      scf.if %cond3A_83 {
        %dma_wait3A_96 = arith.constant 0 : i32
        %dma_wait3A_97 = tpu.memref_slice %arg4[%dma_wait3A_96, %mul3A_62, %add3A_33] : memref<18x200x16384xf32, #tpu.memory_space<hbm>> -> memref<18x8x128xf32, #tpu.memory_space<hbm>>
        %dma_wait3A_98 = arith.constant 0 : i32
        %dma_wait3A_99 = tpu.memref_slice %arg4[%dma_wait3A_98, %mul3A_62, %add3A_33] : memref<18x200x16384xf32, #tpu.memory_space<hbm>> -> memref<18x8x128xf32, #tpu.memory_space<hbm>>
        tpu.wait_dma2 semaphore(%arg13 : memref<!tpu.dma_semaphore, #tpu.memory_space<semaphore_mem>>) src(%arg9 : memref<18x8x128xf32, #tpu.memory_space<vmem>>) dst(%dma_wait3A_99 : memref<18x8x128xf32, #tpu.memory_space<hbm>>)
      } else {
      }
      %parallel_loop3A_84 = arith.constant 0 : i32
      %parallel_loop3A_85 = arith.constant 64 : i32
      %parallel_loop3A_86 = arith.constant 1 : i32
      scf.for %parallel_loop3A_96 = %parallel_loop3A_84 to %parallel_loop3A_85 step %parallel_loop3A_86  : i32 {
        %parallel_loop3A_97 = arith.constant 8 : i32
        %parallel_loop3A_98 = arith.divsi %parallel_loop3A_96, %parallel_loop3A_97 : i32
        %parallel_loop3A_99 = arith.constant 0 : i32
        %parallel_loop3A_100 = arith.cmpi sgt, %parallel_loop3A_96, %parallel_loop3A_99 : i32
        %parallel_loop3A_101 = arith.extui %parallel_loop3A_100 : i1 to i32
        %parallel_loop3A_102 = arith.constant 0 : i32
        %parallel_loop3A_103 = arith.cmpi slt, %parallel_loop3A_96, %parallel_loop3A_102 : i32
        %parallel_loop3A_104 = arith.extui %parallel_loop3A_103 : i1 to i32
        %parallel_loop3A_105 = arith.subi %parallel_loop3A_101, %parallel_loop3A_104 : i32
        %parallel_loop3A_106 = arith.constant 0 : i32
        %parallel_loop3A_107 = arith.cmpi sgt, %parallel_loop3A_97, %parallel_loop3A_106 : i32
        %parallel_loop3A_108 = arith.extui %parallel_loop3A_107 : i1 to i32
        %parallel_loop3A_109 = arith.constant 0 : i32
        %parallel_loop3A_110 = arith.cmpi slt, %parallel_loop3A_97, %parallel_loop3A_109 : i32
        %parallel_loop3A_111 = arith.extui %parallel_loop3A_110 : i1 to i32
        %parallel_loop3A_112 = arith.subi %parallel_loop3A_108, %parallel_loop3A_111 : i32
        %parallel_loop3A_113 = arith.cmpi ne, %parallel_loop3A_105, %parallel_loop3A_112 : i32
        %parallel_loop3A_114 = arith.remsi %parallel_loop3A_96, %parallel_loop3A_97 : i32
        %parallel_loop3A_115 = arith.constant 0 : i32
        %parallel_loop3A_116 = arith.cmpi ne, %parallel_loop3A_114, %parallel_loop3A_115 : i32
        %parallel_loop3A_117 = arith.andi %parallel_loop3A_113, %parallel_loop3A_116 : i1
        %parallel_loop3A_118 = arith.constant 1 : i32
        %parallel_loop3A_119 = arith.subi %parallel_loop3A_98, %parallel_loop3A_118 : i32
        %parallel_loop3A_120 = arith.select %parallel_loop3A_117, %parallel_loop3A_119, %parallel_loop3A_98 : i32
        %parallel_loop3A_121 = arith.constant 8 : i32
        %parallel_loop3A_122 = arith.constant 0 : i32
        %parallel_loop3A_123 = arith.cmpi eq, %parallel_loop3A_121, %parallel_loop3A_122 : i32
        %parallel_loop3A_124 = arith.constant 1 : i32
        %parallel_loop3A_125 = arith.select %parallel_loop3A_123, %parallel_loop3A_124, %parallel_loop3A_121 : i32
        %parallel_loop3A_126 = arith.remsi %parallel_loop3A_96, %parallel_loop3A_125 : i32
        %parallel_loop3A_127 = arith.constant 0 : i32
        %parallel_loop3A_128 = arith.cmpi ne, %parallel_loop3A_126, %parallel_loop3A_127 : i32
        %parallel_loop3A_129 = arith.constant 0 : i32
        %parallel_loop3A_130 = arith.cmpi slt, %parallel_loop3A_126, %parallel_loop3A_129 : i32
        %parallel_loop3A_131 = arith.constant 0 : i32
        %parallel_loop3A_132 = arith.cmpi slt, %parallel_loop3A_125, %parallel_loop3A_131 : i32
        %parallel_loop3A_133 = arith.xori %parallel_loop3A_130, %parallel_loop3A_132 : i1
        %parallel_loop3A_134 = arith.andi %parallel_loop3A_133, %parallel_loop3A_128 : i1
        %parallel_loop3A_135 = arith.addi %parallel_loop3A_126, %parallel_loop3A_125 : i32
        %parallel_loop3A_136 = arith.select %parallel_loop3A_134, %parallel_loop3A_135, %parallel_loop3A_126 : i32
        %parallel_loop3A_137 = arith.constant 16 : i32
        %parallel_loop3A_138 = arith.muli %parallel_loop3A_136, %parallel_loop3A_137 : i32
        %parallel_loop3A_139 = arith.index_cast %parallel_loop3A_120 : i32 to index
        %parallel_loop3A_140 = arith.index_cast %parallel_loop3A_138 : i32 to index
        %parallel_loop3A_141 = tpu.vector_load %arg7[%parallel_loop3A_139, %parallel_loop3A_140] {strides = array<i32>} : memref<8x128xi32, #tpu.memory_space<vmem>>, vector<16xi32>,
        %parallel_loop3A_142 = arith.constant 18 : i32
        %parallel_loop3A_143 = vector.broadcast %parallel_loop3A_142 : i32 to vector<16xi32>
        %parallel_loop3A_144 = arith.muli %parallel_loop3A_141, %parallel_loop3A_143 : vector<16xi32>
        %parallel_loop3A_145 = arith.constant 0 : i32
        %parallel_loop3A_146 = vector.broadcast %parallel_loop3A_145 : i32 to vector<16xi32>
        %parallel_loop3A_147 = arith.addi %parallel_loop3A_144, %parallel_loop3A_146 : vector<16xi32>
        %parallel_loop3A_148 = tpu.vector_load_idx %arg5[%parallel_loop3A_147] : memref<1280xf32, #tpu.memory_space<vmem>>[vector<16xi32>], vector<16xf32>,
        %parallel_loop3A_149 = arith.constant 0 : i32
        %parallel_loop3A_150 = arith.index_cast %parallel_loop3A_149 : i32 to index
        %parallel_loop3A_151 = arith.index_cast %parallel_loop3A_120 : i32 to index
        %parallel_loop3A_152 = arith.index_cast %parallel_loop3A_138 : i32 to index
        %parallel_loop3A_153 = tpu.vector_load %arg9[%parallel_loop3A_150, %parallel_loop3A_151, %parallel_loop3A_152] {strides = array<i32>} : memref<18x8x128xf32, #tpu.memory_space<vmem>>, vector<16xf32>,
        tpu.vector_store %arg9[%parallel_loop3A_150, %parallel_loop3A_151, %parallel_loop3A_152], %parallel_loop3A_148 {strides = array<i32>} : memref<18x8x128xf32, #tpu.memory_space<vmem>>, vector<16xf32>,
        %parallel_loop3A_154 = arith.constant 1 : i32
        %parallel_loop3A_155 = vector.broadcast %parallel_loop3A_154 : i32 to vector<16xi32>
        %parallel_loop3A_156 = arith.addi %parallel_loop3A_144, %parallel_loop3A_155 : vector<16xi32>
        %parallel_loop3A_157 = tpu.vector_load_idx %arg5[%parallel_loop3A_156] : memref<1280xf32, #tpu.memory_space<vmem>>[vector<16xi32>], vector<16xf32>,
        %parallel_loop3A_158 = arith.constant 1 : i32
        %parallel_loop3A_159 = arith.index_cast %parallel_loop3A_158 : i32 to index
        %parallel_loop3A_160 = arith.index_cast %parallel_loop3A_120 : i32 to index
        %parallel_loop3A_161 = arith.index_cast %parallel_loop3A_138 : i32 to index
        %parallel_loop3A_162 = tpu.vector_load %arg9[%parallel_loop3A_159, %parallel_loop3A_160, %parallel_loop3A_161] {strides = array<i32>} : memref<18x8x128xf32, #tpu.memory_space<vmem>>, vector<16xf32>,
        tpu.vector_store %arg9[%parallel_loop3A_159, %parallel_loop3A_160, %parallel_loop3A_161], %parallel_loop3A_157 {strides = array<i32>} : memref<18x8x128xf32, #tpu.memory_space<vmem>>, vector<16xf32>,
        %parallel_loop3A_163 = arith.constant 2 : i32
        %parallel_loop3A_164 = vector.broadcast %parallel_loop3A_163 : i32 to vector<16xi32>
        %parallel_loop3A_165 = arith.addi %parallel_loop3A_144, %parallel_loop3A_164 : vector<16xi32>
        %parallel_loop3A_166 = tpu.vector_load_idx %arg5[%parallel_loop3A_165] : memref<1280xf32, #tpu.memory_space<vmem>>[vector<16xi32>], vector<16xf32>,
        %parallel_loop3A_167 = arith.constant 2 : i32
        %parallel_loop3A_168 = arith.index_cast %parallel_loop3A_167 : i32 to index
        %parallel_loop3A_169 = arith.index_cast %parallel_loop3A_120 : i32 to index
        %parallel_loop3A_170 = arith.index_cast %parallel_loop3A_138 : i32 to index
        %parallel_loop3A_171 = tpu.vector_load %arg9[%parallel_loop3A_168, %parallel_loop3A_169, %parallel_loop3A_170] {strides = array<i32>} : memref<18x8x128xf32, #tpu.memory_space<vmem>>, vector<16xf32>,
        tpu.vector_store %arg9[%parallel_loop3A_168, %parallel_loop3A_169, %parallel_loop3A_170], %parallel_loop3A_166 {strides = array<i32>} : memref<18x8x128xf32, #tpu.memory_space<vmem>>, vector<16xf32>,
        %parallel_loop3A_172 = arith.constant 3 : i32
        %parallel_loop3A_173 = vector.broadcast %parallel_loop3A_172 : i32 to vector<16xi32>
        %parallel_loop3A_174 = arith.addi %parallel_loop3A_144, %parallel_loop3A_173 : vector<16xi32>
        %parallel_loop3A_175 = tpu.vector_load_idx %arg5[%parallel_loop3A_174] : memref<1280xf32, #tpu.memory_space<vmem>>[vector<16xi32>], vector<16xf32>,
        %parallel_loop3A_176 = arith.constant 3 : i32
        %parallel_loop3A_177 = arith.index_cast %parallel_loop3A_176 : i32 to index
        %parallel_loop3A_178 = arith.index_cast %parallel_loop3A_120 : i32 to index
        %parallel_loop3A_179 = arith.index_cast %parallel_loop3A_138 : i32 to index
        %parallel_loop3A_180 = tpu.vector_load %arg9[%parallel_loop3A_177, %parallel_loop3A_178, %parallel_loop3A_179] {strides = array<i32>} : memref<18x8x128xf32, #tpu.memory_space<vmem>>, vector<16xf32>,
        tpu.vector_store %arg9[%parallel_loop3A_177, %parallel_loop3A_178, %parallel_loop3A_179], %parallel_loop3A_175 {strides = array<i32>} : memref<18x8x128xf32, #tpu.memory_space<vmem>>, vector<16xf32>,
        %parallel_loop3A_181 = arith.constant 4 : i32
        %parallel_loop3A_182 = vector.broadcast %parallel_loop3A_181 : i32 to vector<16xi32>
        %parallel_loop3A_183 = arith.addi %parallel_loop3A_144, %parallel_loop3A_182 : vector<16xi32>
        %parallel_loop3A_184 = tpu.vector_load_idx %arg5[%parallel_loop3A_183] : memref<1280xf32, #tpu.memory_space<vmem>>[vector<16xi32>], vector<16xf32>,
        %parallel_loop3A_185 = arith.constant 4 : i32
        %parallel_loop3A_186 = arith.index_cast %parallel_loop3A_185 : i32 to index
        %parallel_loop3A_187 = arith.index_cast %parallel_loop3A_120 : i32 to index
        %parallel_loop3A_188 = arith.index_cast %parallel_loop3A_138 : i32 to index
        %parallel_loop3A_189 = tpu.vector_load %arg9[%parallel_loop3A_186, %parallel_loop3A_187, %parallel_loop3A_188] {strides = array<i32>} : memref<18x8x128xf32, #tpu.memory_space<vmem>>, vector<16xf32>,
        tpu.vector_store %arg9[%parallel_loop3A_186, %parallel_loop3A_187, %parallel_loop3A_188], %parallel_loop3A_184 {strides = array<i32>} : memref<18x8x128xf32, #tpu.memory_space<vmem>>, vector<16xf32>,
        %parallel_loop3A_190 = arith.constant 5 : i32
        %parallel_loop3A_191 = vector.broadcast %parallel_loop3A_190 : i32 to vector<16xi32>
        %parallel_loop3A_192 = arith.addi %parallel_loop3A_144, %parallel_loop3A_191 : vector<16xi32>
        %parallel_loop3A_193 = tpu.vector_load_idx %arg5[%parallel_loop3A_192] : memref<1280xf32, #tpu.memory_space<vmem>>[vector<16xi32>], vector<16xf32>,
        %parallel_loop3A_194 = arith.constant 5 : i32
        %parallel_loop3A_195 = arith.index_cast %parallel_loop3A_194 : i32 to index
        %parallel_loop3A_196 = arith.index_cast %parallel_loop3A_120 : i32 to index
        %parallel_loop3A_197 = arith.index_cast %parallel_loop3A_138 : i32 to index
        %parallel_loop3A_198 = tpu.vector_load %arg9[%parallel_loop3A_195, %parallel_loop3A_196, %parallel_loop3A_197] {strides = array<i32>} : memref<18x8x128xf32, #tpu.memory_space<vmem>>, vector<16xf32>,
        tpu.vector_store %arg9[%parallel_loop3A_195, %parallel_loop3A_196, %parallel_loop3A_197], %parallel_loop3A_193 {strides = array<i32>} : memref<18x8x128xf32, #tpu.memory_space<vmem>>, vector<16xf32>,
        %parallel_loop3A_199 = arith.constant 6 : i32
        %parallel_loop3A_200 = vector.broadcast %parallel_loop3A_199 : i32 to vector<16xi32>
        %parallel_loop3A_201 = arith.addi %parallel_loop3A_144, %parallel_loop3A_200 : vector<16xi32>
        %parallel_loop3A_202 = tpu.vector_load_idx %arg5[%parallel_loop3A_201] : memref<1280xf32, #tpu.memory_space<vmem>>[vector<16xi32>], vector<16xf32>,
        %parallel_loop3A_203 = arith.constant 6 : i32
        %parallel_loop3A_204 = arith.index_cast %parallel_loop3A_203 : i32 to index
        %parallel_loop3A_205 = arith.index_cast %parallel_loop3A_120 : i32 to index
        %parallel_loop3A_206 = arith.index_cast %parallel_loop3A_138 : i32 to index
        %parallel_loop3A_207 = tpu.vector_load %arg9[%parallel_loop3A_204, %parallel_loop3A_205, %parallel_loop3A_206] {strides = array<i32>} : memref<18x8x128xf32, #tpu.memory_space<vmem>>, vector<16xf32>,
        tpu.vector_store %arg9[%parallel_loop3A_204, %parallel_loop3A_205, %parallel_loop3A_206], %parallel_loop3A_202 {strides = array<i32>} : memref<18x8x128xf32, #tpu.memory_space<vmem>>, vector<16xf32>,
        %parallel_loop3A_208 = arith.constant 7 : i32
        %parallel_loop3A_209 = vector.broadcast %parallel_loop3A_208 : i32 to vector<16xi32>
        %parallel_loop3A_210 = arith.addi %parallel_loop3A_144, %parallel_loop3A_209 : vector<16xi32>
        %parallel_loop3A_211 = tpu.vector_load_idx %arg5[%parallel_loop3A_210] : memref<1280xf32, #tpu.memory_space<vmem>>[vector<16xi32>], vector<16xf32>,
        %parallel_loop3A_212 = arith.constant 7 : i32
        %parallel_loop3A_213 = arith.index_cast %parallel_loop3A_212 : i32 to index
        %parallel_loop3A_214 = arith.index_cast %parallel_loop3A_120 : i32 to index
        %parallel_loop3A_215 = arith.index_cast %parallel_loop3A_138 : i32 to index
        %parallel_loop3A_216 = tpu.vector_load %arg9[%parallel_loop3A_213, %parallel_loop3A_214, %parallel_loop3A_215] {strides = array<i32>} : memref<18x8x128xf32, #tpu.memory_space<vmem>>, vector<16xf32>,
        tpu.vector_store %arg9[%parallel_loop3A_213, %parallel_loop3A_214, %parallel_loop3A_215], %parallel_loop3A_211 {strides = array<i32>} : memref<18x8x128xf32, #tpu.memory_space<vmem>>, vector<16xf32>,
        %parallel_loop3A_217 = arith.constant 8 : i32
        %parallel_loop3A_218 = vector.broadcast %parallel_loop3A_217 : i32 to vector<16xi32>
        %parallel_loop3A_219 = arith.addi %parallel_loop3A_144, %parallel_loop3A_218 : vector<16xi32>
        %parallel_loop3A_220 = tpu.vector_load_idx %arg5[%parallel_loop3A_219] : memref<1280xf32, #tpu.memory_space<vmem>>[vector<16xi32>], vector<16xf32>,
        %parallel_loop3A_221 = arith.constant 8 : i32
        %parallel_loop3A_222 = arith.index_cast %parallel_loop3A_221 : i32 to index
        %parallel_loop3A_223 = arith.index_cast %parallel_loop3A_120 : i32 to index
        %parallel_loop3A_224 = arith.index_cast %parallel_loop3A_138 : i32 to index
        %parallel_loop3A_225 = tpu.vector_load %arg9[%parallel_loop3A_222, %parallel_loop3A_223, %parallel_loop3A_224] {strides = array<i32>} : memref<18x8x128xf32, #tpu.memory_space<vmem>>, vector<16xf32>,
        tpu.vector_store %arg9[%parallel_loop3A_222, %parallel_loop3A_223, %parallel_loop3A_224], %parallel_loop3A_220 {strides = array<i32>} : memref<18x8x128xf32, #tpu.memory_space<vmem>>, vector<16xf32>,
        %parallel_loop3A_226 = arith.constant 9 : i32
        %parallel_loop3A_227 = vector.broadcast %parallel_loop3A_226 : i32 to vector<16xi32>
        %parallel_loop3A_228 = arith.addi %parallel_loop3A_144, %parallel_loop3A_227 : vector<16xi32>
        %parallel_loop3A_229 = tpu.vector_load_idx %arg5[%parallel_loop3A_228] : memref<1280xf32, #tpu.memory_space<vmem>>[vector<16xi32>], vector<16xf32>,
        %parallel_loop3A_230 = arith.constant 9 : i32
        %parallel_loop3A_231 = arith.index_cast %parallel_loop3A_230 : i32 to index
        %parallel_loop3A_232 = arith.index_cast %parallel_loop3A_120 : i32 to index
        %parallel_loop3A_233 = arith.index_cast %parallel_loop3A_138 : i32 to index
        %parallel_loop3A_234 = tpu.vector_load %arg9[%parallel_loop3A_231, %parallel_loop3A_232, %parallel_loop3A_233] {strides = array<i32>} : memref<18x8x128xf32, #tpu.memory_space<vmem>>, vector<16xf32>,
        tpu.vector_store %arg9[%parallel_loop3A_231, %parallel_loop3A_232, %parallel_loop3A_233], %parallel_loop3A_229 {strides = array<i32>} : memref<18x8x128xf32, #tpu.memory_space<vmem>>, vector<16xf32>,
        %parallel_loop3A_235 = arith.constant 10 : i32
        %parallel_loop3A_236 = vector.broadcast %parallel_loop3A_235 : i32 to vector<16xi32>
        %parallel_loop3A_237 = arith.addi %parallel_loop3A_144, %parallel_loop3A_236 : vector<16xi32>
        %parallel_loop3A_238 = tpu.vector_load_idx %arg5[%parallel_loop3A_237] : memref<1280xf32, #tpu.memory_space<vmem>>[vector<16xi32>], vector<16xf32>,
        %parallel_loop3A_239 = arith.constant 10 : i32
        %parallel_loop3A_240 = arith.index_cast %parallel_loop3A_239 : i32 to index
        %parallel_loop3A_241 = arith.index_cast %parallel_loop3A_120 : i32 to index
        %parallel_loop3A_242 = arith.index_cast %parallel_loop3A_138 : i32 to index
        %parallel_loop3A_243 = tpu.vector_load %arg9[%parallel_loop3A_240, %parallel_loop3A_241, %parallel_loop3A_242] {strides = array<i32>} : memref<18x8x128xf32, #tpu.memory_space<vmem>>, vector<16xf32>,
        tpu.vector_store %arg9[%parallel_loop3A_240, %parallel_loop3A_241, %parallel_loop3A_242], %parallel_loop3A_238 {strides = array<i32>} : memref<18x8x128xf32, #tpu.memory_space<vmem>>, vector<16xf32>,
        %parallel_loop3A_244 = arith.constant 11 : i32
        %parallel_loop3A_245 = vector.broadcast %parallel_loop3A_244 : i32 to vector<16xi32>
        %parallel_loop3A_246 = arith.addi %parallel_loop3A_144, %parallel_loop3A_245 : vector<16xi32>
        %parallel_loop3A_247 = tpu.vector_load_idx %arg5[%parallel_loop3A_246] : memref<1280xf32, #tpu.memory_space<vmem>>[vector<16xi32>], vector<16xf32>,
        %parallel_loop3A_248 = arith.constant 11 : i32
        %parallel_loop3A_249 = arith.index_cast %parallel_loop3A_248 : i32 to index
        %parallel_loop3A_250 = arith.index_cast %parallel_loop3A_120 : i32 to index
        %parallel_loop3A_251 = arith.index_cast %parallel_loop3A_138 : i32 to index
        %parallel_loop3A_252 = tpu.vector_load %arg9[%parallel_loop3A_249, %parallel_loop3A_250, %parallel_loop3A_251] {strides = array<i32>} : memref<18x8x128xf32, #tpu.memory_space<vmem>>, vector<16xf32>,
        tpu.vector_store %arg9[%parallel_loop3A_249, %parallel_loop3A_250, %parallel_loop3A_251], %parallel_loop3A_247 {strides = array<i32>} : memref<18x8x128xf32, #tpu.memory_space<vmem>>, vector<16xf32>,
        %parallel_loop3A_253 = arith.constant 12 : i32
        %parallel_loop3A_254 = vector.broadcast %parallel_loop3A_253 : i32 to vector<16xi32>
        %parallel_loop3A_255 = arith.addi %parallel_loop3A_144, %parallel_loop3A_254 : vector<16xi32>
        %parallel_loop3A_256 = tpu.vector_load_idx %arg5[%parallel_loop3A_255] : memref<1280xf32, #tpu.memory_space<vmem>>[vector<16xi32>], vector<16xf32>,
        %parallel_loop3A_257 = arith.constant 12 : i32
        %parallel_loop3A_258 = arith.index_cast %parallel_loop3A_257 : i32 to index
        %parallel_loop3A_259 = arith.index_cast %parallel_loop3A_120 : i32 to index
        %parallel_loop3A_260 = arith.index_cast %parallel_loop3A_138 : i32 to index
        %parallel_loop3A_261 = tpu.vector_load %arg9[%parallel_loop3A_258, %parallel_loop3A_259, %parallel_loop3A_260] {strides = array<i32>} : memref<18x8x128xf32, #tpu.memory_space<vmem>>, vector<16xf32>,
        tpu.vector_store %arg9[%parallel_loop3A_258, %parallel_loop3A_259, %parallel_loop3A_260], %parallel_loop3A_256 {strides = array<i32>} : memref<18x8x128xf32, #tpu.memory_space<vmem>>, vector<16xf32>,
        %parallel_loop3A_262 = arith.constant 13 : i32
        %parallel_loop3A_263 = vector.broadcast %parallel_loop3A_262 : i32 to vector<16xi32>
        %parallel_loop3A_264 = arith.addi %parallel_loop3A_144, %parallel_loop3A_263 : vector<16xi32>
        %parallel_loop3A_265 = tpu.vector_load_idx %arg5[%parallel_loop3A_264] : memref<1280xf32, #tpu.memory_space<vmem>>[vector<16xi32>], vector<16xf32>,
        %parallel_loop3A_266 = arith.constant 13 : i32
        %parallel_loop3A_267 = arith.index_cast %parallel_loop3A_266 : i32 to index
        %parallel_loop3A_268 = arith.index_cast %parallel_loop3A_120 : i32 to index
        %parallel_loop3A_269 = arith.index_cast %parallel_loop3A_138 : i32 to index
        %parallel_loop3A_270 = tpu.vector_load %arg9[%parallel_loop3A_267, %parallel_loop3A_268, %parallel_loop3A_269] {strides = array<i32>} : memref<18x8x128xf32, #tpu.memory_space<vmem>>, vector<16xf32>,
        tpu.vector_store %arg9[%parallel_loop3A_267, %parallel_loop3A_268, %parallel_loop3A_269], %parallel_loop3A_265 {strides = array<i32>} : memref<18x8x128xf32, #tpu.memory_space<vmem>>, vector<16xf32>,
        %parallel_loop3A_271 = arith.constant 14 : i32
        %parallel_loop3A_272 = vector.broadcast %parallel_loop3A_271 : i32 to vector<16xi32>
        %parallel_loop3A_273 = arith.addi %parallel_loop3A_144, %parallel_loop3A_272 : vector<16xi32>
        %parallel_loop3A_274 = tpu.vector_load_idx %arg5[%parallel_loop3A_273] : memref<1280xf32, #tpu.memory_space<vmem>>[vector<16xi32>], vector<16xf32>,
        %parallel_loop3A_275 = arith.constant 14 : i32
        %parallel_loop3A_276 = arith.index_cast %parallel_loop3A_275 : i32 to index
        %parallel_loop3A_277 = arith.index_cast %parallel_loop3A_120 : i32 to index
        %parallel_loop3A_278 = arith.index_cast %parallel_loop3A_138 : i32 to index
        %parallel_loop3A_279 = tpu.vector_load %arg9[%parallel_loop3A_276, %parallel_loop3A_277, %parallel_loop3A_278] {strides = array<i32>} : memref<18x8x128xf32, #tpu.memory_space<vmem>>, vector<16xf32>,
        tpu.vector_store %arg9[%parallel_loop3A_276, %parallel_loop3A_277, %parallel_loop3A_278], %parallel_loop3A_274 {strides = array<i32>} : memref<18x8x128xf32, #tpu.memory_space<vmem>>, vector<16xf32>,
        %parallel_loop3A_280 = arith.constant 15 : i32
        %parallel_loop3A_281 = vector.broadcast %parallel_loop3A_280 : i32 to vector<16xi32>
        %parallel_loop3A_282 = arith.addi %parallel_loop3A_144, %parallel_loop3A_281 : vector<16xi32>
        %parallel_loop3A_283 = tpu.vector_load_idx %arg5[%parallel_loop3A_282] : memref<1280xf32, #tpu.memory_space<vmem>>[vector<16xi32>], vector<16xf32>,
        %parallel_loop3A_284 = arith.constant 15 : i32
        %parallel_loop3A_285 = arith.index_cast %parallel_loop3A_284 : i32 to index
        %parallel_loop3A_286 = arith.index_cast %parallel_loop3A_120 : i32 to index
        %parallel_loop3A_287 = arith.index_cast %parallel_loop3A_138 : i32 to index
        %parallel_loop3A_288 = tpu.vector_load %arg9[%parallel_loop3A_285, %parallel_loop3A_286, %parallel_loop3A_287] {strides = array<i32>} : memref<18x8x128xf32, #tpu.memory_space<vmem>>, vector<16xf32>,
        tpu.vector_store %arg9[%parallel_loop3A_285, %parallel_loop3A_286, %parallel_loop3A_287], %parallel_loop3A_283 {strides = array<i32>} : memref<18x8x128xf32, #tpu.memory_space<vmem>>, vector<16xf32>,
        %parallel_loop3A_289 = arith.constant 16 : i32
        %parallel_loop3A_290 = vector.broadcast %parallel_loop3A_289 : i32 to vector<16xi32>
        %parallel_loop3A_291 = arith.addi %parallel_loop3A_144, %parallel_loop3A_290 : vector<16xi32>
        %parallel_loop3A_292 = tpu.vector_load_idx %arg5[%parallel_loop3A_291] : memref<1280xf32, #tpu.memory_space<vmem>>[vector<16xi32>], vector<16xf32>,
        %parallel_loop3A_293 = arith.constant 16 : i32
        %parallel_loop3A_294 = arith.index_cast %parallel_loop3A_293 : i32 to index
        %parallel_loop3A_295 = arith.index_cast %parallel_loop3A_120 : i32 to index
        %parallel_loop3A_296 = arith.index_cast %parallel_loop3A_138 : i32 to index
        %parallel_loop3A_297 = tpu.vector_load %arg9[%parallel_loop3A_294, %parallel_loop3A_295, %parallel_loop3A_296] {strides = array<i32>} : memref<18x8x128xf32, #tpu.memory_space<vmem>>, vector<16xf32>,
        tpu.vector_store %arg9[%parallel_loop3A_294, %parallel_loop3A_295, %parallel_loop3A_296], %parallel_loop3A_292 {strides = array<i32>} : memref<18x8x128xf32, #tpu.memory_space<vmem>>, vector<16xf32>,
        %parallel_loop3A_298 = arith.constant 17 : i32
        %parallel_loop3A_299 = vector.broadcast %parallel_loop3A_298 : i32 to vector<16xi32>
        %parallel_loop3A_300 = arith.addi %parallel_loop3A_144, %parallel_loop3A_299 : vector<16xi32>
        %parallel_loop3A_301 = tpu.vector_load_idx %arg5[%parallel_loop3A_300] : memref<1280xf32, #tpu.memory_space<vmem>>[vector<16xi32>], vector<16xf32>,
        %parallel_loop3A_302 = arith.constant 17 : i32
        %parallel_loop3A_303 = arith.index_cast %parallel_loop3A_302 : i32 to index
        %parallel_loop3A_304 = arith.index_cast %parallel_loop3A_120 : i32 to index
        %parallel_loop3A_305 = arith.index_cast %parallel_loop3A_138 : i32 to index
        %parallel_loop3A_306 = tpu.vector_load %arg9[%parallel_loop3A_303, %parallel_loop3A_304, %parallel_loop3A_305] {strides = array<i32>} : memref<18x8x128xf32, #tpu.memory_space<vmem>>, vector<16xf32>,
        tpu.vector_store %arg9[%parallel_loop3A_303, %parallel_loop3A_304, %parallel_loop3A_305], %parallel_loop3A_301 {strides = array<i32>} : memref<18x8x128xf32, #tpu.memory_space<vmem>>, vector<16xf32>,
      } {sc.loop_unroll_factor = 2 : i64, sc.parallel_access}
      %dma_start3A_87 = arith.constant 0 : i32
      %dma_start3A_88 = tpu.memref_slice %arg4[%dma_start3A_87, %mul3A_62, %add3A_33] : memref<18x200x16384xf32, #tpu.memory_space<hbm>> -> memref<18x8x128xf32, #tpu.memory_space<hbm>>
      %dma_start3A_89 = arith.constant 0 : i32
      %dma_start3A_90 = tpu.memref_slice %arg4[%dma_start3A_89, %mul3A_62, %add3A_33] : memref<18x200x16384xf32, #tpu.memory_space<hbm>> -> memref<18x8x128xf32, #tpu.memory_space<hbm>>
      tpu.enqueue_dma source(%arg9 : memref<18x8x128xf32, #tpu.memory_space<vmem>>) target(%dma_start3A_90 : memref<18x8x128xf32, #tpu.memory_space<hbm>>) target_semaphore(%arg13 : memref<!tpu.dma_semaphore, #tpu.memory_space<semaphore_mem>>)
      %lt3A_91 = arith.constant 24 : i32
      %lt3A_92 = arith.cmpi slt, %scan3A_60, %lt3A_91 : i32
      %convert_element_type3A_93 = arith.extui %lt3A_92 : i1 to i32
      %cond3A_94 = arith.constant 0 : i32
      %cond3A_95 = arith.cmpi ne, %convert_element_type3A_93, %cond3A_94 : i32
      scf.if %cond3A_95 {
        %add3A_96 = arith.constant 8 : i32
        %add3A_97 = arith.addi %mul3A_62, %add3A_96 : i32
        %dma_start3A_98 = tpu.memref_slice %arg2[%add3A_97, %add3A_33] : memref<200x16384xi32, #tpu.memory_space<hbm>> -> memref<8x128xi32, #tpu.memory_space<hbm>>
        %dma_start3A_99 = tpu.memref_slice %arg2[%add3A_97, %add3A_33] : memref<200x16384xi32, #tpu.memory_space<hbm>> -> memref<8x128xi32, #tpu.memory_space<hbm>>
        tpu.enqueue_dma source(%dma_start3A_99 : memref<8x128xi32, #tpu.memory_space<hbm>>) target(%arg7 : memref<8x128xi32, #tpu.memory_space<vmem>>) target_semaphore(%arg11 : memref<!tpu.dma_semaphore, #tpu.memory_space<semaphore_mem>>)
      } else {
      }
    }
    %scan3A_47 = arith.constant 25 : i32
    %dma_wait3A_48 = arith.constant 0 : i32
    %dma_wait3A_49 = arith.constant 0 : i32
    %dma_wait3A_50 = tpu.memref_slice %arg4[%dma_wait3A_48, %dma_wait3A_49, %add3A_31] : memref<18x200x16384xf32, #tpu.memory_space<hbm>> -> memref<18x8x128xf32, #tpu.memory_space<hbm>>
    %dma_wait3A_51 = arith.constant 0 : i32
    %dma_wait3A_52 = arith.constant 0 : i32
    %dma_wait3A_53 = tpu.memref_slice %arg4[%dma_wait3A_51, %dma_wait3A_52, %add3A_31] : memref<18x200x16384xf32, #tpu.memory_space<hbm>> -> memref<18x8x128xf32, #tpu.memory_space<hbm>>
    tpu.wait_dma2 semaphore(%arg12 : memref<!tpu.dma_semaphore, #tpu.memory_space<semaphore_mem>>) src(%arg8 : memref<18x8x128xf32, #tpu.memory_space<vmem>>) dst(%dma_wait3A_53 : memref<18x8x128xf32, #tpu.memory_space<hbm>>)
    %dma_wait3A_54 = arith.constant 0 : i32
    %dma_wait3A_55 = arith.constant 0 : i32
    %dma_wait3A_56 = tpu.memref_slice %arg4[%dma_wait3A_54, %dma_wait3A_55, %add3A_33] : memref<18x200x16384xf32, #tpu.memory_space<hbm>> -> memref<18x8x128xf32, #tpu.memory_space<hbm>>
    %dma_wait3A_57 = arith.constant 0 : i32
    %dma_wait3A_58 = arith.constant 0 : i32
    %dma_wait3A_59 = tpu.memref_slice %arg4[%dma_wait3A_57, %dma_wait3A_58, %add3A_33] : memref<18x200x16384xf32, #tpu.memory_space<hbm>> -> memref<18x8x128xf32, #tpu.memory_space<hbm>>
    tpu.wait_dma2 semaphore(%arg13 : memref<!tpu.dma_semaphore, #tpu.memory_space<semaphore_mem>>) src(%arg9 : memref<18x8x128xf32, #tpu.memory_space<vmem>>) dst(%dma_wait3A_59 : memref<18x8x128xf32, #tpu.memory_space<hbm>>)
    return
  }
}

</mosaic_0001>

<sc_bundles>
// kernel: kernel.3.cloned.1.call-start
scs
__scs_entry_jumppad:
0x0: {  	(pc) =	sbr.rel $0x88, $3  }
0x1: {  	(tag) =	ssettag $0x0;
	lr =	simm.s32 $0x1  }
0x2: {  	[smem:$0x3F9F] =	sst lr;
	_ =	strace $0xD0000000  }
0x3: {  	_ = 	snop  }
0x4: {  	_ = 	snop  }
0x5: {  	_ = 	snop  }
0x6: {  	_ = 	snop  }
0x7: {  	_ = 	snop  }
__scs_overlays_trampoline_lowered:
0x8: {  	[smem:$0x3FAE] =	sst s0  }
0x9: {  	[smem:$0x3FAF] =	sst s1  }
0xa: {  	[smem:$0x3FB0] =	sst s2  }
0xb: {  	[smem:$0x3FB1] =	sst s3  }
0xc: {  	[smem:$0x3FB2] =	sst s4  }
0xd: {  	[smem:$0x3FB3] =	sst s5  }
0xe: {  	[smem:$0x3FB4] =	sst s6  }
0xf: {  	[smem:$0x3FB5] =	sst s7  }
0x10: {  	[smem:$0x3FB6] =	sst s8  }
0x11: {  	[smem:$0x3FB7] =	sst s9;
	s0 =	simm.s32 @!p0 $0x0  }
0x12: {  	s1 =	sld [smem:$0x3F9D];
	s0 =	simm.s32 @p0 $0x1  }
0x13: {  	[smem:$0x3FB8] =	sst s0;
	s0 =	simm.s32 @!p1 $0x0  }
0x14: {  	s2 =	sld [smem:$0x3F9C];
	s0 =	simm.s32 @p1 $0x1  }
0x15: {  	[smem:$0x3FB9] =	sst s0;
	s0 =	simm.s32 @!p2 $0x0  }
0x16: {  	s3 =	sld [smem:$0x3FDB];
	s0 =	simm.s32 @p2 $0x1  }
0x17: {  	s4 =	simm.s32 $0x1BF5;
	[smem:$0x3FBB] =	sst s0  }
0x18: {  	s0 =	sld [smem:$0x3F9E];
	_ =	swait.ge [sflag:s4], $0x0  }
0x19: {  	s7 =	sld [smem:$0x3F9F]  }
0x1a: {  	s8 =	sadd.s32 $0xFFFFE003, lr  }
0x1b: {  	s9 =	sadd.s32 $0xFFFFFEF7, lr;
	s5 =	simm.s32 $0xFFFFFFFF;
	p2 =	slt.u32 s8, $0xFFFFF086  }
0x1c: {  	p1 =	slt.u32 s9, $0xF7A;
	s5 =	simm.s32 @!p2 $0x0  }
0x1d: {  	s5 =	simm.s32 @p1 $0x1;
	p0 =	seq.s32 s7, s2  }
0x1e: {  	s7 =	smul.u32 @!p0 $0xF7A, s2;
	p2 =	seq.s32 @!p0 s5, $0x0  }
0x1f: {  	s9 =	smul.u32 $0xF7A, s1;
	s8 =	simm.s32 @!p0 $0x1BF5;
	p2 =	por !p2, p0  }
0x20: {  	[sflag:s8] =	ssyncset.s32 @!p0 $0xFFFFF086;
	s6 =	sadd.s32 @!p0 s3, s7;
	s7 =	simm.s32 @!p0 $0x108  }
0x21: {  	s3 =	sadd.s32 s3, s9;
	s6 =	sadd.s32 @!p0 $0x88, s6;
	s7 =	simm.s32 @p2 $0x1082  }
0x22: {  	[simem:s7], [sflag:s8] =	dma.local @!p0 [hbm:s6], $0xF7A  }
0x23: {  	s9 =	sor.u32 $0xD0000000, s2;
	s6 =	simm.s32 $0x108;
	_ =	swait.ge @!p0 [sflag:s8], $0x0  }
0x24: {  	s3 =	sadd.s32 $0x88, s3;
	s6 =	simm.s32 @!p1 $0x1082;
	[sflag:s4] =	ssyncset.s32 $0xFFFFF086  }
0x25: {  	[simem:s6], [sflag:s4] =	dma.local [hbm:s3], $0xF7A  }
0x26: {  	[smem:$0x3F9F] =	sst s1;
	(tag) =	ssettag s2;
	_ =	strace s9  }
0x27: {  	s1 =	sld [smem:$0x3FAF]  }
0x28: {  	s2 =	sld [smem:$0x3FB0]  }
0x29: {  	s4 =	sld [smem:$0x3FB2]  }
0x2a: {  	p0 =	seq.s32 s5, $0x0;
	s5 =	sld [smem:$0x3FB3]  }
0x2b: {  	s6 =	sld [smem:$0x3FB4]  }
0x2c: {  	s7 =	sld [smem:$0x3FB5]  }
0x2d: {  	s3 =	simm.s32 $0x108;
	s8 =	sld [smem:$0x3FB6]  }
0x2e: {  	s3 =	simm.s32 @!p0 $0x1082;
	s9 =	sld [smem:$0x3FB7]  }
0x2f: {  	lr =	sadd.s32 s0, s3;
	s0 =	sld [smem:$0x3FAE]  }
0x30: {  	s3 =	sld [smem:$0x3FB1]  }
0x31: {  	[smem:$0x3FBA] =	sst s10  }
0x32: {  	s10 =	sld [smem:$0x3FB8];
	_ =	sdelay $0x3  }
0x33: {  	p0 =	seq.s32 s10, $0x1;
	s10 =	sld [smem:$0x3FBA];
	_ =	sdelay $0x3  }
0x34: {  	[smem:$0x3FBA] =	sst s10  }
0x35: {  	s10 =	sld [smem:$0x3FB9];
	_ =	sdelay $0x3  }
0x36: {  	p1 =	seq.s32 s10, $0x1;
	s10 =	sld [smem:$0x3FBA];
	_ =	sdelay $0x3  }
0x37: {  	[smem:$0x3FBA] =	sst s10  }
0x38: {  	s10 =	sld [smem:$0x3FBB]  }
0x39: {  	_ = 	snop;
	(pc) =	sbr.ind lr, $3  }
0x3a: {  	_ = 	snop  }
0x3b: {  	_ = 	snop  }
0x3c: {  	p2 =	seq.s32 s10, $0x1;
	s10 =	sld [smem:$0x3FBA]  }
0x3d: {  	_ =	shalt  }
0x3e: {  	_ =	shalt  }
0x3f: {  	_ =	shalt  }
0x40: {  	_ =	shalt  }
0x41: {  	_ =	shalt  }
0x42: {  	_ =	shalt  }
0x43: {  	_ =	shalt  }
0x44: {  	_ =	shalt  }
0x45: {  	_ =	shalt  }
0x46: {  	_ =	shalt  }
0x47: {  	_ =	shalt  }
0x48: {  	_ =	shalt  }
0x49: {  	_ =	shalt  }
0x4a: {  	_ =	shalt  }
0x4b: {  	_ =	shalt  }
0x4c: {  	_ =	shalt  }
0x4d: {  	_ =	shalt  }
0x4e: {  	_ =	shalt  }
0x4f: {  	_ =	shalt  }
0x50: {  	_ =	shalt  }
0x51: {  	_ =	shalt  }
0x52: {  	_ =	shalt  }
0x53: {  	_ =	shalt  }
0x54: {  	_ =	shalt  }
0x55: {  	_ =	shalt  }
0x56: {  	_ =	shalt  }
0x57: {  	_ =	shalt  }
0x58: {  	_ =	shalt  }
0x59: {  	_ =	shalt  }
0x5a: {  	_ =	shalt  }
0x5b: {  	_ =	shalt  }
0x5c: {  	_ =	shalt  }
0x5d: {  	_ =	shalt  }
0x5e: {  	_ =	shalt  }
0x5f: {  	_ =	shalt  }
0x60: {  	_ =	shalt  }
0x61: {  	_ =	shalt  }
0x62: {  	_ =	shalt  }
0x63: {  	_ =	shalt  }
0x64: {  	_ =	shalt  }
0x65: {  	_ =	shalt  }
0x66: {  	_ =	shalt  }
0x67: {  	_ =	shalt  }
0x68: {  	_ =	shalt  }
0x69: {  	_ =	shalt  }
0x6a: {  	_ =	shalt  }
0x6b: {  	_ =	shalt  }
0x6c: {  	_ =	shalt  }
0x6d: {  	_ =	shalt  }
0x6e: {  	_ =	shalt  }
0x6f: {  	_ =	shalt  }
0x70: {  	_ =	shalt  }
0x71: {  	_ =	shalt  }
0x72: {  	_ =	shalt  }
0x73: {  	_ =	shalt  }
0x74: {  	_ =	shalt  }
0x75: {  	_ =	shalt  }
0x76: {  	_ =	shalt  }
0x77: {  	_ =	shalt  }
0x78: {  	_ =	shalt  }
0x79: {  	_ =	shalt  }
0x7a: {  	_ =	shalt  }
0x7b: {  	_ =	shalt  }
0x7c: {  	_ =	shalt  }
0x7d: {  	_ =	shalt  }
0x7e: {  	_ =	shalt  }
0x7f: {  	_ =	shalt  }
0x80: {  	_ =	shalt  }
0x81: {  	_ =	shalt  }
0x82: {  	_ =	shalt  }
0x83: {  	_ =	shalt  }
0x84: {  	_ =	shalt  }
0x85: {  	_ =	shalt  }
0x86: {  	_ =	shalt  }
0x87: {  	_ =	shalt  }
.Lfunc_end0:
.L_simem_size_0:
called_computation_lowered:
.L_overlay_start_0:
0x88: {  	s2 =	sld [smem:$0x3FD9]  }
0x89: {  	s3 =	sld [smem:$0x3FFE];
	_ =	sdelay $0x1  }
0x8a: {  	s1 =	srdreg.scid  }
0x8b: {  	s0 =	sand.u32 $0x1, s1  }
0x8c: {  	s17 =	sshll.u32 s0, $0xA;
	s2 =	sadd.s32 s3, s2  }
0x8d: {  	s2 =	sadd.s32 s2, s17  }
0x8e: {  	[smem:$0x3FC6] =	sst s2  }
0x8f: {  	_ = 	snop  }
0x90: {  	s2 =	sld [smem:$0x3FC9]  }
0x91: {  	s18 =	sld [smem:$0x3FD0];
	(tm) =	ssettm $0x1  }
0x92: {  	s4 =	sld [smem:$0x3FFB];
	_ =	sdelay $0x3  }
0x93: {  	_ =	strace s4  }
0x94: {  	s4 =	sld [smem:$0x3FFC];
	_ =	sdelay $0x3  }
0x95: {  	_ =	strace s4  }
0x96: {  	s4 =	sld [smem:$0x3FFD];
	_ =	sdelay $0x3  }
0x97: {  	_ =	strace s4  }
0x98: {  	_ =	strace $0x8FFFFFFF  }
0x99: {  	s19 =	sld [smem:$0x3FDB];
	_ =	sdelay $0x1  }
0x9a: {  	s5 =	simm.s32 $_scs_section_size  }
0x9b: {  	s6 =	simm.s32 $_size__tile_overlayer_lowered;
	s7 =	simm.s32 $_tile_overlayer_lowered  }
0x9c: {  	s22 =	simm.s32 $0x1BFF;
	s21 =	sshll.u32 s7, $0x1;
	s4 =	sadd.s32 s5, s19  }
0x9d: {  	s8 =	simm.s32 $0x0;
	s20 =	sshll.u32 s6, $0x1;
	s6 =	sadd.s32 s21, s4  }
0x9e: {  	[timem:s8], [sflag:s22] =	dma.local [hbm:s6], s20  }
0x9f: {  	_ =	swait.ge [sflag:s22], s20  }
0xa0: {  	s5 =	ssub.s32 $0x0, s20;
	[sflag:s22] =	ssyncset.done $0x0  }
0xa1: {  	[sflag:s22] =	ssyncadd.s32 s5;
	_ =	sdelay $0x1  }
0xa2: {  	s23 =	simm.s32 $0x1B8B  }
0xa3: {  	_ =	swait.ge [sflag:s23], $0x1  }
0xa4: {  	[sflag:s23] =	ssyncset.done $0x0  }
0xa5: {  	s25 =	simm.s32 $0x1B8E;
	s24 =	sld [smem:$0x3FFE];
	[sflag:s23] =	ssyncadd.s32 $0xFFFFFFFF  }
0xa6: {  	s26 =	simm.s32 $execute0_lowered;
	[smem:$0x3FD2] =	sst s25  }
0xa7: {  	s6 =	sshll.u32 s26, $0x1;
	_ =	strace $0x80000046;
	[dreg:$0x1] =	wrdreg $0xFFFFFFFF  }
0xa8: {  	s28 =	simm.s32 $_size_execute0_lowered;
	s4 =	sadd.s32 s4, s6;
	[dreg:$0x0] =	wrdreg $0x0  }
0xa9: {  	s6 =	sshll.u32 s28, $0x1;
	[dreg:$0x2] =	wrdreg s4  }
0xaa: {  	[dreg:$0x3] =	wrdreg s6  }
0xab: {  	[dreg:$0x4] =	wrdreg $0xC0  }
0xac: {  	_ =	task [dreg:s8], $0x5FFFF  }
0xad: {  	[dreg:$0x1] =	wrdreg $0xFFFFFFFF  }
0xae: {  	[dreg:$0x0] =	wrdreg $0x60  }
0xaf: {  	[dreg:$0x2] =	wrdreg s2  }
0xb0: {  	[dreg:$0x3] =	wrdreg s24  }
0xb1: {  	[dreg:$0x4] =	wrdreg s18  }
0xb2: {  	[dreg:$0x5] =	wrdreg $0x9  }
0xb3: {  	_ =	task.clear_ibuf [dreg:s8], $0x6FFFF;
	_ =	strace $0x90000046  }
0xb4: {  	s29 =	simm.s32 $0x9;
	_ =	strace $0x80000048  }
0xb5: {  	_ =	swait.ge [sflag:s29], $0x1  }
0xb6: {  	[sflag:s29] =	ssyncadd.s32 $0xFFFFFFFF  }
0xb7: {  	_ =	strace $0x90000048  }
0xb8: {  	_ =	sfence  }
0xb9: {  	s30 =	sld [smem:$0x0];
	_ =	sdelay $0x2  }
0xba: {  	s31 =	sshll.u32 s1, $0xD;
	s1 =	sshrl.u32 s1, $0x2  }
0xbb: {  	s3 =	sand.u32 $0x4000, s31;
	s1 =	sadd.s32 s1, s30  }
0xbc: {  	s0 =	sor.u32 s3, s0;
	s1 =	sshll.u32 s1, $0x11  }
0xbd: {  	s0 =	sor.u32 s1, s0  }
0xbe: {  	s0 =	sadd.s32 $0x8F2B, s0  }
0xbf: {  	[sflag:s0] =	ssyncadd.remote.s32 $0x1  }
0xc0: {  	_ =	sfence.sel $0xFFFF  }
0xc1: {  	[dreg:$0x0] =	wrdreg $0xFFFFFFFF;
	(pc) =	sbr.abs _section_cstart, $3  }
0xc2: {  	[dreg:$0x1] =	wrdreg $0xFFFFFFFF  }
0xc3: {  	_ =	task.clear_ibuf [dreg:s8], $0x2FFFF;
	_ =	strace $0x9FFFFFFF  }
0xc4: {  	(tm) =	ssettm $0x7FFFFFFF  }
0xc5: {  	_ =	shalt  }
tec
execute0_lowered:
.L_overlay_start_1:
0x0: {  	(tag) =	ssettag $0x1  }
0x1: {  	s23 =	rddreg [dreg:$0x0]  }
0x2: {  	s0 =	srdreg.scid;
	s1 =	rddreg [dreg:$0x1]  }
0x3: {  	s2 =	stileid.u32;
	s3 =	rddreg [dreg:$0x2]  }
0x4: {  	s4 =	simm.s32 $0x0;
	s0 =	sand.u32 $0x1, s0;
	s2 =	sshll.u32 s2, $0xA  }
0x5: {  	[smem:$0x7FF] =	sst s4;
	s1 =	sadd.s32 $0x400, s1;
	s5 =	sshll.u32 s0, $0x9  }
0x6: {  	_ =	strace $0x80000047;
	[dreg:$0x5] =	wrdreg s1;
	s2 =	sor.u32 s5, s2  }
0x7: {  	s5 =	sshll.u32 s2, $0x3;
	s7 =	sadd.s32 s23, s2;
	s2 =	sadd.s32 s3, s2  }
0x8: {  	[dreg:$0xb] =	wrdreg s2  }
0x9: {  	s6 =	sor.u32 $0x400, s5;
	[dreg:$0x6] =	wrdreg s7  }
0xa: {  	s28 =	simm.s32 $0x4;
	s21 =	sor.u32 $0x20400, s5;
	[dreg:$0x4] =	wrdreg s6  }
0xb: {  	s0 =	ssub.s32 $0x2, s0;
	s22 =	sor.u32 $0x800, s5;
	[dreg:$0x8] =	wrdreg s21  }
0xc: {  	s19 =	sshrl.u32 s0, $0x1;
	s24 =	sor.u32 $0xC00, s5;
	[dreg:$0x9] =	wrdreg s22  }
0xd: {  	s0 =	ssub.s32 s0, s19;
	s26 =	sadd.s32 $0x4000, s7;
	[dreg:$0xa] =	wrdreg s24  }
0xe: {  	s30 =	sor.u32 $0x20800, s5;
	s31 =	sor.u32 $0x20C00, s5;
	[dreg:$0xc] =	wrdreg s26  }
0xf: {  	s0 =	smax.u32 s0, $0x1;
	s6 =	sshrl.u32 s6, $0x3;
	[dreg:$0xf] =	wrdreg s30  }
.Ltmp0:
0x10: {  	s1 =	sshrl.u32 s22, $0x3;
	[dreg:$0x10] =	wrdreg s31;
	(pc) =	sbr.rel .LBB2_1-.Ltmp0, $4  }
0x11: {  	s25 =	sshrl.u32 s24, $0x3;
	[dreg:$0x11] =	wrdreg s0;
	s20 =	sadd.s32 s23, s6  }
0x12: {  	s22 =	simm.s32 $0x1;
	s1 =	sadd.s32 s23, s1;
	[dreg:$0x7] =	wrdreg s20  }
0x13: {  	s24 =	simm.s32 $0x320000;
	s29 =	sadd.s32 s23, s25;
	[dreg:$0xd] =	wrdreg s1  }
0x14: {  	s26 =	simm.s32 $0x2;
	[dreg:$0xe] =	wrdreg s29;
	s1 =	simm.s32 $0x0  }
.LBB2_23:
0x15: {  	s0 =	simm.s32 $0x3  }
0x16: {  	_ =	swait.ge [sflag:s0], $0x4800  }
0x17: {  	[sflag:s0] =	ssyncset.done $0x0  }
0x18: {  	[sflag:s0] =	ssyncadd.s32 $0xFFFFB800  }
0x19: {  	_ =	swait.ge [sflag:s28], $0x4800  }
0x1a: {  	s1 =	rddreg [dreg:$0x12]  }
0x1b: {  	s31 =	rddreg [dreg:$0x11];
	s1 =	sadd.s32 $0x1, s1  }
0x1c: {  	p0 =	sne.s32 s1, s31  }
.Ltmp1:
0x1d: {  	_ = 	snop;
	(pc) =	sbr.rel @!p0 .LBB2_24-.Ltmp1, $4  }
0x1e: {  	_ = 	snop  }
0x1f: {  	[sflag:s28] =	ssyncset.done $0x0  }
0x20: {  	[sflag:s28] =	ssyncadd.s32 $0xFFFFB800  }
0x21: {  	s23 =	rddreg [dreg:$0x0]  }
.LBB2_1:
0x22: {  	[dreg:$0x12] =	wrdreg s1  }
0x23: {  	s0 =	rddreg [dreg:$0x5];
	s21 =	simm.s32 $0x5  }
0x24: {  	[tilespmem:s4], [sflag:$0x5] =	stream.linear.gather [hbm4b:s0+s4], $0x500, $0x38;
	[tilespmem:$0x9D00] =	vst v63  }
0x25: {  	_ =	swait.ge [sflag:s21], $0x500  }
0x26: {  	[sflag:s21] =	ssyncset.done $0x0  }
0x27: {  	s29 =	simm.s32 $0x500;
	s25 =	rddreg [dreg:$0x6];
	[sflag:s21] =	ssyncadd.s32 $0xFFFFFB00  }
0x28: {  	[tilespmem:s29], [sflag:$0x1] =	stream.linear.gather [hbm4b:s25+s4], $0x400, $0x38;
	[tilespmem:$0x9D00] =	vst v63  }
0x29: {  	s31 =	simm.s32 $0x900;
	s0 =	simm.s32 $0x0;
	s30 =	rddreg [dreg:$0x7]  }
0x2a: {  	[tilespmem:s31], [sflag:$0x2] =	stream.linear.gather [hbm4b:s30+s4], $0x400, $0x38;
	[tilespmem:$0x9D00] =	vst v63  }
.LBB2_2:
0x2b: {  	_ =	swait.ge [sflag:s22], $0x400  }
0x2c: {  	p0 =	seq.s32 s0, $0x0;
	[sflag:s22] =	ssyncset.done $0x0  }
0x2d: {  	s2 =	simm.s32 $0x0;
	s1 =	simm.s32 @!p0 $0x3;
	[sflag:s22] =	ssyncadd.s32 $0xFFFFFC00  }
0x2e: {  	s30 =	sand.u32 $0x60, s2;
	_ =	swait.ge @!p0 [sflag:s1], $0x4800  }
0x2f: {  	s20 =	sand.u32 $0x380, s2;
	s16 =	sor.u32 $0x10, s30;
	[sflag:s1] =	ssyncset.done @!p0 $0x0  }
0x30: {  	s8 =	sor.u32 s20, s16;
	[sflag:s1] =	ssyncadd.s32 @!p0 $0xFFFFB800  }
0x31: {  	v0 =	vld [tilespmem:s8+$0x500];
	_ =	sdelay $0x4  }
0x32: {  	v7 =	vmul.u32 $0x12, v0  }
0x33: {  	s9 =	simm.s32 $0x500  }
0x34: {  	v0 =	vld [tilespmem:s9+$0x0];
	_ =	sdelay $0x3  }
0x35: {  	v1 =	vld.idx.msk [tilespmem:v7+s4+$0x0], $0xffff  }
0x36: {  	v3 =	vor.u32 $0x1, v7;
	v2 =	vmul.u32 $0x12, v0;
	_ =	sdelay $0x3  }
0x37: {  	[tilespmem:s8+$0xD00] =	vst v1  }
0x38: {  	v0 =	vld.idx.msk [tilespmem:v3+s4+$0x0], $0xffff  }
0x39: {  	v1 =	vadd.s32 $0x2, v7;
	v3 =	vld.idx.msk [tilespmem:v2+s4+$0x0], $0xffff  }
0x3a: {  	v4 =	vor.u32 $0x1, v2  }
0x3b: {  	s10 =	sadd.s32 $0x1100, s20  }
0x3c: {  	s11 =	sor.u32 s16, s10  }
0x3d: {  	s12 =	simm.s32 $0xD00;
	[tilespmem:s11+$0x0] =	vst v0  }
0x3e: {  	[tilespmem:s12+$0x0] =	vst v3;
	v0 =	vld.idx.msk [tilespmem:v1+s4+$0x0], $0xffff  }
0x3f: {  	v1 =	vadd.s32 $0x3, v7;
	v3 =	vld.idx.msk [tilespmem:v4+s4+$0x0], $0xffff  }
0x40: {  	v4 =	vadd.s32 $0x2, v2  }
0x41: {  	s5 =	sadd.s32 $0x1500, s20  }
0x42: {  	s13 =	sor.u32 s16, s5  }
0x43: {  	s1 =	sor.u32 s30, s10;
	[tilespmem:s13+$0x0] =	vst v0  }
0x44: {  	s6 =	simm.s32 $0x20;
	[tilespmem:s1+$0x0] =	vst v3;
	v0 =	vld.idx.msk [tilespmem:v1+s4+$0x0], $0xffff  }
0x45: {  	s2 =	sand.u32 $0x60, s6;
	v1 =	vadd.s32 $0x4, v7;
	v3 =	vld.idx.msk [tilespmem:v4+s4+$0x0], $0xffff  }
0x46: {  	s8 =	sand.u32 $0x380, s6;
	s6 =	sor.u32 $0x10, s2;
	v4 =	vadd.s32 $0x3, v2  }
0x47: {  	s14 =	sadd.s32 $0x1900, s20;
	s7 =	sor.u32 s8, s6  }
0x48: {  	s10 =	sor.u32 s16, s14;
	s9 =	simm.s32 $0x520;
	v5 =	vld [tilespmem:s7+$0x500]  }
0x49: {  	s5 =	sor.u32 s30, s5;
	v6 =	vld [tilespmem:s9+$0x0];
	[tilespmem:s10+$0x0] =	vst v0  }
0x4a: {  	[tilespmem:s5+$0x0] =	vst v3;
	v8 =	vld.idx.msk [tilespmem:v1+s4+$0x0], $0xffff  }
0x4b: {  	v3 =	vadd.s32 $0x5, v7;
	v4 =	vld.idx.msk [tilespmem:v4+s4+$0x0], $0xffff  }
0x4c: {  	v9 =	vadd.s32 $0x4, v2  }
0x4d: {  	s15 =	sadd.s32 $0x1D00, s20;
	v1 =	vmul.u32 $0x12, v5  }
0x4e: {  	s17 =	sor.u32 s16, s15  }
0x4f: {  	s1 =	sor.u32 s30, s14;
	v0 =	vmul.u32 $0x12, v6;
	[tilespmem:s17+$0x0] =	vst v8  }
0x50: {  	[tilespmem:s1+$0x0] =	vst v4;
	v3 =	vld.idx.msk [tilespmem:v3+s4+$0x0], $0xffff  }
0x51: {  	v4 =	vadd.s32 $0x6, v7;
	v5 =	vld.idx.msk [tilespmem:v9+s4+$0x0], $0xffff  }
0x52: {  	v6 =	vadd.s32 $0x5, v2  }
0x53: {  	s18 =	sadd.s32 $0x2100, s20;
	v8 =	vld.idx.msk [tilespmem:v1+s4+$0x0], $0xffff  }
0x54: {  	s19 =	sor.u32 s16, s18;
	v9 =	vor.u32 $0x1, v1  }
0x55: {  	s5 =	sor.u32 s30, s15;
	v10 =	vld.idx.msk [tilespmem:v0+s4+$0x0], $0xffff;
	[tilespmem:s19+$0x0] =	vst v3  }
0x56: {  	v3 =	vor.u32 $0x1, v0;
	[tilespmem:s5+$0x0] =	vst v5;
	v4 =	vld.idx.msk [tilespmem:v4+s4+$0x0], $0xffff  }
0x57: {  	v5 =	vadd.s32 $0x7, v7;
	v6 =	vld.idx.msk [tilespmem:v6+s4+$0x0], $0xffff  }
0x58: {  	[tilespmem:s7+$0xD00] =	vst v8;
	v8 =	vadd.s32 $0x6, v2  }
0x59: {  	s21 =	simm.s32 $0xD20;
	s25 =	sadd.s32 $0x2500, s20;
	v9 =	vld.idx.msk [tilespmem:v9+s4+$0x0], $0xffff  }
0x5a: {  	s29 =	sor.u32 s16, s25;
	[tilespmem:s21+$0x0] =	vst v10  }
0x5b: {  	s1 =	sor.u32 s30, s18;
	v10 =	vadd.s32 $0x2, v1;
	v3 =	vld.idx.msk [tilespmem:v3+s4+$0x0], $0xffff;
	[tilespmem:s29+$0x0] =	vst v4  }
0x5c: {  	s3 =	sadd.s32 $0x1100, s8;
	v4 =	vadd.s32 $0x2, v0;
	[tilespmem:s1+$0x0] =	vst v6;
	v5 =	vld.idx.msk [tilespmem:v5+s4+$0x0], $0xffff  }
0x5d: {  	s9 =	sor.u32 s6, s3;
	v6 =	vadd.s32 $0x8, v7;
	v8 =	vld.idx.msk [tilespmem:v8+s4+$0x0], $0xffff  }
0x5e: {  	[tilespmem:s9+$0x0] =	vst v9;
	v9 =	vadd.s32 $0x7, v2  }
0x5f: {  	s11 =	sadd.s32 $0x2900, s20;
	s10 =	sor.u32 s2, s3  }
0x60: {  	s12 =	sor.u32 s16, s11;
	v10 =	vld.idx.msk [tilespmem:v10+s4+$0x0], $0xffff;
	[tilespmem:s10+$0x0] =	vst v3  }
0x61: {  	s13 =	sor.u32 s30, s25;
	v3 =	vadd.s32 $0x3, v1;
	v4 =	vld.idx.msk [tilespmem:v4+s4+$0x0], $0xffff;
	[tilespmem:s12+$0x0] =	vst v5  }
0x62: {  	v5 =	vadd.s32 $0x3, v0;
	[tilespmem:s13+$0x0] =	vst v8;
	v6 =	vld.idx.msk [tilespmem:v6+s4+$0x0], $0xffff  }
0x63: {  	s14 =	sadd.s32 $0x1500, s8;
	v9 =	vld.idx.msk [tilespmem:v9+s4+$0x0], $0xffff  }
0x64: {  	s15 =	sor.u32 s6, s14;
	s17 =	simm.s32 $0x540;
	s21 =	simm.s32 $0x40;
	v8 =	vadd.s32 $0x9, v7  }
0x65: {  	s18 =	sor.u32 s2, s14;
	v11 =	vld [tilespmem:s17+$0x0];
	s19 =	sadd.s32 $0x2D00, s20;
	[tilespmem:s15+$0x0] =	vst v10;
	v10 =	vadd.s32 $0x8, v2;
	s15 =	sand.u32 $0x60, s21  }
0x66: {  	s14 =	sand.u32 $0x380, s21;
	s25 =	sor.u32 s16, s19;
	s7 =	sor.u32 $0x10, s15;
	v3 =	vld.idx.msk [tilespmem:v3+s4+$0x0], $0xffff;
	[tilespmem:s18+$0x0] =	vst v4  }
0x67: {  	s29 =	sor.u32 s30, s11;
	s9 =	sor.u32 s14, s7;
	v4 =	vadd.s32 $0x4, v1;
	v5 =	vld.idx.msk [tilespmem:v5+s4+$0x0], $0xffff;
	[tilespmem:s25+$0x0] =	vst v6  }
0x68: {  	v6 =	vadd.s32 $0x4, v0;
	[tilespmem:s29+$0x0] =	vst v9;
	v9 =	vld [tilespmem:s9+$0x500]  }
0x69: {  	s3 =	sadd.s32 $0x1900, s8;
	v8 =	vld.idx.msk [tilespmem:v8+s4+$0x0], $0xffff  }
0x6a: {  	v12 =	vadd.s32 $0xA, v7;
	s11 =	sor.u32 s6, s3;
	v10 =	vld.idx.msk [tilespmem:v10+s4+$0x0], $0xffff  }
0x6b: {  	v13 =	vadd.s32 $0x9, v2;
	s12 =	sor.u32 s2, s3;
	[tilespmem:s11+$0x0] =	vst v3;
	v3 =	vmul.u32 $0x12, v11  }
0x6c: {  	s13 =	sadd.s32 $0x3100, s20;
	v14 =	vld.idx.msk [tilespmem:v4+s4+$0x0], $0xffff;
	[tilespmem:s12+$0x0] =	vst v5  }
0x6d: {  	s17 =	sor.u32 s16, s13;
	v5 =	vadd.s32 $0x5, v1;
	v6 =	vld.idx.msk [tilespmem:v6+s4+$0x0], $0xffff  }
0x6e: {  	s10 =	sor.u32 s30, s19;
	v4 =	vmul.u32 $0x12, v9;
	[tilespmem:s17+$0x0] =	vst v8;
	v8 =	vadd.s32 $0x5, v0  }
0x6f: {  	s18 =	sadd.s32 $0x1D00, s8;
	[tilespmem:s10+$0x0] =	vst v10;
	v9 =	vld.idx.msk [tilespmem:v12+s4+$0x0], $0xffff  }
0x70: {  	s19 =	sor.u32 s6, s18;
	v11 =	vadd.s32 $0xB, v7;
	v10 =	vld.idx.msk [tilespmem:v13+s4+$0x0], $0xffff  }
0x71: {  	s5 =	sor.u32 s2, s18;
	v12 =	vadd.s32 $0xA, v2;
	[tilespmem:s19+$0x0] =	vst v14;
	v13 =	vld.idx.msk [tilespmem:v3+s4+$0x0], $0xffff  }
0x72: {  	s21 =	sadd.s32 $0x3500, s20;
	v5 =	vld.idx.msk [tilespmem:v5+s4+$0x0], $0xffff;
	[tilespmem:s5+$0x0] =	vst v6  }
0x73: {  	s25 =	sor.u32 s16, s21;
	v6 =	vadd.s32 $0x6, v1;
	v8 =	vld.idx.msk [tilespmem:v8+s4+$0x0], $0xffff  }
0x74: {  	s1 =	sor.u32 s30, s13;
	v14 =	vor.u32 $0x1, v3;
	v15 =	vld.idx.msk [tilespmem:v4+s4+$0x0], $0xffff;
	[tilespmem:s25+$0x0] =	vst v9  }
0x75: {  	s29 =	sadd.s32 $0x2100, s8;
	v9 =	vadd.s32 $0x6, v0;
	[tilespmem:s1+$0x0] =	vst v10;
	v10 =	vld.idx.msk [tilespmem:v11+s4+$0x0], $0xffff  }
0x76: {  	s3 =	sor.u32 s6, s29;
	s25 =	simm.s32 $0x560;
	v11 =	vor.u32 $0x1, v4;
	v12 =	vld.idx.msk [tilespmem:v12+s4+$0x0], $0xffff  }
0x77: {  	s11 =	simm.s32 $0xD40;
	v16 =	vld [tilespmem:s25+$0x0];
	[tilespmem:s3+$0x0] =	vst v5;
	v5 =	vadd.s32 $0xC, v7  }
0x78: {  	[tilespmem:s11+$0x0] =	vst v13;
	s11 =	sor.u32 s2, s29;
	v13 =	vadd.s32 $0xB, v2;
	v6 =	vld.idx.msk [tilespmem:v6+s4+$0x0], $0xffff  }
0x79: {  	s12 =	sadd.s32 $0x3900, s20;
	v14 =	vld.idx.msk [tilespmem:v14+s4+$0x0], $0xffff;
	[tilespmem:s11+$0x0] =	vst v8;
	v8 =	vadd.s32 $0x7, v1  }
0x7a: {  	s13 =	sor.u32 s16, s12;
	[tilespmem:s9+$0xD00] =	vst v15;
	v15 =	vadd.s32 $0x2, v3;
	v9 =	vld.idx.msk [tilespmem:v9+s4+$0x0], $0xffff  }
0x7b: {  	s17 =	sadd.s32 $0x2500, s8;
	s5 =	sor.u32 s30, s21;
	v11 =	vld.idx.msk [tilespmem:v11+s4+$0x0], $0xffff;
	[tilespmem:s13+$0x0] =	vst v10;
	v10 =	vadd.s32 $0x7, v0  }
0x7c: {  	s18 =	sor.u32 s6, s17;
	s21 =	sadd.s32 $0x1100, s14;
	[tilespmem:s5+$0x0] =	vst v12;
	v12 =	vadd.s32 $0x2, v4;
	v5 =	vld.idx.msk [tilespmem:v5+s4+$0x0], $0xffff  }
0x7d: {  	s9 =	sor.u32 s15, s21;
	v13 =	vld.idx.msk [tilespmem:v13+s4+$0x0], $0xffff;
	[tilespmem:s18+$0x0] =	vst v6;
	v6 =	vadd.s32 $0xD, v7  }
0x7e: {  	s19 =	sor.u32 s2, s17;
	[tilespmem:s9+$0x0] =	vst v14;
	v8 =	vld.idx.msk [tilespmem:v8+s4+$0x0], $0xffff  }
0x7f: {  	s29 =	sor.u32 s7, s21;
	s3 =	sadd.s32 $0x3D00, s20;
	v15 =	vld.idx.msk [tilespmem:v15+s4+$0x0], $0xffff;
	[tilespmem:s19+$0x0] =	vst v9;
	v9 =	vadd.s32 $0xC, v2  }
0x80: {  	s11 =	sor.u32 s16, s3;
	[tilespmem:s29+$0x0] =	vst v11;
	v10 =	vld.idx.msk [tilespmem:v10+s4+$0x0], $0xffff;
	v11 =	vadd.s32 $0x8, v1  }
0x81: {  	v17 =	vadd.s32 $0x8, v0;
	s1 =	sor.u32 s30, s12;
	s12 =	sadd.s32 $0x2900, s8;
	v12 =	vld.idx.msk [tilespmem:v12+s4+$0x0], $0xffff;
	[tilespmem:s11+$0x0] =	vst v5  }
0x82: {  	s13 =	sor.u32 s6, s12;
	v14 =	vadd.s32 $0x3, v4;
	s18 =	sadd.s32 $0x1500, s14;
	[tilespmem:s1+$0x0] =	vst v13;
	v6 =	vld.idx.msk [tilespmem:v6+s4+$0x0], $0xffff  }
0x83: {  	s9 =	sor.u32 s15, s18;
	v13 =	vadd.s32 $0xE, v7;
	[tilespmem:s13+$0x0] =	vst v8  }
0x84: {  	s17 =	sor.u32 s2, s12;
	[tilespmem:s9+$0x0] =	vst v15;
	v8 =	vld.idx.msk [tilespmem:v9+s4+$0x0], $0xffff;
	v9 =	vadd.s32 $0x3, v3  }
0x85: {  	s19 =	sor.u32 s7, s18;
	s1 =	sadd.s32 $0x4100, s20;
	v11 =	vld.idx.msk [tilespmem:v11+s4+$0x0], $0xffff;
	[tilespmem:s17+$0x0] =	vst v10;
	v10 =	vadd.s32 $0xD, v2  }
0x86: {  	s21 =	sor.u32 s16, s1;
	[tilespmem:s19+$0x0] =	vst v12;
	v12 =	vld.idx.msk [tilespmem:v17+s4+$0x0], $0xffff  }
0x87: {  	v5 =	vmul.u32 $0x12, v16;
	v16 =	vadd.s32 $0x9, v1;
	s9 =	simm.s32 $0x60;
	v14 =	vld.idx.msk [tilespmem:v14+s4+$0x0], $0xffff;
	[tilespmem:s21+$0x0] =	vst v6  }
0x88: {  	s5 =	sor.u32 s30, s3;
	s13 =	sand.u32 $0x60, s9;
	v6 =	vld.idx.msk [tilespmem:v13+s4+$0x0], $0xffff  }
0x89: {  	s25 =	sadd.s32 $0x2D00, s8;
	s18 =	sor.u32 $0x10, s13;
	s19 =	sand.u32 $0x380, s9;
	v17 =	vadd.s32 $0x9, v0;
	v9 =	vld.idx.msk [tilespmem:v9+s4+$0x0], $0xffff;
	[tilespmem:s5+$0x0] =	vst v8  }
0x8a: {  	s29 =	sor.u32 s6, s25;
	v13 =	vadd.s32 $0x4, v4;
	s5 =	sor.u32 s19, s18;
	v8 =	vld.idx.msk [tilespmem:v10+s4+$0x0], $0xffff  }
0x8b: {  	s10 =	sor.u32 s2, s25;
	s3 =	sadd.s32 $0x1900, s14;
	[tilespmem:s29+$0x0] =	vst v11;
	v10 =	vadd.s32 $0xF, v7;
	v18 =	vld [tilespmem:s5+$0x500]  }
0x8c: {  	s12 =	sor.u32 s7, s3;
	s21 =	sadd.s32 $0x4500, s20;
	v11 =	vadd.s32 $0x4, v3;
	v15 =	vld.idx.msk [tilespmem:v16+s4+$0x0], $0xffff;
	[tilespmem:s10+$0x0] =	vst v12  }
0x8d: {  	v19 =	vadd.s32 $0xE, v2;
	s17 =	sor.u32 s16, s21;
	v16 =	vld.idx.msk [tilespmem:v5+s4+$0x0], $0xffff;
	[tilespmem:s12+$0x0] =	vst v14  }
0x8e: {  	s11 =	sor.u32 s15, s3;
	v14 =	vadd.s32 $0xA, v1;
	v17 =	vld.idx.msk [tilespmem:v17+s4+$0x0], $0xffff;
	[tilespmem:s17+$0x0] =	vst v6  }
0x8f: {  	s1 =	sor.u32 s30, s1;
	v20 =	vor.u32 $0x1, v5;
	v13 =	vld.idx.msk [tilespmem:v13+s4+$0x0], $0xffff;
	[tilespmem:s11+$0x0] =	vst v9;
	s11 =	sadd.s32 $0x3100, s8  }
0x90: {  	v12 =	vadd.s32 $0x5, v4;
	v10 =	vld.idx.msk [tilespmem:v10+s4+$0x0], $0xffff;
	s25 =	sor.u32 s6, s11;
	[tilespmem:s1+$0x0] =	vst v8  }
0x91: {  	s17 =	simm.s32 $0xD60;
	v11 =	vld.idx.msk [tilespmem:v11+s4+$0x0], $0xffff;
	v6 =	vmul.u32 $0x12, v18;
	v18 =	vadd.s32 $0xA, v0;
	[tilespmem:s25+$0x0] =	vst v15  }
0x92: {  	s29 =	sadd.s32 $0x1D00, s14;
	v15 =	vadd.s32 $0x10, v7;
	[tilespmem:s17+$0x0] =	vst v16;
	v16 =	vld.idx.msk [tilespmem:v19+s4+$0x0], $0xffff  }
0x93: {  	s3 =	sor.u32 s7, s29;
	v8 =	vadd.s32 $0x5, v3;
	v14 =	vld.idx.msk [tilespmem:v14+s4+$0x0], $0xffff  }
0x94: {  	s11 =	sor.u32 s2, s11;
	s25 =	sadd.s32 $0x4900, s20;
	v9 =	vld.idx.msk [tilespmem:v20+s4+$0x0], $0xffff;
	[tilespmem:s3+$0x0] =	vst v13  }
0x95: {  	s12 =	sor.u32 s16, s25;
	[tilespmem:s11+$0x0] =	vst v17;
	v13 =	vadd.s32 $0xB, v1;
	v12 =	vld.idx.msk [tilespmem:v12+s4+$0x0], $0xffff  }
0x96: {  	s1 =	sor.u32 s15, s29;
	[tilespmem:s12+$0x0] =	vst v10;
	v10 =	vadd.s32 $0xF, v2;
	v17 =	vld.idx.msk [tilespmem:v18+s4+$0x0], $0xffff  }
0x97: {  	s3 =	sor.u32 s30, s21;
	[tilespmem:s1+$0x0] =	vst v11;
	s1 =	sadd.s32 $0x3500, s8;
	v11 =	vld.idx.msk [tilespmem:v15+s4+$0x0], $0xffff;
	v15 =	vadd.s32 $0x6, v4  }
0x98: {  	v21 =	vadd.s32 $0xB, v0;
	s12 =	sadd.s32 $0x2100, s14;
	v8 =	vld.idx.msk [tilespmem:v8+s4+$0x0], $0xffff;
	s29 =	sor.u32 s6, s1;
	[tilespmem:s3+$0x0] =	vst v16  }
0x99: {  	v7 =	vadd.s32 $0x11, v7;
	v19 =	vld.idx.msk [tilespmem:v6+s4+$0x0], $0xffff;
	[tilespmem:s29+$0x0] =	vst v14;
	s29 =	sor.u32 s7, s12  }
0x9a: {  	s21 =	sadd.s32 $0x4D00, s20;
	s1 =	sor.u32 s2, s1;
	v14 =	vadd.s32 $0x6, v3;
	v13 =	vld.idx.msk [tilespmem:v13+s4+$0x0], $0xffff;
	[tilespmem:s29+$0x0] =	vst v12  }
0x9b: {  	v16 =	vor.u32 $0x1, v6;
	s3 =	sor.u32 s16, s21;
	v10 =	vld.idx.msk [tilespmem:v10+s4+$0x0], $0xffff;
	[tilespmem:s1+$0x0] =	vst v17  }
0x9c: {  	v18 =	vadd.s32 $0xC, v1;
	s11 =	sor.u32 s15, s12;
	v63 =	vld.idx.msk [tilespmem:v15+s4+$0x0], $0xffff;
	[tilespmem:s3+$0x0] =	vst v11  }
0x9d: {  	v22 =	vadd.s32 $0x10, v2;
	[tilespmem:s11+$0x0] =	vst v8;
	v8 =	vld.idx.msk [tilespmem:v21+s4+$0x0], $0xffff  }
0x9e: {  	s11 =	sadd.s32 $0x3900, s8;
	[tilespmem:s5+$0xD00] =	vst v19;
	v19 =	vadd.s32 $0x7, v4;
	v23 =	vld.idx.msk [tilespmem:v7+s4+$0x0], $0xffff  }
0x9f: {  	v12 =	vld.idx.msk [tilespmem:v14+s4+$0x0], $0xffff;
	s12 =	sor.u32 s6, s11  }
0xa0: {  	s10 =	simm.s32 $0x580;
	s25 =	sor.u32 s30, s25;
	s29 =	sadd.s32 $0x2500, s14;
	v15 =	vld.idx.msk [tilespmem:v16+s4+$0x0], $0xffff;
	v14 =	vadd.s32 $0x7, v3;
	[tilespmem:s12+$0x0] =	vst v13  }
0xa1: {  	s31 =	sor.u32 s30, s21;
	s21 =	sadd.s32 $0x5100, s20;
	s3 =	sor.u32 s7, s29;
	v16 =	vadd.s32 $0x2, v6;
	v11 =	vld.idx.msk [tilespmem:v18+s4+$0x0], $0xffff;
	[tilespmem:s25+$0x0] =	vst v10  }
0xa2: {  	s1 =	sadd.s32 $0x1100, s19;
	s25 =	sor.u32 s15, s29;
	s29 =	sor.u32 s16, s21;
	v10 =	vadd.s32 $0xD, v1;
	[tilespmem:s3+$0x0] =	vst v63;
	v7 =	vld.idx.msk [tilespmem:v22+s4+$0x0], $0xffff  }
0xa3: {  	v17 =	vadd.s32 $0x2, v5;
	s5 =	sor.u32 s30, s21;
	s20 =	sor.u32 s2, s11;
	s12 =	simm.s32 $0x6;
	v13 =	vld.idx.msk [tilespmem:v19+s4+$0x0], $0xffff;
	[tilespmem:s29+$0x0] =	vst v23  }
.LBB2_3:
0xa4: {  	v18 =	vld [tilespmem:s10+$0x0];
	s21 =	sor.u32 s13, s1;
	s1 =	sor.u32 s18, s1;
	[tilespmem:s25+$0x0] =	vst v12;
	v12 =	vadd.s32 $0xC, v0;
	s11 =	sadd.s32 $0x3D00, s8  }
0xa5: {  	[tilespmem:s1+$0x0] =	vst v15;
	v14 =	vld.idx.msk [tilespmem:v14+s4+$0x0], $0xffff;
	v15 =	vadd.s32 $0x8, v4;
	s1 =	sor.u32 s2, s11;
	s16 =	sor.u32 s6, s11;
	s11 =	smov.u32 s13  }
0xa6: {  	v16 =	vld.idx.msk [tilespmem:v16+s4+$0x0], $0xffff;
	[tilespmem:s16+$0x0] =	vst v11;
	v11 =	vadd.s32 $0x11, v2;
	v2 =	vmovc v0;
	v0 =	vmov v3;
	v3 =	vmov v5;
	s16 =	smov.u32 s8;
	s8 =	smov.u32 s14;
	s14 =	smov.u32 s19  }
0xa7: {  	[tilespmem:s21+$0x0] =	vst v9;
	s13 =	sadd.s32 $0x2900, s8;
	v9 =	vadd.s32 $0x8, v0;
	v10 =	vld.idx.msk [tilespmem:v10+s4+$0x0], $0xffff;
	s21 =	smov.u32 s6;
	s6 =	smov.u32 s7  }
0xa8: {  	v19 =	vadd.s32 $0x3, v6;
	s7 =	smov.u32 s18;
	v17 =	vld.idx.msk [tilespmem:v17+s4+$0x0], $0xffff;
	s19 =	sor.u32 s15, s13;
	s13 =	sor.u32 s6, s13;
	[tilespmem:s20+$0x0] =	vst v8  }
0xa9: {  	[tilespmem:s13+$0x0] =	vst v13;
	v8 =	vld.idx.msk [tilespmem:v12+s4+$0x0], $0xffff;
	v12 =	vadd.s32 $0xE, v1  }
0xaa: {  	s13 =	sadd.s32 $0x1500, s14;
	v13 =	vadd.s32 $0x3, v3;
	v15 =	vld.idx.msk [tilespmem:v15+s4+$0x0], $0xffff;
	[tilespmem:s31+$0x0] =	vst v7  }
0xab: {  	s18 =	sor.u32 s11, s13;
	s13 =	sor.u32 s7, s13;
	v7 =	vadd.s32 $0xD, v2;
	[tilespmem:s19+$0x0] =	vst v14;
	s19 =	sadd.s32 $0x4100, s16;
	v11 =	vld.idx.msk [tilespmem:v11+s4+$0x0], $0xffff  }
0xac: {  	v5 =	vmul.u32 $0x12, v18;
	v14 =	vadd.s32 $0x9, v4;
	[tilespmem:s13+$0x0] =	vst v16;
	v9 =	vld.idx.msk [tilespmem:v9+s4+$0x0], $0xffff;
	s20 =	sor.u32 s2, s19;
	s13 =	sor.u32 s21, s19  }
0xad: {  	v16 =	vld.idx.msk [tilespmem:v19+s4+$0x0], $0xffff;
	[tilespmem:s13+$0x0] =	vst v10  }
0xae: {  	s13 =	sadd.s32 $0x2D00, s8;
	[tilespmem:s18+$0x0] =	vst v17;
	v10 =	vld.idx.msk [tilespmem:v12+s4+$0x0], $0xffff  }
0xaf: {  	s9 =	sadd.s32 $0x20, s9;
	s25 =	sor.u32 s15, s13;
	s18 =	sor.u32 s6, s13;
	v12 =	vld.idx.msk [tilespmem:v13+s4+$0x0], $0xffff;
	v13 =	vadd.s32 $0x4, v6;
	[tilespmem:s1+$0x0] =	vst v8  }
0xb0: {  	s12 =	sadd.s32 $0x2, s12;
	s19 =	sand.u32 $0x380, s9;
	s13 =	sand.u32 $0x60, s9;
	v8 =	vadd.s32 $0xF, v1;
	[tilespmem:s18+$0x0] =	vst v15;
	v7 =	vld.idx.msk [tilespmem:v7+s4+$0x0], $0xffff  }
0xb1: {  	p1 =	slt.u32 s12, $0x3E;
	s1 =	sadd.s32 $0x1900, s14;
	s18 =	sor.u32 $0x10, s13;
	v15 =	vadd.s32 $0x4, v3;
	v14 =	vld.idx.msk [tilespmem:v14+s4+$0x0], $0xffff;
	[tilespmem:s5+$0x0] =	vst v11  }
0xb2: {  	s29 =	sor.u32 s7, s1;
	s5 =	sor.u32 s19, s18;
	v11 =	vld.idx.msk [tilespmem:v5+s4+$0x0], $0xffff;
	[tilespmem:s25+$0x0] =	vst v9;
	v9 =	vadd.s32 $0x9, v0;
	s25 =	sadd.s32 $0x4500, s16  }
0xb3: {  	s30 =	sor.u32 s11, s1;
	v17 =	vld [tilespmem:s5+$0x500];
	[tilespmem:s29+$0x0] =	vst v16;
	v16 =	vadd.s32 $0xA, v4;
	s1 =	sor.u32 s2, s25;
	s25 =	sor.u32 s21, s25  }
0xb4: {  	v18 =	vadd.s32 $0xE, v2;
	v13 =	vld.idx.msk [tilespmem:v13+s4+$0x0], $0xffff;
	[tilespmem:s25+$0x0] =	vst v10  }
0xb5: {  	v10 =	vor.u32 $0x1, v5;
	s25 =	sadd.s32 $0x3100, s8;
	[tilespmem:s30+$0x0] =	vst v12;
	v8 =	vld.idx.msk [tilespmem:v8+s4+$0x0], $0xffff  }
0xb6: {  	s30 =	sor.u32 s15, s25;
	s25 =	sor.u32 s6, s25;
	v12 =	vld.idx.msk [tilespmem:v15+s4+$0x0], $0xffff;
	v15 =	vadd.s32 $0x5, v6;
	[tilespmem:s20+$0x0] =	vst v7  }
0xb7: {  	v7 =	vld.idx.msk [tilespmem:v9+s4+$0x0], $0xffff;
	[tilespmem:s25+$0x0] =	vst v14;
	v14 =	vadd.s32 $0x10, v1  }
0xb8: {  	s17 =	sadd.s32 $0x20, s17;
	v19 =	vadd.s32 $0x5, v3;
	s20 =	sadd.s32 $0x1D00, s14;
	v17 =	vmul.u32 $0x12, v17;
	v16 =	vld.idx.msk [tilespmem:v16+s4+$0x0], $0xffff  }
0xb9: {  	s31 =	sadd.s32 $0x4900, s16;
	s25 =	sor.u32 s11, s20;
	s20 =	sor.u32 s7, s20;
	[tilespmem:s17+$0x0] =	vst v11;
	v11 =	vld.idx.msk [tilespmem:v18+s4+$0x0], $0xffff  }
0xba: {  	s29 =	sor.u32 s2, s31;
	v9 =	vld.idx.msk [tilespmem:v10+s4+$0x0], $0xffff;
	[tilespmem:s20+$0x0] =	vst v13;
	v10 =	vadd.s32 $0xB, v4;
	s20 =	sor.u32 s21, s31  }
0xbb: {  	v13 =	vld.idx.msk [tilespmem:v15+s4+$0x0], $0xffff;
	v15 =	vadd.s32 $0xA, v0;
	[tilespmem:s20+$0x0] =	vst v8  }
0xbc: {  	s20 =	sadd.s32 $0x3500, s8;
	v8 =	vadd.s32 $0xF, v2;
	[tilespmem:s25+$0x0] =	vst v12;
	v12 =	vld.idx.msk [tilespmem:v14+s4+$0x0], $0xffff  }
0xbd: {  	v18 =	vadd.s32 $0x6, v6;
	s25 =	sor.u32 s15, s20;
	s20 =	sor.u32 s6, s20;
	v14 =	vld.idx.msk [tilespmem:v19+s4+$0x0], $0xffff;
	[tilespmem:s30+$0x0] =	vst v7  }
0xbe: {  	v7 =	vld.idx.msk [tilespmem:v17+s4+$0x0], $0xffff;
	[tilespmem:s20+$0x0] =	vst v16;
	v16 =	vadd.s32 $0x11, v1;
	v1 =	vmovc v4;
	v4 =	vmov v6;
	v6 =	vmov v17  }
0xbf: {  	s20 =	sadd.s32 $0x2100, s14;
	v17 =	vadd.s32 $0x6, v3;
	v10 =	vld.idx.msk [tilespmem:v10+s4+$0x0], $0xffff;
	[tilespmem:s1+$0x0] =	vst v11  }
0xc0: {  	s30 =	sadd.s32 $0x4D00, s16;
	v11 =	vor.u32 $0x1, v6;
	s1 =	sor.u32 s11, s20;
	s20 =	sor.u32 s7, s20;
	v19 =	vld.idx.msk [tilespmem:v15+s4+$0x0], $0xffff  }
0xc1: {  	s31 =	sor.u32 s2, s30;
	[tilespmem:s20+$0x0] =	vst v13;
	v13 =	vadd.s32 $0xC, v1;
	v20 =	vld.idx.msk [tilespmem:v8+s4+$0x0], $0xffff;
	s20 =	sor.u32 s21, s30  }
0xc2: {  	v8 =	vadd.s32 $0xB, v0;
	v18 =	vld.idx.msk [tilespmem:v18+s4+$0x0], $0xffff;
	[tilespmem:s20+$0x0] =	vst v12  }
0xc3: {  	v21 =	vadd.s32 $0x10, v2;
	[tilespmem:s1+$0x0] =	vst v14;
	s1 =	sadd.s32 $0x3900, s8;
	v22 =	vld.idx.msk [tilespmem:v16+s4+$0x0], $0xffff  }
0xc4: {  	v23 =	vadd.s32 $0x7, v4;
	[tilespmem:s5+$0xD00] =	vst v7;
	v12 =	vld.idx.msk [tilespmem:v17+s4+$0x0], $0xffff;
	s20 =	sor.u32 s15, s1;
	s1 =	sor.u32 s6, s1  }
.Ltmp2:
0xc5: {  	v15 =	vld.idx.msk [tilespmem:v11+s4+$0x0], $0xffff;
	[tilespmem:s1+$0x0] =	vst v10;
	(pc) =	sbr.rel @p1 .LBB2_3-.Ltmp2, $4  }
0xc6: {  	v14 =	vadd.s32 $0x7, v3;
	s1 =	sadd.s32 $0x2500, s14;
	[tilespmem:s25+$0x0] =	vst v19;
	v11 =	vld.idx.msk [tilespmem:v13+s4+$0x0], $0xffff  }
0xc7: {  	s16 =	sadd.s32 $0x5100, s16;
	v16 =	vadd.s32 $0x2, v6;
	s25 =	sor.u32 s11, s1;
	s1 =	sor.u32 s7, s1;
	v8 =	vld.idx.msk [tilespmem:v8+s4+$0x0], $0xffff;
	[tilespmem:s29+$0x0] =	vst v20  }
0xc8: {  	s5 =	sor.u32 s2, s16;
	s16 =	sor.u32 s21, s16;
	s2 =	smov.u32 s15;
	v10 =	vadd.s32 $0xD, v1;
	[tilespmem:s1+$0x0] =	vst v18;
	v7 =	vld.idx.msk [tilespmem:v21+s4+$0x0], $0xffff  }
0xc9: {  	s10 =	sadd.s32 $0x20, s10;
	v17 =	vadd.s32 $0x2, v5;
	s15 =	smov.u32 s11;
	s1 =	sadd.s32 $0x1100, s19;
	v13 =	vld.idx.msk [tilespmem:v23+s4+$0x0], $0xffff;
	[tilespmem:s16+$0x0] =	vst v22  }
0xca: {  	_ =	sdelay $0x1  }
0xcb: {  	s9 =	sor.u32 s18, s1  }
0xcc: {  	s17 =	sor.u32 s13, s1;
	[tilespmem:s9+$0x0] =	vst v15  }
0xcd: {  	[tilespmem:s17+$0x0] =	vst v9;
	v15 =	vld.idx.msk [tilespmem:v16+s4+$0x0], $0xffff  }
0xce: {  	v39 =	vadd.s32 $0x3, v6;
	v9 =	vld.idx.msk [tilespmem:v17+s4+$0x0], $0xffff  }
0xcf: {  	v40 =	vadd.s32 $0x3, v5  }
0xd0: {  	s21 =	sadd.s32 $0x1500, s19  }
0xd1: {  	s29 =	sor.u32 s18, s21  }
0xd2: {  	s1 =	sor.u32 s13, s21;
	[tilespmem:s29+$0x0] =	vst v15  }
0xd3: {  	[tilespmem:s1+$0x0] =	vst v9;
	v15 =	vld.idx.msk [tilespmem:v39+s4+$0x0], $0xffff  }
0xd4: {  	v41 =	vadd.s32 $0x4, v6;
	v9 =	vld.idx.msk [tilespmem:v40+s4+$0x0], $0xffff  }
0xd5: {  	v42 =	vadd.s32 $0x4, v5  }
0xd6: {  	s30 =	sadd.s32 $0x1900, s19  }
0xd7: {  	s3 =	sor.u32 s18, s30  }
0xd8: {  	s1 =	sor.u32 s13, s30;
	[tilespmem:s3+$0x0] =	vst v15  }
0xd9: {  	[tilespmem:s1+$0x0] =	vst v9;
	v15 =	vld.idx.msk [tilespmem:v41+s4+$0x0], $0xffff  }
0xda: {  	v43 =	vadd.s32 $0x5, v6;
	v9 =	vld.idx.msk [tilespmem:v42+s4+$0x0], $0xffff  }
0xdb: {  	v44 =	vadd.s32 $0x5, v5  }
0xdc: {  	s10 =	sadd.s32 $0x1D00, s19  }
0xdd: {  	s11 =	sor.u32 s18, s10  }
0xde: {  	s1 =	sor.u32 s13, s10;
	[tilespmem:s11+$0x0] =	vst v15  }
0xdf: {  	[tilespmem:s1+$0x0] =	vst v9;
	v15 =	vld.idx.msk [tilespmem:v43+s4+$0x0], $0xffff  }
0xe0: {  	v45 =	vadd.s32 $0x6, v6;
	v9 =	vld.idx.msk [tilespmem:v44+s4+$0x0], $0xffff  }
0xe1: {  	v46 =	vadd.s32 $0x6, v5  }
0xe2: {  	s12 =	sadd.s32 $0x2100, s19  }
0xe3: {  	s16 =	sor.u32 s18, s12  }
0xe4: {  	s1 =	sor.u32 s13, s12;
	[tilespmem:s16+$0x0] =	vst v15  }
0xe5: {  	[tilespmem:s1+$0x0] =	vst v9;
	v15 =	vld.idx.msk [tilespmem:v45+s4+$0x0], $0xffff  }
0xe6: {  	v47 =	vadd.s32 $0x7, v6;
	v9 =	vld.idx.msk [tilespmem:v46+s4+$0x0], $0xffff  }
0xe7: {  	v48 =	vadd.s32 $0x7, v5  }
0xe8: {  	s17 =	sadd.s32 $0x2500, s19  }
0xe9: {  	[tilespmem:s25+$0x0] =	vst v12;
	s21 =	sor.u32 s18, s17  }
0xea: {  	v49 =	vadd.s32 $0x8, v4;
	v12 =	vld.idx.msk [tilespmem:v14+s4+$0x0], $0xffff;
	s1 =	sor.u32 s13, s17;
	[tilespmem:s21+$0x0] =	vst v15  }
0xeb: {  	v50 =	vadd.s32 $0x8, v3;
	[tilespmem:s1+$0x0] =	vst v9;
	v16 =	vld.idx.msk [tilespmem:v47+s4+$0x0], $0xffff  }
0xec: {  	s25 =	sadd.s32 $0x2900, s14;
	v51 =	vadd.s32 $0x8, v6;
	v9 =	vld.idx.msk [tilespmem:v48+s4+$0x0], $0xffff  }
0xed: {  	v18 =	vadd.s32 $0x8, v5;
	s29 =	sor.u32 s7, s25  }
0xee: {  	s30 =	sadd.s32 $0x2900, s19;
	[tilespmem:s29+$0x0] =	vst v13;
	s1 =	sor.u32 s15, s25  }
0xef: {  	v13 =	vld.idx.msk [tilespmem:v49+s4+$0x0], $0xffff;
	s3 =	sor.u32 s18, s30;
	[tilespmem:s1+$0x0] =	vst v12  }
0xf0: {  	v52 =	vadd.s32 $0x9, v4;
	s9 =	sor.u32 s13, s30;
	v12 =	vld.idx.msk [tilespmem:v50+s4+$0x0], $0xffff;
	[tilespmem:s3+$0x0] =	vst v16  }
0xf1: {  	v53 =	vadd.s32 $0x9, v3;
	[tilespmem:s9+$0x0] =	vst v9;
	v16 =	vld.idx.msk [tilespmem:v51+s4+$0x0], $0xffff  }
0xf2: {  	v54 =	vadd.s32 $0x9, v6;
	s10 =	sadd.s32 $0x2D00, s14;
	v9 =	vld.idx.msk [tilespmem:v18+s4+$0x0], $0xffff  }
0xf3: {  	v55 =	vadd.s32 $0x9, v5;
	s11 =	sor.u32 s7, s10  }
0xf4: {  	s12 =	sadd.s32 $0x2D00, s19;
	[tilespmem:s11+$0x0] =	vst v13;
	s1 =	sor.u32 s15, s10  }
0xf5: {  	v13 =	vld.idx.msk [tilespmem:v52+s4+$0x0], $0xffff;
	s16 =	sor.u32 s18, s12;
	[tilespmem:s1+$0x0] =	vst v12  }
0xf6: {  	v56 =	vadd.s32 $0xA, v4;
	s9 =	sor.u32 s13, s12;
	v57 =	vld.idx.msk [tilespmem:v53+s4+$0x0], $0xffff;
	[tilespmem:s16+$0x0] =	vst v16  }
0xf7: {  	v58 =	vadd.s32 $0xA, v3;
	[tilespmem:s9+$0x0] =	vst v9;
	v16 =	vld.idx.msk [tilespmem:v54+s4+$0x0], $0xffff  }
0xf8: {  	v59 =	vadd.s32 $0xA, v6;
	s17 =	sadd.s32 $0x3100, s14;
	v60 =	vld.idx.msk [tilespmem:v55+s4+$0x0], $0xffff  }
0xf9: {  	v61 =	vadd.s32 $0xA, v5;
	s21 =	sor.u32 s7, s17  }
0xfa: {  	s25 =	sadd.s32 $0x3100, s19;
	[tilespmem:s21+$0x0] =	vst v13;
	s1 =	sor.u32 s15, s17  }
0xfb: {  	s29 =	sor.u32 s18, s25;
	v12 =	vld.idx.msk [tilespmem:v56+s4+$0x0], $0xffff;
	[tilespmem:s1+$0x0] =	vst v57  }
0xfc: {  	v62 =	vadd.s32 $0xB, v4;
	s9 =	sor.u32 s13, s25;
	v14 =	vld.idx.msk [tilespmem:v58+s4+$0x0], $0xffff;
	[tilespmem:s29+$0x0] =	vst v16  }
0xfd: {  	v63 =	vadd.s32 $0xB, v3;
	[tilespmem:s9+$0x0] =	vst v60;
	v9 =	vld.idx.msk [tilespmem:v59+s4+$0x0], $0xffff  }
0xfe: {  	v20 =	vadd.s32 $0xB, v6;
	s10 =	sadd.s32 $0x3500, s14;
	v17 =	vld.idx.msk [tilespmem:v61+s4+$0x0], $0xffff  }
0xff: {  	v21 =	vadd.s32 $0xB, v5;
	[tilespmem:s20+$0x0] =	vst v8;
	s11 =	sor.u32 s7, s10  }
0x100: {  	v22 =	vadd.s32 $0xC, v0;
	s10 =	sor.u32 s15, s10;
	s12 =	sadd.s32 $0x3500, s19;
	[tilespmem:s11+$0x0] =	vst v12  }
0x101: {  	s16 =	sor.u32 s18, s12;
	v13 =	vld.idx.msk [tilespmem:v62+s4+$0x0], $0xffff;
	[tilespmem:s10+$0x0] =	vst v14  }
0x102: {  	v23 =	vadd.s32 $0xC, v4;
	s30 =	sadd.s32 $0x3D00, s8;
	s9 =	sor.u32 s13, s12;
	v15 =	vld.idx.msk [tilespmem:v63+s4+$0x0], $0xffff;
	[tilespmem:s16+$0x0] =	vst v9  }
0x103: {  	v24 =	vadd.s32 $0xC, v3;
	s3 =	sor.u32 s6, s30;
	[tilespmem:s9+$0x0] =	vst v17;
	v16 =	vld.idx.msk [tilespmem:v20+s4+$0x0], $0xffff  }
0x104: {  	v25 =	vadd.s32 $0xC, v6;
	[tilespmem:s3+$0x0] =	vst v11;
	s17 =	sadd.s32 $0x3900, s14;
	v11 =	vld.idx.msk [tilespmem:v21+s4+$0x0], $0xffff  }
0x105: {  	v26 =	vadd.s32 $0xC, v5;
	[tilespmem:s31+$0x0] =	vst v7;
	s20 =	sor.u32 s7, s17;
	v12 =	vld.idx.msk [tilespmem:v22+s4+$0x0], $0xffff  }
0x106: {  	v2 =	vadd.s32 $0x11, v2;
	s21 =	sadd.s32 $0x3900, s19;
	v10 =	vld.idx.msk [tilespmem:v10+s4+$0x0], $0xffff;
	[tilespmem:s20+$0x0] =	vst v13;
	s9 =	sor.u32 s15, s17  }
0x107: {  	v27 =	vadd.s32 $0xD, v0;
	s25 =	sor.u32 s18, s21;
	v14 =	vld.idx.msk [tilespmem:v23+s4+$0x0], $0xffff;
	[tilespmem:s9+$0x0] =	vst v15  }
0x108: {  	v28 =	vadd.s32 $0xD, v4;
	s10 =	sor.u32 s13, s21;
	v9 =	vld.idx.msk [tilespmem:v24+s4+$0x0], $0xffff;
	[tilespmem:s25+$0x0] =	vst v16  }
0x109: {  	v29 =	vadd.s32 $0xD, v3;
	s11 =	sadd.s32 $0x4100, s8;
	s1 =	sor.u32 s2, s30;
	[tilespmem:s10+$0x0] =	vst v11;
	v8 =	vld.idx.msk [tilespmem:v25+s4+$0x0], $0xffff  }
0x10a: {  	v30 =	vadd.s32 $0xD, v6;
	s30 =	sadd.s32 $0x3D00, s14;
	[tilespmem:s1+$0x0] =	vst v12;
	s29 =	sor.u32 s6, s11;
	v7 =	vld.idx.msk [tilespmem:v26+s4+$0x0], $0xffff  }
0x10b: {  	v31 =	vadd.s32 $0xD, v5;
	v2 =	vld.idx.msk [tilespmem:v2+s4+$0x0], $0xffff;
	s31 =	sor.u32 s7, s30;
	[tilespmem:s29+$0x0] =	vst v10  }
0x10c: {  	v32 =	vadd.s32 $0xE, v1;
	s3 =	sadd.s32 $0x3D00, s19;
	v13 =	vld.idx.msk [tilespmem:v27+s4+$0x0], $0xffff;
	[tilespmem:s31+$0x0] =	vst v14;
	s9 =	sor.u32 s15, s30  }
0x10d: {  	v33 =	vadd.s32 $0xE, v0;
	v15 =	vld.idx.msk [tilespmem:v28+s4+$0x0], $0xffff;
	s10 =	sor.u32 s18, s3;
	[tilespmem:s9+$0x0] =	vst v9  }
0x10e: {  	v34 =	vadd.s32 $0xE, v4;
	s1 =	sor.u32 s13, s3;
	v16 =	vld.idx.msk [tilespmem:v29+s4+$0x0], $0xffff;
	[tilespmem:s10+$0x0] =	vst v8  }
0x10f: {  	v35 =	vadd.s32 $0xE, v3;
	[tilespmem:s1+$0x0] =	vst v7;
	v10 =	vld.idx.msk [tilespmem:v30+s4+$0x0], $0xffff  }
0x110: {  	v36 =	vadd.s32 $0xE, v6;
	[tilespmem:s5+$0x0] =	vst v2;
	s12 =	sor.u32 s2, s11;
	s16 =	sadd.s32 $0x4100, s14;
	v7 =	vld.idx.msk [tilespmem:v31+s4+$0x0], $0xffff  }
0x111: {  	v38 =	vadd.s32 $0xE, v5;
	v37 =	vld.idx.msk [tilespmem:v32+s4+$0x0], $0xffff;
	[tilespmem:s12+$0x0] =	vst v13;
	s17 =	sor.u32 s7, s16  }
0x112: {  	v39 =	vadd.s32 $0xF, v1;
	s20 =	sadd.s32 $0x4100, s19;
	v14 =	vld.idx.msk [tilespmem:v33+s4+$0x0], $0xffff;
	s5 =	sor.u32 s15, s16;
	[tilespmem:s17+$0x0] =	vst v15  }
0x113: {  	v40 =	vadd.s32 $0xF, v0;
	s21 =	sor.u32 s18, s20;
	v9 =	vld.idx.msk [tilespmem:v34+s4+$0x0], $0xffff;
	[tilespmem:s5+$0x0] =	vst v16  }
0x114: {  	v41 =	vadd.s32 $0xF, v4;
	s25 =	sadd.s32 $0x4500, s8;
	s1 =	sor.u32 s13, s20;
	v8 =	vld.idx.msk [tilespmem:v35+s4+$0x0], $0xffff;
	[tilespmem:s21+$0x0] =	vst v10  }
0x115: {  	v42 =	vadd.s32 $0xF, v3;
	s29 =	sor.u32 s6, s25;
	[tilespmem:s1+$0x0] =	vst v7;
	v2 =	vld.idx.msk [tilespmem:v36+s4+$0x0], $0xffff  }
0x116: {  	v43 =	vadd.s32 $0xF, v6;
	s31 =	sadd.s32 $0x4500, s14;
	s30 =	sor.u32 s2, s25;
	[tilespmem:s29+$0x0] =	vst v37;
	v44 =	vld.idx.msk [tilespmem:v38+s4+$0x0], $0xffff  }
0x117: {  	v46 =	vadd.s32 $0xF, v5;
	s3 =	sor.u32 s7, s31;
	[tilespmem:s30+$0x0] =	vst v14;
	v45 =	vld.idx.msk [tilespmem:v39+s4+$0x0], $0xffff  }
0x118: {  	v47 =	vadd.s32 $0x10, v1;
	s9 =	sadd.s32 $0x4500, s19;
	v15 =	vld.idx.msk [tilespmem:v40+s4+$0x0], $0xffff;
	[tilespmem:s3+$0x0] =	vst v9;
	s5 =	sor.u32 s15, s31  }
0x119: {  	v48 =	vadd.s32 $0x10, v0;
	s10 =	sor.u32 s18, s9;
	v16 =	vld.idx.msk [tilespmem:v41+s4+$0x0], $0xffff;
	[tilespmem:s5+$0x0] =	vst v8  }
0x11a: {  	v49 =	vadd.s32 $0x10, v4;
	s11 =	sadd.s32 $0x4900, s8;
	s1 =	sor.u32 s13, s9;
	v10 =	vld.idx.msk [tilespmem:v42+s4+$0x0], $0xffff;
	[tilespmem:s10+$0x0] =	vst v2  }
0x11b: {  	v50 =	vadd.s32 $0x10, v3;
	s12 =	sor.u32 s6, s11;
	[tilespmem:s1+$0x0] =	vst v44;
	v7 =	vld.idx.msk [tilespmem:v43+s4+$0x0], $0xffff  }
0x11c: {  	v51 =	vadd.s32 $0x10, v6;
	s16 =	sor.u32 s2, s11;
	s17 =	sadd.s32 $0x4900, s14;
	[tilespmem:s12+$0x0] =	vst v45;
	v52 =	vld.idx.msk [tilespmem:v46+s4+$0x0], $0xffff  }
0x11d: {  	v54 =	vadd.s32 $0x10, v5;
	s20 =	sor.u32 s7, s17;
	[tilespmem:s16+$0x0] =	vst v15;
	v53 =	vld.idx.msk [tilespmem:v47+s4+$0x0], $0xffff  }
0x11e: {  	v55 =	vadd.s32 $0x11, v1;
	v9 =	vld.idx.msk [tilespmem:v48+s4+$0x0], $0xffff;
	[tilespmem:s20+$0x0] =	vst v16;
	s21 =	sadd.s32 $0x4900, s19;
	s5 =	sor.u32 s15, s17  }
0x11f: {  	v56 =	vadd.s32 $0x11, v0;
	v8 =	vld.idx.msk [tilespmem:v49+s4+$0x0], $0xffff;
	s25 =	sor.u32 s18, s21;
	[tilespmem:s5+$0x0] =	vst v10  }
0x120: {  	v57 =	vadd.s32 $0x11, v4;
	s29 =	sadd.s32 $0x4D00, s8;
	s1 =	sor.u32 s13, s21;
	v2 =	vld.idx.msk [tilespmem:v50+s4+$0x0], $0xffff;
	[tilespmem:s25+$0x0] =	vst v7  }
0x121: {  	v58 =	vadd.s32 $0x11, v3;
	s30 =	sor.u32 s6, s29;
	[tilespmem:s1+$0x0] =	vst v52;
	v7 =	vld.idx.msk [tilespmem:v51+s4+$0x0], $0xffff  }
0x122: {  	v59 =	vadd.s32 $0x11, v6;
	s3 =	sadd.s32 $0x4D00, s14;
	s31 =	sor.u32 s2, s29;
	[tilespmem:s30+$0x0] =	vst v53;
	v60 =	vld.idx.msk [tilespmem:v54+s4+$0x0], $0xffff  }
0x123: {  	v61 =	vadd.s32 $0x11, v5;
	s9 =	sor.u32 s7, s3;
	[tilespmem:s31+$0x0] =	vst v9;
	v1 =	vld.idx.msk [tilespmem:v55+s4+$0x0], $0xffff  }
0x124: {  	v0 =	vld.idx.msk [tilespmem:v56+s4+$0x0], $0xffff;
	[tilespmem:s9+$0x0] =	vst v8;
	s10 =	sadd.s32 $0x4D00, s19;
	s5 =	sor.u32 s15, s3  }
0x125: {  	v4 =	vld.idx.msk [tilespmem:v57+s4+$0x0], $0xffff;
	s11 =	sor.u32 s18, s10;
	[tilespmem:s5+$0x0] =	vst v2  }
0x126: {  	s12 =	sadd.s32 $0x5100, s8;
	s1 =	sor.u32 s13, s10;
	v2 =	vld.idx.msk [tilespmem:v58+s4+$0x0], $0xffff;
	[tilespmem:s11+$0x0] =	vst v7  }
0x127: {  	s16 =	sor.u32 s6, s12;
	[tilespmem:s1+$0x0] =	vst v60;
	v62 =	vld.idx.msk [tilespmem:v59+s4+$0x0], $0xffff  }
0x128: {  	s20 =	sadd.s32 $0x5100, s14;
	s17 =	sor.u32 s2, s12;
	[tilespmem:s16+$0x0] =	vst v1;
	v63 =	vld.idx.msk [tilespmem:v61+s4+$0x0], $0xffff  }
0x129: {  	s21 =	sor.u32 s7, s20;
	[tilespmem:s17+$0x0] =	vst v0  }
0x12a: {  	s2 =	sor.u32 s15, s20;
	[tilespmem:s21+$0x0] =	vst v4;
	s25 =	sadd.s32 $0x5100, s19  }
0x12b: {  	p1 =	sne.s32 s0, $0x18;
	s29 =	sor.u32 s18, s25;
	[tilespmem:s2+$0x0] =	vst v2  }
.Ltmp3:
0x12c: {  	s30 =	sor.u32 s13, s25;
	[tilespmem:s29+$0x0] =	vst v62;
	(pc) =	sbr.rel @p1 .LBB2_6-.Ltmp3, $4  }
0x12d: {  	[tilespmem:s30+$0x0] =	vst v63  }
0x12e: {  	s1 =	sshll.u32 s0, $0xE;
	s2 =	rddreg [dreg:$0xb]  }
0x12f: {  	s31 =	simm.s32 $0xD00;
	s3 =	simm.s32 $0x400;
	s2 =	sadd.s32 s1, s2  }
0x130: {  	[hbm4b:s2+s3] =	stream.strided.scatter [tilespmem:s31], [sflag:$0x3], $0x4800, s24, s3, $0x38;
	[tilespmem:$0x9D00] =	vst v63  }
.Ltmp4:
0x131: {  	(pc) =	sbr.rel .LBB2_7-.Ltmp4, $4  }
0x132: {  	_ = 	snop  }
0x133: {  	_ =	swait.ge [sflag:s26], $0x400  }
0x134: {  	[sflag:s26] =	ssyncset.done $0x0  }
0x135: {  	[sflag:s26] =	ssyncadd.s32 $0xFFFFFC00  }
.LBB2_6:
0x136: {  	s2 =	rddreg [dreg:$0xc]  }
.Ltmp5:
0x137: {  	s31 =	simm.s32 $0x500;
	s1 =	sadd.s32 s1, s2;
	(pc) =	sbr.rel @p0 .LBB2_8-.Ltmp5, $4  }
0x138: {  	[tilespmem:s31], [sflag:$0x1] =	stream.linear.gather [hbm4b:s1+s4], $0x400, $0x38;
	[tilespmem:$0x9D00] =	vst v63  }
0x139: {  	_ =	swait.ge [sflag:s26], $0x400  }
0x13a: {  	[sflag:s26] =	ssyncset.done $0x0  }
0x13b: {  	[sflag:s26] =	ssyncadd.s32 $0xFFFFFC00  }
.LBB2_7:
0x13c: {  	_ =	swait.ge [sflag:s28], $0x4800  }
0x13d: {  	[sflag:s28] =	ssyncset.done $0x0  }
0x13e: {  	[sflag:s28] =	ssyncadd.s32 $0xFFFFB800  }
.LBB2_8:
0x13f: {  	s1 =	simm.s32 $0x0  }
0x140: {  	s31 =	sand.u32 $0x60, s1  }
0x141: {  	s20 =	sand.u32 $0x380, s1;
	s16 =	sor.u32 $0x10, s31  }
0x142: {  	s1 =	sor.u32 s20, s16  }
0x143: {  	v0 =	vld [tilespmem:s1+$0x900];
	_ =	sdelay $0x4  }
0x144: {  	v7 =	vmul.u32 $0x12, v0  }
0x145: {  	s2 =	simm.s32 $0x900  }
0x146: {  	v0 =	vld [tilespmem:s2+$0x0];
	_ =	sdelay $0x3  }
0x147: {  	v1 =	vld.idx.msk [tilespmem:v7+s4+$0x0], $0xffff  }
0x148: {  	v3 =	vor.u32 $0x1, v7;
	v2 =	vmul.u32 $0x12, v0;
	_ =	sdelay $0x3  }
0x149: {  	[tilespmem:s1+$0x5500] =	vst v1  }
0x14a: {  	v0 =	vld.idx.msk [tilespmem:v3+s4+$0x0], $0xffff  }
0x14b: {  	v1 =	vadd.s32 $0x2, v7;
	v3 =	vld.idx.msk [tilespmem:v2+s4+$0x0], $0xffff  }
0x14c: {  	v4 =	vor.u32 $0x1, v2  }
0x14d: {  	s10 =	sadd.s32 $0x5900, s20  }
0x14e: {  	s11 =	sor.u32 s16, s10  }
0x14f: {  	s12 =	simm.s32 $0x5500;
	[tilespmem:s11+$0x0] =	vst v0  }
0x150: {  	[tilespmem:s12+$0x0] =	vst v3;
	v0 =	vld.idx.msk [tilespmem:v1+s4+$0x0], $0xffff  }
0x151: {  	v1 =	vadd.s32 $0x3, v7;
	v3 =	vld.idx.msk [tilespmem:v4+s4+$0x0], $0xffff  }
0x152: {  	v4 =	vadd.s32 $0x2, v2  }
0x153: {  	s5 =	sadd.s32 $0x5D00, s20  }
0x154: {  	s13 =	sor.u32 s16, s5  }
0x155: {  	s1 =	sor.u32 s31, s10;
	[tilespmem:s13+$0x0] =	vst v0  }
0x156: {  	s6 =	simm.s32 $0x20;
	[tilespmem:s1+$0x0] =	vst v3;
	v0 =	vld.idx.msk [tilespmem:v1+s4+$0x0], $0xffff  }
0x157: {  	s2 =	sand.u32 $0x60, s6;
	v1 =	vadd.s32 $0x4, v7;
	v3 =	vld.idx.msk [tilespmem:v4+s4+$0x0], $0xffff  }
0x158: {  	s8 =	sand.u32 $0x380, s6;
	s6 =	sor.u32 $0x10, s2;
	v4 =	vadd.s32 $0x3, v2  }
0x159: {  	s14 =	sadd.s32 $0x6100, s20;
	s7 =	sor.u32 s8, s6  }
0x15a: {  	s9 =	simm.s32 $0x920;
	v5 =	vld [tilespmem:s7+$0x900];
	s10 =	sor.u32 s16, s14  }
0x15b: {  	v6 =	vld [tilespmem:s9+$0x0];
	s5 =	sor.u32 s31, s5;
	[tilespmem:s10+$0x0] =	vst v0  }
0x15c: {  	[tilespmem:s5+$0x0] =	vst v3;
	v8 =	vld.idx.msk [tilespmem:v1+s4+$0x0], $0xffff  }
0x15d: {  	v3 =	vadd.s32 $0x5, v7;
	v4 =	vld.idx.msk [tilespmem:v4+s4+$0x0], $0xffff  }
0x15e: {  	v9 =	vadd.s32 $0x4, v2  }
0x15f: {  	s15 =	sadd.s32 $0x6500, s20;
	v1 =	vmul.u32 $0x12, v5  }
0x160: {  	s17 =	sor.u32 s16, s15  }
0x161: {  	s1 =	sor.u32 s31, s14;
	v0 =	vmul.u32 $0x12, v6;
	[tilespmem:s17+$0x0] =	vst v8  }
0x162: {  	[tilespmem:s1+$0x0] =	vst v4;
	v3 =	vld.idx.msk [tilespmem:v3+s4+$0x0], $0xffff  }
0x163: {  	v4 =	vadd.s32 $0x6, v7;
	v5 =	vld.idx.msk [tilespmem:v9+s4+$0x0], $0xffff  }
0x164: {  	v6 =	vadd.s32 $0x5, v2  }
0x165: {  	s18 =	sadd.s32 $0x6900, s20;
	v8 =	vld.idx.msk [tilespmem:v1+s4+$0x0], $0xffff  }
0x166: {  	s19 =	sor.u32 s16, s18;
	v9 =	vor.u32 $0x1, v1  }
0x167: {  	s5 =	sor.u32 s31, s15;
	v10 =	vld.idx.msk [tilespmem:v0+s4+$0x0], $0xffff;
	[tilespmem:s19+$0x0] =	vst v3  }
0x168: {  	v3 =	vor.u32 $0x1, v0;
	[tilespmem:s5+$0x0] =	vst v5;
	v4 =	vld.idx.msk [tilespmem:v4+s4+$0x0], $0xffff  }
0x169: {  	v5 =	vadd.s32 $0x7, v7;
	v6 =	vld.idx.msk [tilespmem:v6+s4+$0x0], $0xffff  }
0x16a: {  	[tilespmem:s7+$0x5500] =	vst v8;
	v8 =	vadd.s32 $0x6, v2  }
0x16b: {  	s21 =	simm.s32 $0x5520;
	s25 =	sadd.s32 $0x6D00, s20;
	v9 =	vld.idx.msk [tilespmem:v9+s4+$0x0], $0xffff  }
0x16c: {  	s29 =	sor.u32 s16, s25;
	[tilespmem:s21+$0x0] =	vst v10  }
0x16d: {  	s1 =	sor.u32 s31, s18;
	v10 =	vadd.s32 $0x2, v1;
	v3 =	vld.idx.msk [tilespmem:v3+s4+$0x0], $0xffff;
	[tilespmem:s29+$0x0] =	vst v4  }
0x16e: {  	s3 =	sadd.s32 $0x5900, s8;
	v4 =	vadd.s32 $0x2, v0;
	[tilespmem:s1+$0x0] =	vst v6;
	v5 =	vld.idx.msk [tilespmem:v5+s4+$0x0], $0xffff  }
0x16f: {  	s9 =	sor.u32 s6, s3;
	v6 =	vadd.s32 $0x8, v7;
	v8 =	vld.idx.msk [tilespmem:v8+s4+$0x0], $0xffff  }
0x170: {  	[tilespmem:s9+$0x0] =	vst v9;
	v9 =	vadd.s32 $0x7, v2  }
0x171: {  	s11 =	sadd.s32 $0x7100, s20;
	s10 =	sor.u32 s2, s3  }
0x172: {  	s12 =	sor.u32 s16, s11;
	v10 =	vld.idx.msk [tilespmem:v10+s4+$0x0], $0xffff;
	[tilespmem:s10+$0x0] =	vst v3  }
0x173: {  	s13 =	sor.u32 s31, s25;
	v3 =	vadd.s32 $0x3, v1;
	v4 =	vld.idx.msk [tilespmem:v4+s4+$0x0], $0xffff;
	[tilespmem:s12+$0x0] =	vst v5  }
0x174: {  	v5 =	vadd.s32 $0x3, v0;
	[tilespmem:s13+$0x0] =	vst v8;
	v6 =	vld.idx.msk [tilespmem:v6+s4+$0x0], $0xffff  }
0x175: {  	s14 =	sadd.s32 $0x5D00, s8;
	v9 =	vld.idx.msk [tilespmem:v9+s4+$0x0], $0xffff  }
0x176: {  	s15 =	sor.u32 s6, s14;
	s17 =	simm.s32 $0x940;
	s21 =	simm.s32 $0x40;
	v8 =	vadd.s32 $0x9, v7  }
0x177: {  	s18 =	sor.u32 s2, s14;
	v11 =	vld [tilespmem:s17+$0x0];
	s19 =	sadd.s32 $0x7500, s20;
	[tilespmem:s15+$0x0] =	vst v10;
	v10 =	vadd.s32 $0x8, v2;
	s15 =	sand.u32 $0x60, s21  }
0x178: {  	s14 =	sand.u32 $0x380, s21;
	s25 =	sor.u32 s16, s19;
	s7 =	sor.u32 $0x10, s15;
	v3 =	vld.idx.msk [tilespmem:v3+s4+$0x0], $0xffff;
	[tilespmem:s18+$0x0] =	vst v4  }
0x179: {  	s29 =	sor.u32 s31, s11;
	s9 =	sor.u32 s14, s7;
	v4 =	vadd.s32 $0x4, v1;
	v5 =	vld.idx.msk [tilespmem:v5+s4+$0x0], $0xffff;
	[tilespmem:s25+$0x0] =	vst v6  }
0x17a: {  	v6 =	vadd.s32 $0x4, v0;
	[tilespmem:s29+$0x0] =	vst v9;
	v9 =	vld [tilespmem:s9+$0x900]  }
0x17b: {  	s3 =	sadd.s32 $0x6100, s8;
	v8 =	vld.idx.msk [tilespmem:v8+s4+$0x0], $0xffff  }
0x17c: {  	v12 =	vadd.s32 $0xA, v7;
	s11 =	sor.u32 s6, s3;
	v10 =	vld.idx.msk [tilespmem:v10+s4+$0x0], $0xffff  }
0x17d: {  	v13 =	vadd.s32 $0x9, v2;
	s12 =	sor.u32 s2, s3;
	[tilespmem:s11+$0x0] =	vst v3;
	v3 =	vmul.u32 $0x12, v11  }
0x17e: {  	s13 =	sadd.s32 $0x7900, s20;
	v14 =	vld.idx.msk [tilespmem:v4+s4+$0x0], $0xffff;
	[tilespmem:s12+$0x0] =	vst v5  }
0x17f: {  	s17 =	sor.u32 s16, s13;
	v5 =	vadd.s32 $0x5, v1;
	v6 =	vld.idx.msk [tilespmem:v6+s4+$0x0], $0xffff  }
0x180: {  	s10 =	sor.u32 s31, s19;
	v4 =	vmul.u32 $0x12, v9;
	[tilespmem:s17+$0x0] =	vst v8;
	v8 =	vadd.s32 $0x5, v0  }
0x181: {  	s18 =	sadd.s32 $0x6500, s8;
	[tilespmem:s10+$0x0] =	vst v10;
	v9 =	vld.idx.msk [tilespmem:v12+s4+$0x0], $0xffff  }
0x182: {  	s19 =	sor.u32 s6, s18;
	v11 =	vadd.s32 $0xB, v7;
	v10 =	vld.idx.msk [tilespmem:v13+s4+$0x0], $0xffff  }
0x183: {  	s5 =	sor.u32 s2, s18;
	v12 =	vadd.s32 $0xA, v2;
	[tilespmem:s19+$0x0] =	vst v14;
	v13 =	vld.idx.msk [tilespmem:v3+s4+$0x0], $0xffff  }
0x184: {  	s21 =	sadd.s32 $0x7D00, s20;
	v5 =	vld.idx.msk [tilespmem:v5+s4+$0x0], $0xffff;
	[tilespmem:s5+$0x0] =	vst v6  }
0x185: {  	s25 =	sor.u32 s16, s21;
	v6 =	vadd.s32 $0x6, v1;
	v8 =	vld.idx.msk [tilespmem:v8+s4+$0x0], $0xffff  }
0x186: {  	s1 =	sor.u32 s31, s13;
	v14 =	vor.u32 $0x1, v3;
	v15 =	vld.idx.msk [tilespmem:v4+s4+$0x0], $0xffff;
	[tilespmem:s25+$0x0] =	vst v9  }
0x187: {  	s29 =	sadd.s32 $0x6900, s8;
	v9 =	vadd.s32 $0x6, v0;
	[tilespmem:s1+$0x0] =	vst v10;
	v10 =	vld.idx.msk [tilespmem:v11+s4+$0x0], $0xffff  }
0x188: {  	s3 =	sor.u32 s6, s29;
	s25 =	simm.s32 $0x960;
	v11 =	vor.u32 $0x1, v4;
	v12 =	vld.idx.msk [tilespmem:v12+s4+$0x0], $0xffff  }
0x189: {  	s11 =	simm.s32 $0x5540;
	v16 =	vld [tilespmem:s25+$0x0];
	[tilespmem:s3+$0x0] =	vst v5;
	v5 =	vadd.s32 $0xC, v7  }
0x18a: {  	[tilespmem:s11+$0x0] =	vst v13;
	s11 =	sor.u32 s2, s29;
	v13 =	vadd.s32 $0xB, v2;
	v6 =	vld.idx.msk [tilespmem:v6+s4+$0x0], $0xffff  }
0x18b: {  	s12 =	sadd.s32 $0x8100, s20;
	v14 =	vld.idx.msk [tilespmem:v14+s4+$0x0], $0xffff;
	[tilespmem:s11+$0x0] =	vst v8;
	v8 =	vadd.s32 $0x7, v1  }
0x18c: {  	s13 =	sor.u32 s16, s12;
	[tilespmem:s9+$0x5500] =	vst v15;
	v15 =	vadd.s32 $0x2, v3;
	v9 =	vld.idx.msk [tilespmem:v9+s4+$0x0], $0xffff  }
0x18d: {  	s17 =	sadd.s32 $0x6D00, s8;
	s5 =	sor.u32 s31, s21;
	v11 =	vld.idx.msk [tilespmem:v11+s4+$0x0], $0xffff;
	[tilespmem:s13+$0x0] =	vst v10;
	v10 =	vadd.s32 $0x7, v0  }
0x18e: {  	s18 =	sor.u32 s6, s17;
	s21 =	sadd.s32 $0x5900, s14;
	[tilespmem:s5+$0x0] =	vst v12;
	v12 =	vadd.s32 $0x2, v4;
	v5 =	vld.idx.msk [tilespmem:v5+s4+$0x0], $0xffff  }
0x18f: {  	s9 =	sor.u32 s15, s21;
	v13 =	vld.idx.msk [tilespmem:v13+s4+$0x0], $0xffff;
	[tilespmem:s18+$0x0] =	vst v6;
	v6 =	vadd.s32 $0xD, v7  }
0x190: {  	s19 =	sor.u32 s2, s17;
	[tilespmem:s9+$0x0] =	vst v14;
	v8 =	vld.idx.msk [tilespmem:v8+s4+$0x0], $0xffff  }
0x191: {  	s29 =	sor.u32 s7, s21;
	s3 =	sadd.s32 $0x8500, s20;
	v15 =	vld.idx.msk [tilespmem:v15+s4+$0x0], $0xffff;
	[tilespmem:s19+$0x0] =	vst v9;
	v9 =	vadd.s32 $0xC, v2  }
0x192: {  	s11 =	sor.u32 s16, s3;
	[tilespmem:s29+$0x0] =	vst v11;
	v10 =	vld.idx.msk [tilespmem:v10+s4+$0x0], $0xffff;
	v11 =	vadd.s32 $0x8, v1  }
0x193: {  	v17 =	vadd.s32 $0x8, v0;
	s1 =	sor.u32 s31, s12;
	s12 =	sadd.s32 $0x7100, s8;
	v12 =	vld.idx.msk [tilespmem:v12+s4+$0x0], $0xffff;
	[tilespmem:s11+$0x0] =	vst v5  }
0x194: {  	s13 =	sor.u32 s6, s12;
	v14 =	vadd.s32 $0x3, v4;
	s18 =	sadd.s32 $0x5D00, s14;
	[tilespmem:s1+$0x0] =	vst v13;
	v6 =	vld.idx.msk [tilespmem:v6+s4+$0x0], $0xffff  }
0x195: {  	s9 =	sor.u32 s15, s18;
	v13 =	vadd.s32 $0xE, v7;
	[tilespmem:s13+$0x0] =	vst v8  }
0x196: {  	s17 =	sor.u32 s2, s12;
	[tilespmem:s9+$0x0] =	vst v15;
	v8 =	vld.idx.msk [tilespmem:v9+s4+$0x0], $0xffff;
	v9 =	vadd.s32 $0x3, v3  }
0x197: {  	s19 =	sor.u32 s7, s18;
	s1 =	sadd.s32 $0x8900, s20;
	v11 =	vld.idx.msk [tilespmem:v11+s4+$0x0], $0xffff;
	[tilespmem:s17+$0x0] =	vst v10;
	v10 =	vadd.s32 $0xD, v2  }
0x198: {  	s21 =	sor.u32 s16, s1;
	[tilespmem:s19+$0x0] =	vst v12;
	v12 =	vld.idx.msk [tilespmem:v17+s4+$0x0], $0xffff  }
0x199: {  	v5 =	vmul.u32 $0x12, v16;
	v16 =	vadd.s32 $0x9, v1;
	s9 =	simm.s32 $0x60;
	v14 =	vld.idx.msk [tilespmem:v14+s4+$0x0], $0xffff;
	[tilespmem:s21+$0x0] =	vst v6  }
0x19a: {  	s5 =	sor.u32 s31, s3;
	s30 =	sand.u32 $0x60, s9;
	v6 =	vld.idx.msk [tilespmem:v13+s4+$0x0], $0xffff  }
0x19b: {  	s25 =	sadd.s32 $0x7500, s8;
	s18 =	sor.u32 $0x10, s30;
	s19 =	sand.u32 $0x380, s9;
	v17 =	vadd.s32 $0x9, v0;
	v9 =	vld.idx.msk [tilespmem:v9+s4+$0x0], $0xffff;
	[tilespmem:s5+$0x0] =	vst v8  }
0x19c: {  	s29 =	sor.u32 s6, s25;
	v13 =	vadd.s32 $0x4, v4;
	s5 =	sor.u32 s19, s18;
	v8 =	vld.idx.msk [tilespmem:v10+s4+$0x0], $0xffff  }
0x19d: {  	s10 =	sor.u32 s2, s25;
	s3 =	sadd.s32 $0x6100, s14;
	[tilespmem:s29+$0x0] =	vst v11;
	v10 =	vadd.s32 $0xF, v7;
	v18 =	vld [tilespmem:s5+$0x900]  }
0x19e: {  	s12 =	sor.u32 s7, s3;
	s13 =	sadd.s32 $0x8D00, s20;
	v11 =	vadd.s32 $0x4, v3;
	v15 =	vld.idx.msk [tilespmem:v16+s4+$0x0], $0xffff;
	[tilespmem:s10+$0x0] =	vst v12  }
0x19f: {  	v19 =	vadd.s32 $0xE, v2;
	s17 =	sor.u32 s16, s13;
	v16 =	vld.idx.msk [tilespmem:v5+s4+$0x0], $0xffff;
	[tilespmem:s12+$0x0] =	vst v14  }
0x1a0: {  	s11 =	sor.u32 s15, s3;
	v14 =	vadd.s32 $0xA, v1;
	v17 =	vld.idx.msk [tilespmem:v17+s4+$0x0], $0xffff;
	[tilespmem:s17+$0x0] =	vst v6  }
0x1a1: {  	s1 =	sor.u32 s31, s1;
	v20 =	vor.u32 $0x1, v5;
	v13 =	vld.idx.msk [tilespmem:v13+s4+$0x0], $0xffff;
	[tilespmem:s11+$0x0] =	vst v9;
	s11 =	sadd.s32 $0x7900, s8  }
0x1a2: {  	v12 =	vadd.s32 $0x5, v4;
	v10 =	vld.idx.msk [tilespmem:v10+s4+$0x0], $0xffff;
	s21 =	sor.u32 s6, s11;
	[tilespmem:s1+$0x0] =	vst v8  }
0x1a3: {  	s17 =	simm.s32 $0x5560;
	v11 =	vld.idx.msk [tilespmem:v11+s4+$0x0], $0xffff;
	v6 =	vmul.u32 $0x12, v18;
	v18 =	vadd.s32 $0xA, v0;
	[tilespmem:s21+$0x0] =	vst v15  }
0x1a4: {  	s25 =	sadd.s32 $0x6500, s14;
	v15 =	vadd.s32 $0x10, v7;
	[tilespmem:s17+$0x0] =	vst v16;
	v16 =	vld.idx.msk [tilespmem:v19+s4+$0x0], $0xffff  }
0x1a5: {  	s29 =	sor.u32 s7, s25;
	v8 =	vadd.s32 $0x5, v3;
	v14 =	vld.idx.msk [tilespmem:v14+s4+$0x0], $0xffff  }
0x1a6: {  	s12 =	sadd.s32 $0x9100, s20;
	s11 =	sor.u32 s2, s11;
	v9 =	vld.idx.msk [tilespmem:v20+s4+$0x0], $0xffff;
	[tilespmem:s29+$0x0] =	vst v13  }
0x1a7: {  	s3 =	sor.u32 s16, s12;
	[tilespmem:s11+$0x0] =	vst v17;
	v13 =	vadd.s32 $0xB, v1;
	v12 =	vld.idx.msk [tilespmem:v12+s4+$0x0], $0xffff  }
0x1a8: {  	s1 =	sor.u32 s15, s25;
	[tilespmem:s3+$0x0] =	vst v10;
	v10 =	vadd.s32 $0xF, v2;
	v17 =	vld.idx.msk [tilespmem:v18+s4+$0x0], $0xffff  }
0x1a9: {  	s25 =	sor.u32 s31, s13;
	[tilespmem:s1+$0x0] =	vst v11;
	s1 =	sadd.s32 $0x7D00, s8;
	v11 =	vld.idx.msk [tilespmem:v15+s4+$0x0], $0xffff;
	v15 =	vadd.s32 $0x6, v4  }
0x1aa: {  	v21 =	vadd.s32 $0xB, v0;
	s29 =	sadd.s32 $0x6900, s14;
	v8 =	vld.idx.msk [tilespmem:v8+s4+$0x0], $0xffff;
	s21 =	sor.u32 s6, s1;
	[tilespmem:s25+$0x0] =	vst v16  }
0x1ab: {  	v7 =	vadd.s32 $0x11, v7;
	s3 =	sor.u32 s7, s29;
	v19 =	vld.idx.msk [tilespmem:v6+s4+$0x0], $0xffff;
	[tilespmem:s21+$0x0] =	vst v14  }
0x1ac: {  	s1 =	sor.u32 s2, s1;
	v14 =	vadd.s32 $0x6, v3;
	s21 =	sadd.s32 $0x9500, s20;
	v13 =	vld.idx.msk [tilespmem:v13+s4+$0x0], $0xffff;
	[tilespmem:s3+$0x0] =	vst v12  }
0x1ad: {  	v16 =	vor.u32 $0x1, v6;
	s13 =	sor.u32 s16, s21;
	v10 =	vld.idx.msk [tilespmem:v10+s4+$0x0], $0xffff;
	[tilespmem:s1+$0x0] =	vst v17  }
0x1ae: {  	s11 =	sor.u32 s15, s29;
	v18 =	vadd.s32 $0xC, v1;
	v63 =	vld.idx.msk [tilespmem:v15+s4+$0x0], $0xffff;
	[tilespmem:s13+$0x0] =	vst v11  }
0x1af: {  	v22 =	vadd.s32 $0x10, v2;
	[tilespmem:s11+$0x0] =	vst v8;
	v8 =	vld.idx.msk [tilespmem:v21+s4+$0x0], $0xffff  }
0x1b0: {  	s11 =	sadd.s32 $0x8100, s8;
	[tilespmem:s5+$0x5500] =	vst v19;
	v19 =	vadd.s32 $0x7, v4;
	v23 =	vld.idx.msk [tilespmem:v7+s4+$0x0], $0xffff  }
0x1b1: {  	s10 =	simm.s32 $0x6;
	v12 =	vld.idx.msk [tilespmem:v14+s4+$0x0], $0xffff;
	s25 =	sor.u32 s6, s11  }
0x1b2: {  	s29 =	sor.u32 s31, s12;
	s12 =	sor.u32 s31, s21;
	v15 =	vld.idx.msk [tilespmem:v16+s4+$0x0], $0xffff;
	v14 =	vadd.s32 $0x7, v3;
	[tilespmem:s25+$0x0] =	vst v13;
	s25 =	sadd.s32 $0x6D00, s14  }
0x1b3: {  	s21 =	sadd.s32 $0x9900, s20;
	s1 =	sadd.s32 $0x5900, s19;
	v16 =	vadd.s32 $0x2, v6;
	v11 =	vld.idx.msk [tilespmem:v18+s4+$0x0], $0xffff;
	s3 =	sor.u32 s7, s25;
	[tilespmem:s29+$0x0] =	vst v10  }
0x1b4: {  	s13 =	sshll.u32 s0, $0x11;
	s5 =	sor.u32 s31, s21;
	s29 =	sor.u32 s16, s21;
	v10 =	vadd.s32 $0xD, v1;
	[tilespmem:s3+$0x0] =	vst v63;
	v7 =	vld.idx.msk [tilespmem:v22+s4+$0x0], $0xffff  }
0x1b5: {  	v17 =	vadd.s32 $0x2, v5;
	s20 =	sor.u32 s2, s11;
	s25 =	sor.u32 s15, s25;
	s16 =	simm.s32 $0x980;
	v13 =	vld.idx.msk [tilespmem:v19+s4+$0x0], $0xffff;
	[tilespmem:s29+$0x0] =	vst v23  }
.LBB2_9:
0x1b6: {  	v18 =	vld [tilespmem:s16+$0x0];
	s21 =	sor.u32 s30, s1;
	s1 =	sor.u32 s18, s1;
	[tilespmem:s25+$0x0] =	vst v12;
	v12 =	vadd.s32 $0xC, v0;
	s11 =	sadd.s32 $0x8500, s8  }
0x1b7: {  	[tilespmem:s1+$0x0] =	vst v15;
	v14 =	vld.idx.msk [tilespmem:v14+s4+$0x0], $0xffff;
	v15 =	vadd.s32 $0x8, v4;
	s1 =	sor.u32 s2, s11;
	s25 =	sor.u32 s6, s11;
	s11 =	smov.u32 s30  }
0x1b8: {  	s31 =	smov.u32 s8;
	s8 =	smov.u32 s14;
	s14 =	smov.u32 s19;
	v16 =	vld.idx.msk [tilespmem:v16+s4+$0x0], $0xffff;
	[tilespmem:s25+$0x0] =	vst v11;
	v11 =	vadd.s32 $0x11, v2;
	v2 =	vmovc v0;
	v0 =	vmov v3;
	v3 =	vmov v5  }
0x1b9: {  	s19 =	sadd.s32 $0x7100, s8;
	[tilespmem:s21+$0x0] =	vst v9;
	v9 =	vadd.s32 $0x8, v0;
	v10 =	vld.idx.msk [tilespmem:v10+s4+$0x0], $0xffff;
	s21 =	smov.u32 s6;
	s6 =	smov.u32 s7  }
0x1ba: {  	v19 =	vadd.s32 $0x3, v6;
	s25 =	sor.u32 s15, s19;
	s7 =	smov.u32 s18;
	v17 =	vld.idx.msk [tilespmem:v17+s4+$0x0], $0xffff;
	s19 =	sor.u32 s6, s19;
	[tilespmem:s20+$0x0] =	vst v8  }
0x1bb: {  	[tilespmem:s19+$0x0] =	vst v13;
	v8 =	vld.idx.msk [tilespmem:v12+s4+$0x0], $0xffff;
	v12 =	vadd.s32 $0xE, v1  }
0x1bc: {  	s18 =	sadd.s32 $0x5D00, s14;
	v13 =	vadd.s32 $0x3, v3;
	v15 =	vld.idx.msk [tilespmem:v15+s4+$0x0], $0xffff;
	[tilespmem:s12+$0x0] =	vst v7  }
0x1bd: {  	s19 =	sadd.s32 $0x8900, s31;
	s12 =	sor.u32 s11, s18;
	s18 =	sor.u32 s7, s18;
	v7 =	vadd.s32 $0xD, v2;
	[tilespmem:s25+$0x0] =	vst v14;
	v11 =	vld.idx.msk [tilespmem:v11+s4+$0x0], $0xffff  }
0x1be: {  	v5 =	vmul.u32 $0x12, v18;
	s20 =	sor.u32 s2, s19;
	v14 =	vadd.s32 $0x9, v4;
	[tilespmem:s18+$0x0] =	vst v16;
	v9 =	vld.idx.msk [tilespmem:v9+s4+$0x0], $0xffff;
	s18 =	sor.u32 s21, s19  }
0x1bf: {  	v16 =	vld.idx.msk [tilespmem:v19+s4+$0x0], $0xffff;
	[tilespmem:s18+$0x0] =	vst v10  }
0x1c0: {  	[tilespmem:s12+$0x0] =	vst v17;
	s12 =	sadd.s32 $0x7500, s8;
	v10 =	vld.idx.msk [tilespmem:v12+s4+$0x0], $0xffff  }
0x1c1: {  	s9 =	sadd.s32 $0x20, s9;
	v12 =	vld.idx.msk [tilespmem:v13+s4+$0x0], $0xffff;
	v13 =	vadd.s32 $0x4, v6;
	s25 =	sor.u32 s15, s12;
	s12 =	sor.u32 s6, s12;
	[tilespmem:s1+$0x0] =	vst v8  }
0x1c2: {  	s10 =	sadd.s32 $0x2, s10;
	s30 =	sand.u32 $0x60, s9;
	s19 =	sand.u32 $0x380, s9;
	v8 =	vadd.s32 $0xF, v1;
	[tilespmem:s12+$0x0] =	vst v15;
	v7 =	vld.idx.msk [tilespmem:v7+s4+$0x0], $0xffff  }
0x1c3: {  	p0 =	slt.u32 s10, $0x3E;
	s18 =	sor.u32 $0x10, s30;
	s1 =	sadd.s32 $0x6100, s14;
	v15 =	vadd.s32 $0x4, v3;
	v14 =	vld.idx.msk [tilespmem:v14+s4+$0x0], $0xffff;
	[tilespmem:s5+$0x0] =	vst v11  }
0x1c4: {  	s12 =	sor.u32 s7, s1;
	s5 =	sor.u32 s19, s18;
	v11 =	vld.idx.msk [tilespmem:v5+s4+$0x0], $0xffff;
	[tilespmem:s25+$0x0] =	vst v9;
	v9 =	vadd.s32 $0x9, v0;
	s25 =	sadd.s32 $0x8D00, s31  }
0x1c5: {  	s29 =	sor.u32 s11, s1;
	v17 =	vld [tilespmem:s5+$0x900];
	[tilespmem:s12+$0x0] =	vst v16;
	v16 =	vadd.s32 $0xA, v4;
	s1 =	sor.u32 s2, s25;
	s12 =	sor.u32 s21, s25  }
0x1c6: {  	v18 =	vadd.s32 $0xE, v2;
	v13 =	vld.idx.msk [tilespmem:v13+s4+$0x0], $0xffff;
	[tilespmem:s12+$0x0] =	vst v10  }
0x1c7: {  	v10 =	vor.u32 $0x1, v5;
	s12 =	sadd.s32 $0x7900, s8;
	[tilespmem:s29+$0x0] =	vst v12;
	v8 =	vld.idx.msk [tilespmem:v8+s4+$0x0], $0xffff  }
0x1c8: {  	s25 =	sor.u32 s15, s12;
	s12 =	sor.u32 s6, s12;
	v12 =	vld.idx.msk [tilespmem:v15+s4+$0x0], $0xffff;
	v15 =	vadd.s32 $0x5, v6;
	[tilespmem:s20+$0x0] =	vst v7  }
0x1c9: {  	v7 =	vld.idx.msk [tilespmem:v9+s4+$0x0], $0xffff;
	[tilespmem:s12+$0x0] =	vst v14;
	v14 =	vadd.s32 $0x10, v1  }
0x1ca: {  	s17 =	sadd.s32 $0x20, s17;
	v19 =	vadd.s32 $0x5, v3;
	s12 =	sadd.s32 $0x6500, s14;
	v17 =	vmul.u32 $0x12, v17;
	v16 =	vld.idx.msk [tilespmem:v16+s4+$0x0], $0xffff  }
0x1cb: {  	s3 =	sadd.s32 $0x9100, s31;
	s20 =	sor.u32 s11, s12;
	s12 =	sor.u32 s7, s12;
	[tilespmem:s17+$0x0] =	vst v11;
	v11 =	vld.idx.msk [tilespmem:v18+s4+$0x0], $0xffff  }
0x1cc: {  	s29 =	sor.u32 s2, s3;
	s3 =	sor.u32 s21, s3;
	v9 =	vld.idx.msk [tilespmem:v10+s4+$0x0], $0xffff;
	[tilespmem:s12+$0x0] =	vst v13;
	v10 =	vadd.s32 $0xB, v4  }
0x1cd: {  	v13 =	vld.idx.msk [tilespmem:v15+s4+$0x0], $0xffff;
	v15 =	vadd.s32 $0xA, v0;
	[tilespmem:s3+$0x0] =	vst v8  }
0x1ce: {  	s3 =	sadd.s32 $0x7D00, s8;
	v8 =	vadd.s32 $0xF, v2;
	[tilespmem:s20+$0x0] =	vst v12;
	v12 =	vld.idx.msk [tilespmem:v14+s4+$0x0], $0xffff  }
0x1cf: {  	v18 =	vadd.s32 $0x6, v6;
	v14 =	vld.idx.msk [tilespmem:v19+s4+$0x0], $0xffff;
	[tilespmem:s25+$0x0] =	vst v7;
	s25 =	sor.u32 s15, s3;
	s3 =	sor.u32 s6, s3  }
0x1d0: {  	v7 =	vld.idx.msk [tilespmem:v17+s4+$0x0], $0xffff;
	[tilespmem:s3+$0x0] =	vst v16;
	v16 =	vadd.s32 $0x11, v1;
	v1 =	vmovc v4;
	v4 =	vmov v6;
	v6 =	vmov v17  }
0x1d1: {  	s3 =	sadd.s32 $0x6900, s14;
	v17 =	vadd.s32 $0x6, v3;
	v10 =	vld.idx.msk [tilespmem:v10+s4+$0x0], $0xffff;
	[tilespmem:s1+$0x0] =	vst v11  }
0x1d2: {  	s20 =	sadd.s32 $0x9500, s31;
	v11 =	vor.u32 $0x1, v6;
	s1 =	sor.u32 s11, s3;
	s3 =	sor.u32 s7, s3;
	v19 =	vld.idx.msk [tilespmem:v15+s4+$0x0], $0xffff  }
0x1d3: {  	s12 =	sor.u32 s2, s20;
	[tilespmem:s3+$0x0] =	vst v13;
	v13 =	vadd.s32 $0xC, v1;
	v20 =	vld.idx.msk [tilespmem:v8+s4+$0x0], $0xffff;
	s3 =	sor.u32 s21, s20  }
0x1d4: {  	v8 =	vadd.s32 $0xB, v0;
	v18 =	vld.idx.msk [tilespmem:v18+s4+$0x0], $0xffff;
	[tilespmem:s3+$0x0] =	vst v12  }
0x1d5: {  	v21 =	vadd.s32 $0x10, v2;
	[tilespmem:s1+$0x0] =	vst v14;
	s1 =	sadd.s32 $0x8100, s8;
	v22 =	vld.idx.msk [tilespmem:v16+s4+$0x0], $0xffff  }
0x1d6: {  	v23 =	vadd.s32 $0x7, v4;
	[tilespmem:s5+$0x5500] =	vst v7;
	v12 =	vld.idx.msk [tilespmem:v17+s4+$0x0], $0xffff;
	s20 =	sor.u32 s15, s1;
	s1 =	sor.u32 s6, s1  }
.Ltmp6:
0x1d7: {  	v15 =	vld.idx.msk [tilespmem:v11+s4+$0x0], $0xffff;
	[tilespmem:s1+$0x0] =	vst v10;
	(pc) =	sbr.rel @p0 .LBB2_9-.Ltmp6, $4  }
0x1d8: {  	v14 =	vadd.s32 $0x7, v3;
	s1 =	sadd.s32 $0x6D00, s14;
	[tilespmem:s25+$0x0] =	vst v19;
	v11 =	vld.idx.msk [tilespmem:v13+s4+$0x0], $0xffff  }
0x1d9: {  	s3 =	sadd.s32 $0x9900, s31;
	v16 =	vadd.s32 $0x2, v6;
	s25 =	sor.u32 s11, s1;
	s1 =	sor.u32 s7, s1;
	v8 =	vld.idx.msk [tilespmem:v8+s4+$0x0], $0xffff;
	[tilespmem:s29+$0x0] =	vst v20  }
0x1da: {  	s5 =	sor.u32 s2, s3;
	s3 =	sor.u32 s21, s3;
	s2 =	smov.u32 s15;
	v10 =	vadd.s32 $0xD, v1;
	[tilespmem:s1+$0x0] =	vst v18;
	v7 =	vld.idx.msk [tilespmem:v21+s4+$0x0], $0xffff  }
0x1db: {  	s16 =	sadd.s32 $0x20, s16;
	v17 =	vadd.s32 $0x2, v5;
	s15 =	smov.u32 s11;
	s1 =	sadd.s32 $0x5900, s19;
	v13 =	vld.idx.msk [tilespmem:v23+s4+$0x0], $0xffff;
	[tilespmem:s3+$0x0] =	vst v22  }
0x1dc: {  	_ =	sdelay $0x1  }
0x1dd: {  	s3 =	sor.u32 s18, s1  }
0x1de: {  	s31 =	sor.u32 s30, s1;
	[tilespmem:s3+$0x0] =	vst v15  }
0x1df: {  	[tilespmem:s31+$0x0] =	vst v9;
	v15 =	vld.idx.msk [tilespmem:v16+s4+$0x0], $0xffff  }
0x1e0: {  	v39 =	vadd.s32 $0x3, v6;
	v9 =	vld.idx.msk [tilespmem:v17+s4+$0x0], $0xffff  }
0x1e1: {  	v40 =	vadd.s32 $0x3, v5  }
0x1e2: {  	s9 =	sadd.s32 $0x5D00, s19  }
0x1e3: {  	s10 =	sor.u32 s18, s9  }
0x1e4: {  	s1 =	sor.u32 s30, s9;
	[tilespmem:s10+$0x0] =	vst v15  }
0x1e5: {  	[tilespmem:s1+$0x0] =	vst v9;
	v15 =	vld.idx.msk [tilespmem:v39+s4+$0x0], $0xffff  }
0x1e6: {  	v41 =	vadd.s32 $0x4, v6;
	v9 =	vld.idx.msk [tilespmem:v40+s4+$0x0], $0xffff  }
0x1e7: {  	v42 =	vadd.s32 $0x4, v5  }
0x1e8: {  	s11 =	sadd.s32 $0x6100, s19  }
0x1e9: {  	s16 =	sor.u32 s18, s11  }
0x1ea: {  	s1 =	sor.u32 s30, s11;
	[tilespmem:s16+$0x0] =	vst v15  }
0x1eb: {  	[tilespmem:s1+$0x0] =	vst v9;
	v15 =	vld.idx.msk [tilespmem:v41+s4+$0x0], $0xffff  }
0x1ec: {  	v43 =	vadd.s32 $0x5, v6;
	v9 =	vld.idx.msk [tilespmem:v42+s4+$0x0], $0xffff  }
0x1ed: {  	v44 =	vadd.s32 $0x5, v5  }
0x1ee: {  	s17 =	sadd.s32 $0x6500, s19  }
0x1ef: {  	s21 =	sor.u32 s18, s17  }
0x1f0: {  	s1 =	sor.u32 s30, s17;
	[tilespmem:s21+$0x0] =	vst v15  }
0x1f1: {  	[tilespmem:s1+$0x0] =	vst v9;
	v15 =	vld.idx.msk [tilespmem:v43+s4+$0x0], $0xffff  }
0x1f2: {  	v45 =	vadd.s32 $0x6, v6;
	v9 =	vld.idx.msk [tilespmem:v44+s4+$0x0], $0xffff  }
0x1f3: {  	v46 =	vadd.s32 $0x6, v5  }
0x1f4: {  	s29 =	sadd.s32 $0x6900, s19  }
0x1f5: {  	s31 =	sor.u32 s18, s29  }
0x1f6: {  	s1 =	sor.u32 s30, s29;
	[tilespmem:s31+$0x0] =	vst v15  }
0x1f7: {  	[tilespmem:s1+$0x0] =	vst v9;
	v15 =	vld.idx.msk [tilespmem:v45+s4+$0x0], $0xffff  }
0x1f8: {  	v47 =	vadd.s32 $0x7, v6;
	v9 =	vld.idx.msk [tilespmem:v46+s4+$0x0], $0xffff  }
0x1f9: {  	v48 =	vadd.s32 $0x7, v5;
	[tilespmem:s25+$0x0] =	vst v12  }
0x1fa: {  	v49 =	vadd.s32 $0x8, v4;
	s9 =	sadd.s32 $0x6D00, s19;
	v12 =	vld.idx.msk [tilespmem:v14+s4+$0x0], $0xffff  }
0x1fb: {  	v50 =	vadd.s32 $0x8, v3;
	s10 =	sor.u32 s18, s9  }
0x1fc: {  	s11 =	sadd.s32 $0x7100, s14;
	s1 =	sor.u32 s30, s9;
	[tilespmem:s10+$0x0] =	vst v15  }
0x1fd: {  	s16 =	sor.u32 s7, s11;
	[tilespmem:s1+$0x0] =	vst v9;
	v16 =	vld.idx.msk [tilespmem:v47+s4+$0x0], $0xffff  }
0x1fe: {  	v51 =	vadd.s32 $0x8, v6;
	[tilespmem:s16+$0x0] =	vst v13;
	s1 =	sor.u32 s15, s11;
	v9 =	vld.idx.msk [tilespmem:v48+s4+$0x0], $0xffff  }
0x1ff: {  	v18 =	vadd.s32 $0x8, v5;
	v13 =	vld.idx.msk [tilespmem:v49+s4+$0x0], $0xffff;
	[tilespmem:s1+$0x0] =	vst v12  }
0x200: {  	v52 =	vadd.s32 $0x9, v4;
	s17 =	sadd.s32 $0x7100, s19;
	v12 =	vld.idx.msk [tilespmem:v50+s4+$0x0], $0xffff  }
0x201: {  	v53 =	vadd.s32 $0x9, v3;
	s21 =	sor.u32 s18, s17  }
0x202: {  	s25 =	sadd.s32 $0x7500, s14;
	s3 =	sor.u32 s30, s17;
	[tilespmem:s21+$0x0] =	vst v16  }
0x203: {  	s29 =	sor.u32 s7, s25;
	[tilespmem:s3+$0x0] =	vst v9;
	v16 =	vld.idx.msk [tilespmem:v51+s4+$0x0], $0xffff  }
0x204: {  	v54 =	vadd.s32 $0x9, v6;
	[tilespmem:s29+$0x0] =	vst v13;
	s1 =	sor.u32 s15, s25;
	v9 =	vld.idx.msk [tilespmem:v18+s4+$0x0], $0xffff  }
0x205: {  	v55 =	vadd.s32 $0x9, v5;
	v13 =	vld.idx.msk [tilespmem:v52+s4+$0x0], $0xffff;
	[tilespmem:s1+$0x0] =	vst v12  }
0x206: {  	v56 =	vadd.s32 $0xA, v4;
	s31 =	sadd.s32 $0x7500, s19;
	v57 =	vld.idx.msk [tilespmem:v53+s4+$0x0], $0xffff  }
0x207: {  	v58 =	vadd.s32 $0xA, v3;
	s9 =	sor.u32 s18, s31  }
0x208: {  	s10 =	sadd.s32 $0x7900, s14;
	s3 =	sor.u32 s30, s31;
	[tilespmem:s9+$0x0] =	vst v16  }
0x209: {  	s11 =	sor.u32 s7, s10;
	[tilespmem:s3+$0x0] =	vst v9;
	v16 =	vld.idx.msk [tilespmem:v54+s4+$0x0], $0xffff  }
0x20a: {  	v59 =	vadd.s32 $0xA, v6;
	[tilespmem:s11+$0x0] =	vst v13;
	s1 =	sor.u32 s15, s10;
	v60 =	vld.idx.msk [tilespmem:v55+s4+$0x0], $0xffff  }
0x20b: {  	v61 =	vadd.s32 $0xA, v5;
	v12 =	vld.idx.msk [tilespmem:v56+s4+$0x0], $0xffff;
	[tilespmem:s1+$0x0] =	vst v57  }
0x20c: {  	v62 =	vadd.s32 $0xB, v4;
	s16 =	sadd.s32 $0x7900, s19;
	v14 =	vld.idx.msk [tilespmem:v58+s4+$0x0], $0xffff  }
0x20d: {  	v63 =	vadd.s32 $0xB, v3;
	[tilespmem:s20+$0x0] =	vst v8;
	s17 =	sor.u32 s18, s16  }
0x20e: {  	v2 =	vadd.s32 $0x11, v2;
	s3 =	sor.u32 s30, s16;
	s9 =	sadd.s32 $0x7D00, s14;
	[tilespmem:s17+$0x0] =	vst v16  }
0x20f: {  	v22 =	vadd.s32 $0xC, v0;
	s29 =	sor.u32 s7, s9;
	[tilespmem:s3+$0x0] =	vst v60;
	v9 =	vld.idx.msk [tilespmem:v59+s4+$0x0], $0xffff  }
0x210: {  	v20 =	vadd.s32 $0xB, v6;
	s9 =	sor.u32 s15, s9;
	[tilespmem:s29+$0x0] =	vst v12;
	v17 =	vld.idx.msk [tilespmem:v61+s4+$0x0], $0xffff  }
0x211: {  	v21 =	vadd.s32 $0xB, v5;
	s21 =	sadd.s32 $0x8500, s8;
	v13 =	vld.idx.msk [tilespmem:v62+s4+$0x0], $0xffff;
	[tilespmem:s9+$0x0] =	vst v14  }
0x212: {  	v23 =	vadd.s32 $0xC, v4;
	[tilespmem:s12+$0x0] =	vst v7;
	s31 =	sadd.s32 $0x7D00, s19;
	s25 =	sor.u32 s6, s21;
	v15 =	vld.idx.msk [tilespmem:v63+s4+$0x0], $0xffff  }
0x213: {  	v24 =	vadd.s32 $0xC, v3;
	v2 =	vld.idx.msk [tilespmem:v2+s4+$0x0], $0xffff;
	s10 =	sor.u32 s18, s31;
	[tilespmem:s25+$0x0] =	vst v11  }
0x214: {  	s11 =	sadd.s32 $0x8100, s14;
	v12 =	vld.idx.msk [tilespmem:v22+s4+$0x0], $0xffff;
	s3 =	sor.u32 s30, s31;
	[tilespmem:s10+$0x0] =	vst v9  }
0x215: {  	v27 =	vadd.s32 $0xD, v0;
	s12 =	sor.u32 s7, s11;
	[tilespmem:s3+$0x0] =	vst v17;
	v16 =	vld.idx.msk [tilespmem:v20+s4+$0x0], $0xffff  }
0x216: {  	v25 =	vadd.s32 $0xC, v6;
	[tilespmem:s12+$0x0] =	vst v13;
	s3 =	sor.u32 s15, s11;
	v11 =	vld.idx.msk [tilespmem:v21+s4+$0x0], $0xffff  }
0x217: {  	v26 =	vadd.s32 $0xC, v5;
	v14 =	vld.idx.msk [tilespmem:v23+s4+$0x0], $0xffff;
	[tilespmem:s3+$0x0] =	vst v15  }
0x218: {  	v28 =	vadd.s32 $0xD, v4;
	[tilespmem:s5+$0x0] =	vst v2;
	s16 =	sadd.s32 $0x8100, s19;
	s1 =	sor.u32 s2, s21;
	v9 =	vld.idx.msk [tilespmem:v24+s4+$0x0], $0xffff  }
0x219: {  	v29 =	vadd.s32 $0xD, v3;
	v10 =	vld.idx.msk [tilespmem:v10+s4+$0x0], $0xffff;
	s17 =	sor.u32 s18, s16;
	[tilespmem:s1+$0x0] =	vst v12  }
0x21a: {  	v32 =	vadd.s32 $0xE, v1;
	s21 =	sadd.s32 $0x8500, s14;
	s9 =	sor.u32 s30, s16;
	v13 =	vld.idx.msk [tilespmem:v27+s4+$0x0], $0xffff;
	[tilespmem:s17+$0x0] =	vst v16  }
0x21b: {  	v33 =	vadd.s32 $0xE, v0;
	s25 =	sor.u32 s7, s21;
	[tilespmem:s9+$0x0] =	vst v11;
	v8 =	vld.idx.msk [tilespmem:v25+s4+$0x0], $0xffff  }
0x21c: {  	v30 =	vadd.s32 $0xD, v6;
	s10 =	sadd.s32 $0x8900, s8;
	s3 =	sor.u32 s15, s21;
	[tilespmem:s25+$0x0] =	vst v14;
	v7 =	vld.idx.msk [tilespmem:v26+s4+$0x0], $0xffff  }
0x21d: {  	v31 =	vadd.s32 $0xD, v5;
	s20 =	sor.u32 s6, s10;
	v15 =	vld.idx.msk [tilespmem:v28+s4+$0x0], $0xffff;
	[tilespmem:s3+$0x0] =	vst v9  }
0x21e: {  	v34 =	vadd.s32 $0xE, v4;
	s29 =	sadd.s32 $0x8500, s19;
	[tilespmem:s20+$0x0] =	vst v10;
	s3 =	sor.u32 s2, s10;
	v16 =	vld.idx.msk [tilespmem:v29+s4+$0x0], $0xffff  }
0x21f: {  	v35 =	vadd.s32 $0xE, v3;
	s31 =	sor.u32 s18, s29;
	v37 =	vld.idx.msk [tilespmem:v32+s4+$0x0], $0xffff;
	[tilespmem:s3+$0x0] =	vst v13  }
0x220: {  	v39 =	vadd.s32 $0xF, v1;
	s5 =	sadd.s32 $0x8900, s14;
	s1 =	sor.u32 s30, s29;
	v14 =	vld.idx.msk [tilespmem:v33+s4+$0x0], $0xffff;
	[tilespmem:s31+$0x0] =	vst v8  }
0x221: {  	v40 =	vadd.s32 $0xF, v0;
	s9 =	sor.u32 s7, s5;
	[tilespmem:s1+$0x0] =	vst v7;
	v10 =	vld.idx.msk [tilespmem:v30+s4+$0x0], $0xffff  }
0x222: {  	v36 =	vadd.s32 $0xE, v6;
	s12 =	sadd.s32 $0x8D00, s8;
	s3 =	sor.u32 s15, s5;
	[tilespmem:s9+$0x0] =	vst v15;
	v7 =	vld.idx.msk [tilespmem:v31+s4+$0x0], $0xffff  }
0x223: {  	v38 =	vadd.s32 $0xE, v5;
	s16 =	sor.u32 s6, s12;
	v9 =	vld.idx.msk [tilespmem:v34+s4+$0x0], $0xffff;
	[tilespmem:s3+$0x0] =	vst v16  }
0x224: {  	v41 =	vadd.s32 $0xF, v4;
	s17 =	sor.u32 s2, s12;
	s10 =	sadd.s32 $0x8900, s19;
	[tilespmem:s16+$0x0] =	vst v37;
	v8 =	vld.idx.msk [tilespmem:v35+s4+$0x0], $0xffff  }
0x225: {  	v42 =	vadd.s32 $0xF, v3;
	s11 =	sor.u32 s18, s10;
	v45 =	vld.idx.msk [tilespmem:v39+s4+$0x0], $0xffff;
	[tilespmem:s17+$0x0] =	vst v14  }
0x226: {  	v47 =	vadd.s32 $0x10, v1;
	s20 =	sadd.s32 $0x8D00, s14;
	s1 =	sor.u32 s30, s10;
	v15 =	vld.idx.msk [tilespmem:v40+s4+$0x0], $0xffff;
	[tilespmem:s11+$0x0] =	vst v10  }
0x227: {  	v48 =	vadd.s32 $0x10, v0;
	s21 =	sor.u32 s7, s20;
	[tilespmem:s1+$0x0] =	vst v7;
	v2 =	vld.idx.msk [tilespmem:v36+s4+$0x0], $0xffff  }
0x228: {  	v43 =	vadd.s32 $0xF, v6;
	s31 =	sadd.s32 $0x9100, s8;
	s3 =	sor.u32 s15, s20;
	[tilespmem:s21+$0x0] =	vst v9;
	v44 =	vld.idx.msk [tilespmem:v38+s4+$0x0], $0xffff  }
0x229: {  	v46 =	vadd.s32 $0xF, v5;
	s9 =	sor.u32 s6, s31;
	v16 =	vld.idx.msk [tilespmem:v41+s4+$0x0], $0xffff;
	[tilespmem:s3+$0x0] =	vst v8  }
0x22a: {  	v49 =	vadd.s32 $0x10, v4;
	s25 =	sadd.s32 $0x8D00, s19;
	s10 =	sor.u32 s2, s31;
	[tilespmem:s9+$0x0] =	vst v45;
	v10 =	vld.idx.msk [tilespmem:v42+s4+$0x0], $0xffff  }
0x22b: {  	v50 =	vadd.s32 $0x10, v3;
	s29 =	sor.u32 s18, s25;
	v53 =	vld.idx.msk [tilespmem:v47+s4+$0x0], $0xffff;
	[tilespmem:s10+$0x0] =	vst v15  }
0x22c: {  	v55 =	vadd.s32 $0x11, v1;
	s1 =	sor.u32 s30, s25;
	s11 =	sadd.s32 $0x9100, s14;
	v9 =	vld.idx.msk [tilespmem:v48+s4+$0x0], $0xffff;
	[tilespmem:s29+$0x0] =	vst v2  }
0x22d: {  	v56 =	vadd.s32 $0x11, v0;
	s12 =	sor.u32 s7, s11;
	[tilespmem:s1+$0x0] =	vst v44;
	v7 =	vld.idx.msk [tilespmem:v43+s4+$0x0], $0xffff  }
0x22e: {  	v51 =	vadd.s32 $0x10, v6;
	s20 =	sadd.s32 $0x9500, s8;
	s3 =	sor.u32 s15, s11;
	[tilespmem:s12+$0x0] =	vst v16;
	v52 =	vld.idx.msk [tilespmem:v46+s4+$0x0], $0xffff  }
0x22f: {  	v54 =	vadd.s32 $0x10, v5;
	s21 =	sor.u32 s6, s20;
	v8 =	vld.idx.msk [tilespmem:v49+s4+$0x0], $0xffff;
	[tilespmem:s3+$0x0] =	vst v10  }
0x230: {  	v57 =	vadd.s32 $0x11, v4;
	s16 =	sadd.s32 $0x9100, s19;
	s25 =	sor.u32 s2, s20;
	[tilespmem:s21+$0x0] =	vst v53;
	v2 =	vld.idx.msk [tilespmem:v50+s4+$0x0], $0xffff  }
0x231: {  	v58 =	vadd.s32 $0x11, v3;
	s17 =	sor.u32 s18, s16;
	v1 =	vld.idx.msk [tilespmem:v55+s4+$0x0], $0xffff;
	[tilespmem:s25+$0x0] =	vst v9  }
0x232: {  	s1 =	sor.u32 s30, s16;
	s29 =	sadd.s32 $0x9500, s14;
	v0 =	vld.idx.msk [tilespmem:v56+s4+$0x0], $0xffff;
	[tilespmem:s17+$0x0] =	vst v7  }
0x233: {  	s31 =	sor.u32 s7, s29;
	[tilespmem:s1+$0x0] =	vst v52;
	v7 =	vld.idx.msk [tilespmem:v51+s4+$0x0], $0xffff  }
0x234: {  	v59 =	vadd.s32 $0x11, v6;
	s10 =	sadd.s32 $0x9900, s8;
	s3 =	sor.u32 s15, s29;
	[tilespmem:s31+$0x0] =	vst v8;
	v60 =	vld.idx.msk [tilespmem:v54+s4+$0x0], $0xffff  }
0x235: {  	v61 =	vadd.s32 $0x11, v5;
	s11 =	sor.u32 s6, s10;
	v4 =	vld.idx.msk [tilespmem:v57+s4+$0x0], $0xffff;
	[tilespmem:s3+$0x0] =	vst v2  }
0x236: {  	s5 =	sadd.s32 $0x9500, s19;
	s12 =	sor.u32 s2, s10;
	[tilespmem:s11+$0x0] =	vst v1;
	v2 =	vld.idx.msk [tilespmem:v58+s4+$0x0], $0xffff  }
0x237: {  	s9 =	sor.u32 s18, s5;
	[tilespmem:s12+$0x0] =	vst v0  }
0x238: {  	s16 =	sadd.s32 $0x9900, s14;
	s1 =	sor.u32 s30, s5;
	[tilespmem:s9+$0x0] =	vst v7  }
0x239: {  	s17 =	sor.u32 s7, s16;
	[tilespmem:s1+$0x0] =	vst v60;
	v62 =	vld.idx.msk [tilespmem:v59+s4+$0x0], $0xffff  }
0x23a: {  	s2 =	sor.u32 s15, s16;
	[tilespmem:s17+$0x0] =	vst v4;
	v63 =	vld.idx.msk [tilespmem:v61+s4+$0x0], $0xffff  }
0x23b: {  	p0 =	seq.s32 s0, $0x18;
	[tilespmem:s2+$0x0] =	vst v2  }
.Ltmp7:
0x23c: {  	s20 =	sadd.s32 $0x9900, s19;
	s3 =	rddreg [dreg:$0x4];
	(pc) =	sbr.rel @p0 .LBB2_12-.Ltmp7, $4  }
0x23d: {  	s21 =	sor.u32 s18, s20;
	s3 =	sor.u32 s3, s13  }
0x23e: {  	s29 =	rddreg [dreg:$0x2];
	s1 =	sor.u32 s30, s20;
	s25 =	sshrl.u32 s3, $0x3;
	[tilespmem:s21+$0x0] =	vst v62  }
0x23f: {  	s31 =	simm.s32 $0x5500;
	s30 =	simm.s32 $0x400;
	[tilespmem:s1+$0x0] =	vst v63;
	s1 =	sadd.s32 s29, s25  }
0x240: {  	[hbm4b:s1+s30] =	stream.strided.scatter [tilespmem:s31], [sflag:$0x4], $0x4800, s24, s30, $0x38;
	[tilespmem:$0x9D00] =	vst v63  }
.Ltmp8:
0x241: {  	s1 =	rddreg [dreg:$0x8];
	(pc) =	sbr.rel .LBB2_2-.Ltmp8, $4  }
0x242: {  	s1 =	sadd.s32 s1, s13  }
0x243: {  	s1 =	sshrl.u32 s1, $0x3  }
0x244: {  	s2 =	simm.s32 $0x900;
	s0 =	sadd.s32 $0x1, s0;
	s1 =	sadd.s32 s23, s1  }
0x245: {  	[tilespmem:s2], [sflag:$0x2] =	stream.linear.gather [hbm4b:s1+s4], $0x400, $0x38;
	[tilespmem:$0x9D00] =	vst v63  }
.LBB2_12:
0x246: {  	s0 =	simm.s32 $0x3  }
0x247: {  	_ =	swait.ge [sflag:s0], $0x4800  }
0x248: {  	[sflag:s0] =	ssyncset.done $0x0  }
0x249: {  	[sflag:s0] =	ssyncadd.s32 $0xFFFFB800  }
0x24a: {  	_ =	swait.ge [sflag:s28], $0x4800  }
0x24b: {  	s2 =	simm.s32 $0x0;
	[sflag:s28] =	ssyncset.done $0x0  }
0x24c: {  	s1 =	simm.s32 $0x500;
	s29 =	rddreg [dreg:$0xd];
	[sflag:s28] =	ssyncadd.s32 $0xFFFFB800  }
0x24d: {  	[tilespmem:s1], [sflag:$0x1] =	stream.linear.gather [hbm4b:s29+s2], $0x400, $0x38;
	[tilespmem:$0x9D00] =	vst v63  }
0x24e: {  	s31 =	simm.s32 $0x900;
	s0 =	simm.s32 $0x0;
	s30 =	rddreg [dreg:$0xe]  }
0x24f: {  	[tilespmem:s31], [sflag:$0x2] =	stream.linear.gather [hbm4b:s30+s2], $0x400, $0x38;
	[tilespmem:$0x9D00] =	vst v63  }
.LBB2_13:
0x250: {  	_ =	swait.ge [sflag:s22], $0x400  }
0x251: {  	p0 =	seq.s32 s0, $0x0;
	[sflag:s22] =	ssyncset.done $0x0  }
0x252: {  	s1 =	simm.s32 @!p0 $0x3;
	[sflag:s22] =	ssyncadd.s32 $0xFFFFFC00  }
0x253: {  	s13 =	sand.u32 $0x60, s2;
	_ =	swait.ge @!p0 [sflag:s1], $0x4800  }
0x254: {  	s20 =	sand.u32 $0x380, s2;
	s16 =	sor.u32 $0x10, s13;
	[sflag:s1] =	ssyncset.done @!p0 $0x0  }
0x255: {  	s14 =	sor.u32 s20, s16;
	[sflag:s1] =	ssyncadd.s32 @!p0 $0xFFFFB800  }
0x256: {  	v0 =	vld [tilespmem:s14+$0x500];
	_ =	sdelay $0x4  }
0x257: {  	v7 =	vmul.u32 $0x12, v0  }
0x258: {  	s3 =	simm.s32 $0x500  }
0x259: {  	v0 =	vld [tilespmem:s3+$0x0];
	_ =	sdelay $0x3  }
0x25a: {  	v1 =	vld.idx.msk [tilespmem:v7+s4+$0x0], $0xffff  }
0x25b: {  	v3 =	vor.u32 $0x1, v7;
	v2 =	vmul.u32 $0x12, v0;
	_ =	sdelay $0x3  }
0x25c: {  	[tilespmem:s14+$0xD00] =	vst v1  }
0x25d: {  	v0 =	vld.idx.msk [tilespmem:v3+s4+$0x0], $0xffff  }
0x25e: {  	v1 =	vadd.s32 $0x2, v7;
	v3 =	vld.idx.msk [tilespmem:v2+s4+$0x0], $0xffff  }
0x25f: {  	v4 =	vor.u32 $0x1, v2  }
0x260: {  	s15 =	sadd.s32 $0x1100, s20  }
0x261: {  	s17 =	sor.u32 s16, s15  }
0x262: {  	s18 =	simm.s32 $0xD00;
	[tilespmem:s17+$0x0] =	vst v0  }
0x263: {  	[tilespmem:s18+$0x0] =	vst v3;
	v0 =	vld.idx.msk [tilespmem:v1+s4+$0x0], $0xffff  }
0x264: {  	v1 =	vadd.s32 $0x3, v7;
	v3 =	vld.idx.msk [tilespmem:v4+s4+$0x0], $0xffff  }
0x265: {  	v4 =	vadd.s32 $0x2, v2  }
0x266: {  	s19 =	sadd.s32 $0x1500, s20  }
0x267: {  	s5 =	sor.u32 s16, s19  }
0x268: {  	s1 =	sor.u32 s13, s15;
	[tilespmem:s5+$0x0] =	vst v0  }
0x269: {  	s21 =	simm.s32 $0x20;
	[tilespmem:s1+$0x0] =	vst v3;
	v0 =	vld.idx.msk [tilespmem:v1+s4+$0x0], $0xffff  }
0x26a: {  	s6 =	sand.u32 $0x60, s21;
	v1 =	vadd.s32 $0x4, v7;
	v3 =	vld.idx.msk [tilespmem:v4+s4+$0x0], $0xffff  }
0x26b: {  	s8 =	sor.u32 $0x10, s6;
	s14 =	sand.u32 $0x380, s21;
	v4 =	vadd.s32 $0x3, v2  }
0x26c: {  	s25 =	sadd.s32 $0x1900, s20;
	s5 =	sor.u32 s14, s8  }
0x26d: {  	s7 =	simm.s32 $0x520;
	s9 =	sor.u32 s16, s25;
	v5 =	vld [tilespmem:s5+$0x500]  }
0x26e: {  	v6 =	vld [tilespmem:s7+$0x0];
	s3 =	sor.u32 s13, s19;
	[tilespmem:s9+$0x0] =	vst v0  }
0x26f: {  	[tilespmem:s3+$0x0] =	vst v3;
	v8 =	vld.idx.msk [tilespmem:v1+s4+$0x0], $0xffff  }
0x270: {  	v3 =	vadd.s32 $0x5, v7;
	v4 =	vld.idx.msk [tilespmem:v4+s4+$0x0], $0xffff  }
0x271: {  	v9 =	vadd.s32 $0x4, v2  }
0x272: {  	s29 =	sadd.s32 $0x1D00, s20;
	v1 =	vmul.u32 $0x12, v5  }
0x273: {  	s9 =	sor.u32 s16, s29  }
0x274: {  	s1 =	sor.u32 s13, s25;
	v0 =	vmul.u32 $0x12, v6;
	[tilespmem:s9+$0x0] =	vst v8  }
0x275: {  	[tilespmem:s1+$0x0] =	vst v4;
	v3 =	vld.idx.msk [tilespmem:v3+s4+$0x0], $0xffff  }
0x276: {  	v4 =	vadd.s32 $0x6, v7;
	v5 =	vld.idx.msk [tilespmem:v9+s4+$0x0], $0xffff  }
0x277: {  	v6 =	vadd.s32 $0x5, v2  }
0x278: {  	s10 =	sadd.s32 $0x2100, s20;
	v8 =	vld.idx.msk [tilespmem:v1+s4+$0x0], $0xffff  }
0x279: {  	s11 =	sor.u32 s16, s10;
	v9 =	vor.u32 $0x1, v1  }
0x27a: {  	s3 =	sor.u32 s13, s29;
	v10 =	vld.idx.msk [tilespmem:v0+s4+$0x0], $0xffff;
	[tilespmem:s11+$0x0] =	vst v3  }
0x27b: {  	v3 =	vor.u32 $0x1, v0;
	[tilespmem:s3+$0x0] =	vst v5;
	v4 =	vld.idx.msk [tilespmem:v4+s4+$0x0], $0xffff  }
0x27c: {  	v5 =	vadd.s32 $0x7, v7;
	v6 =	vld.idx.msk [tilespmem:v6+s4+$0x0], $0xffff  }
0x27d: {  	[tilespmem:s5+$0xD00] =	vst v8;
	v8 =	vadd.s32 $0x6, v2  }
0x27e: {  	s12 =	simm.s32 $0xD20;
	s15 =	sadd.s32 $0x2500, s20;
	v9 =	vld.idx.msk [tilespmem:v9+s4+$0x0], $0xffff  }
0x27f: {  	s17 =	sor.u32 s16, s15;
	[tilespmem:s12+$0x0] =	vst v10;
	v10 =	vadd.s32 $0x2, v1  }
0x280: {  	s1 =	sor.u32 s13, s10;
	v3 =	vld.idx.msk [tilespmem:v3+s4+$0x0], $0xffff;
	[tilespmem:s17+$0x0] =	vst v4  }
0x281: {  	s18 =	sadd.s32 $0x1100, s14;
	v4 =	vadd.s32 $0x2, v0;
	[tilespmem:s1+$0x0] =	vst v6;
	v5 =	vld.idx.msk [tilespmem:v5+s4+$0x0], $0xffff  }
0x282: {  	s19 =	sor.u32 s8, s18;
	v6 =	vadd.s32 $0x8, v7;
	v8 =	vld.idx.msk [tilespmem:v8+s4+$0x0], $0xffff  }
0x283: {  	[tilespmem:s19+$0x0] =	vst v9;
	v9 =	vadd.s32 $0x7, v2  }
0x284: {  	s21 =	sor.u32 s6, s18;
	s25 =	sadd.s32 $0x2900, s20;
	v10 =	vld.idx.msk [tilespmem:v10+s4+$0x0], $0xffff  }
0x285: {  	s29 =	sor.u32 s16, s25;
	[tilespmem:s21+$0x0] =	vst v3;
	v3 =	vadd.s32 $0x3, v1  }
0x286: {  	s5 =	sor.u32 s13, s15;
	v4 =	vld.idx.msk [tilespmem:v4+s4+$0x0], $0xffff;
	[tilespmem:s29+$0x0] =	vst v5  }
0x287: {  	s7 =	sadd.s32 $0x1500, s14;
	v5 =	vadd.s32 $0x3, v0;
	[tilespmem:s5+$0x0] =	vst v8;
	v6 =	vld.idx.msk [tilespmem:v6+s4+$0x0], $0xffff  }
0x288: {  	s9 =	sor.u32 s8, s7;
	v9 =	vld.idx.msk [tilespmem:v9+s4+$0x0], $0xffff  }
0x289: {  	s10 =	simm.s32 $0x540;
	s17 =	simm.s32 $0x40;
	v8 =	vadd.s32 $0x9, v7;
	[tilespmem:s9+$0x0] =	vst v10  }
0x28a: {  	s12 =	sadd.s32 $0x2D00, s20;
	s11 =	sor.u32 s6, s7;
	s18 =	sand.u32 $0x60, s17;
	v10 =	vadd.s32 $0x8, v2;
	v3 =	vld.idx.msk [tilespmem:v3+s4+$0x0], $0xffff  }
0x28b: {  	v11 =	vld [tilespmem:s10+$0x0];
	s19 =	sor.u32 s16, s12;
	s15 =	sand.u32 $0x380, s17;
	s7 =	sor.u32 $0x10, s18;
	[tilespmem:s11+$0x0] =	vst v4;
	v4 =	vadd.s32 $0x4, v1  }
0x28c: {  	s21 =	sor.u32 s13, s25;
	s9 =	sor.u32 s15, s7;
	v5 =	vld.idx.msk [tilespmem:v5+s4+$0x0], $0xffff;
	[tilespmem:s19+$0x0] =	vst v6  }
0x28d: {  	s25 =	sadd.s32 $0x1900, s14;
	v6 =	vadd.s32 $0x4, v0;
	[tilespmem:s21+$0x0] =	vst v9;
	v9 =	vld [tilespmem:s9+$0x500]  }
0x28e: {  	s29 =	sor.u32 s8, s25;
	v8 =	vld.idx.msk [tilespmem:v8+s4+$0x0], $0xffff  }
0x28f: {  	v12 =	vadd.s32 $0xA, v7;
	v10 =	vld.idx.msk [tilespmem:v10+s4+$0x0], $0xffff;
	[tilespmem:s29+$0x0] =	vst v3  }
0x290: {  	v13 =	vadd.s32 $0x9, v2;
	s3 =	sor.u32 s6, s25;
	v14 =	vld.idx.msk [tilespmem:v4+s4+$0x0], $0xffff  }
0x291: {  	s10 =	sadd.s32 $0x3100, s20;
	v3 =	vmul.u32 $0x12, v11;
	[tilespmem:s3+$0x0] =	vst v5;
	v5 =	vadd.s32 $0x5, v1  }
0x292: {  	s11 =	sor.u32 s16, s10;
	v6 =	vld.idx.msk [tilespmem:v6+s4+$0x0], $0xffff  }
0x293: {  	s5 =	sor.u32 s13, s12;
	s12 =	sadd.s32 $0x1D00, s14;
	v4 =	vmul.u32 $0x12, v9;
	[tilespmem:s11+$0x0] =	vst v8;
	v8 =	vadd.s32 $0x5, v0  }
0x294: {  	s17 =	sor.u32 s8, s12;
	[tilespmem:s5+$0x0] =	vst v10;
	v9 =	vld.idx.msk [tilespmem:v12+s4+$0x0], $0xffff  }
0x295: {  	v11 =	vadd.s32 $0xB, v7;
	v10 =	vld.idx.msk [tilespmem:v13+s4+$0x0], $0xffff;
	[tilespmem:s17+$0x0] =	vst v14  }
0x296: {  	s3 =	sor.u32 s6, s12;
	v12 =	vadd.s32 $0xA, v2;
	v5 =	vld.idx.msk [tilespmem:v5+s4+$0x0], $0xffff  }
0x297: {  	s19 =	sadd.s32 $0x3500, s20;
	v13 =	vld.idx.msk [tilespmem:v3+s4+$0x0], $0xffff;
	[tilespmem:s3+$0x0] =	vst v6;
	v6 =	vadd.s32 $0x6, v1  }
0x298: {  	s21 =	sor.u32 s16, s19;
	v14 =	vor.u32 $0x1, v3;
	v8 =	vld.idx.msk [tilespmem:v8+s4+$0x0], $0xffff  }
0x299: {  	s1 =	sor.u32 s13, s10;
	s25 =	sadd.s32 $0x2100, s14;
	v15 =	vld.idx.msk [tilespmem:v4+s4+$0x0], $0xffff;
	[tilespmem:s21+$0x0] =	vst v9;
	v9 =	vadd.s32 $0x6, v0  }
0x29a: {  	s29 =	sor.u32 s8, s25;
	[tilespmem:s1+$0x0] =	vst v10;
	v10 =	vld.idx.msk [tilespmem:v11+s4+$0x0], $0xffff;
	v11 =	vor.u32 $0x1, v4  }
0x29b: {  	s10 =	simm.s32 $0xD40;
	v12 =	vld.idx.msk [tilespmem:v12+s4+$0x0], $0xffff;
	[tilespmem:s29+$0x0] =	vst v5;
	v5 =	vadd.s32 $0xC, v7  }
0x29c: {  	s5 =	sor.u32 s6, s25;
	[tilespmem:s10+$0x0] =	vst v13;
	v13 =	vadd.s32 $0xB, v2;
	v6 =	vld.idx.msk [tilespmem:v6+s4+$0x0], $0xffff  }
0x29d: {  	s1 =	sadd.s32 $0x3900, s20;
	v14 =	vld.idx.msk [tilespmem:v14+s4+$0x0], $0xffff;
	[tilespmem:s5+$0x0] =	vst v8;
	v8 =	vadd.s32 $0x7, v1  }
0x29e: {  	s10 =	sor.u32 s16, s1;
	[tilespmem:s9+$0xD00] =	vst v15;
	v15 =	vadd.s32 $0x2, v3;
	v9 =	vld.idx.msk [tilespmem:v9+s4+$0x0], $0xffff  }
0x29f: {  	s11 =	sadd.s32 $0x2500, s14;
	s3 =	sor.u32 s13, s19;
	v11 =	vld.idx.msk [tilespmem:v11+s4+$0x0], $0xffff;
	[tilespmem:s10+$0x0] =	vst v10  }
0x2a0: {  	s12 =	sor.u32 s8, s11;
	s19 =	sadd.s32 $0x1100, s15;
	v10 =	vadd.s32 $0x7, v0;
	[tilespmem:s3+$0x0] =	vst v12;
	v5 =	vld.idx.msk [tilespmem:v5+s4+$0x0], $0xffff  }
0x2a1: {  	s5 =	sor.u32 s18, s19;
	v12 =	vadd.s32 $0x2, v4;
	v13 =	vld.idx.msk [tilespmem:v13+s4+$0x0], $0xffff;
	[tilespmem:s12+$0x0] =	vst v6  }
0x2a2: {  	s17 =	sor.u32 s6, s11;
	[tilespmem:s5+$0x0] =	vst v14;
	v6 =	vadd.s32 $0xD, v7;
	v8 =	vld.idx.msk [tilespmem:v8+s4+$0x0], $0xffff  }
0x2a3: {  	s25 =	sor.u32 s7, s19;
	s21 =	simm.s32 $0x560;
	s29 =	sadd.s32 $0x3D00, s20;
	v15 =	vld.idx.msk [tilespmem:v15+s4+$0x0], $0xffff;
	[tilespmem:s17+$0x0] =	vst v9;
	v9 =	vadd.s32 $0xC, v2  }
0x2a4: {  	s11 =	sadd.s32 $0x2900, s14;
	v16 =	vld [tilespmem:s21+$0x0];
	s10 =	sor.u32 s16, s29;
	[tilespmem:s25+$0x0] =	vst v11  }
0x2a5: {  	s1 =	sor.u32 s13, s1;
	s19 =	sadd.s32 $0x1500, s15;
	s9 =	simm.s32 $0x60;
	v10 =	vld.idx.msk [tilespmem:v10+s4+$0x0], $0xffff;
	v11 =	vadd.s32 $0x8, v1;
	[tilespmem:s10+$0x0] =	vst v5  }
0x2a6: {  	v17 =	vadd.s32 $0x8, v0;
	s21 =	sor.u32 s7, s19;
	s30 =	sand.u32 $0x60, s9;
	s12 =	sor.u32 s8, s11;
	v12 =	vld.idx.msk [tilespmem:v12+s4+$0x0], $0xffff;
	[tilespmem:s1+$0x0] =	vst v13  }
0x2a7: {  	s31 =	sand.u32 $0x380, s9;
	v14 =	vadd.s32 $0x3, v4;
	s5 =	sor.u32 s18, s19;
	s19 =	sor.u32 $0x10, s30;
	v6 =	vld.idx.msk [tilespmem:v6+s4+$0x0], $0xffff;
	[tilespmem:s12+$0x0] =	vst v8  }
0x2a8: {  	v13 =	vadd.s32 $0xE, v7;
	[tilespmem:s5+$0x0] =	vst v15;
	s5 =	sor.u32 s31, s19;
	v8 =	vld.idx.msk [tilespmem:v9+s4+$0x0], $0xffff  }
0x2a9: {  	s17 =	sor.u32 s6, s11;
	v9 =	vadd.s32 $0x3, v3;
	v18 =	vld [tilespmem:s5+$0x500]  }
0x2aa: {  	s1 =	sadd.s32 $0x4100, s20;
	v11 =	vld.idx.msk [tilespmem:v11+s4+$0x0], $0xffff;
	[tilespmem:s17+$0x0] =	vst v10;
	v10 =	vadd.s32 $0xD, v2  }
0x2ab: {  	v5 =	vmul.u32 $0x12, v16;
	v16 =	vadd.s32 $0x9, v1;
	s25 =	sor.u32 s16, s1;
	[tilespmem:s21+$0x0] =	vst v12;
	v12 =	vld.idx.msk [tilespmem:v17+s4+$0x0], $0xffff  }
0x2ac: {  	v14 =	vld.idx.msk [tilespmem:v14+s4+$0x0], $0xffff;
	[tilespmem:s25+$0x0] =	vst v6  }
0x2ad: {  	s3 =	sor.u32 s13, s29;
	s29 =	sadd.s32 $0x2D00, s14;
	v17 =	vadd.s32 $0x9, v0;
	v6 =	vld.idx.msk [tilespmem:v13+s4+$0x0], $0xffff  }
0x2ae: {  	s12 =	sor.u32 s8, s29;
	v13 =	vadd.s32 $0x4, v4;
	v9 =	vld.idx.msk [tilespmem:v9+s4+$0x0], $0xffff;
	[tilespmem:s3+$0x0] =	vst v8  }
0x2af: {  	s10 =	sor.u32 s6, s29;
	s17 =	sadd.s32 $0x1900, s15;
	[tilespmem:s12+$0x0] =	vst v11;
	v8 =	vld.idx.msk [tilespmem:v10+s4+$0x0], $0xffff;
	v10 =	vadd.s32 $0xF, v7  }
0x2b0: {  	s11 =	sor.u32 s7, s17;
	v11 =	vadd.s32 $0x4, v3;
	s12 =	sadd.s32 $0x4500, s20;
	v15 =	vld.idx.msk [tilespmem:v16+s4+$0x0], $0xffff;
	[tilespmem:s10+$0x0] =	vst v12  }
0x2b1: {  	v19 =	vadd.s32 $0xE, v2;
	v16 =	vld.idx.msk [tilespmem:v5+s4+$0x0], $0xffff;
	s21 =	sor.u32 s16, s12;
	[tilespmem:s11+$0x0] =	vst v14  }
0x2b2: {  	s3 =	sor.u32 s18, s17;
	v14 =	vadd.s32 $0xA, v1;
	v17 =	vld.idx.msk [tilespmem:v17+s4+$0x0], $0xffff;
	[tilespmem:s21+$0x0] =	vst v6  }
0x2b3: {  	s1 =	sor.u32 s13, s1;
	v20 =	vor.u32 $0x1, v5;
	v13 =	vld.idx.msk [tilespmem:v13+s4+$0x0], $0xffff;
	[tilespmem:s3+$0x0] =	vst v9;
	s3 =	sadd.s32 $0x3100, s14  }
0x2b4: {  	v12 =	vadd.s32 $0x5, v4;
	v6 =	vmul.u32 $0x12, v18;
	v10 =	vld.idx.msk [tilespmem:v10+s4+$0x0], $0xffff;
	s25 =	sor.u32 s8, s3;
	[tilespmem:s1+$0x0] =	vst v8  }
0x2b5: {  	s17 =	simm.s32 $0xD60;
	v11 =	vld.idx.msk [tilespmem:v11+s4+$0x0], $0xffff;
	[tilespmem:s25+$0x0] =	vst v15  }
0x2b6: {  	s29 =	sadd.s32 $0x1D00, s15;
	v15 =	vadd.s32 $0x10, v7;
	[tilespmem:s17+$0x0] =	vst v16;
	v16 =	vld.idx.msk [tilespmem:v19+s4+$0x0], $0xffff  }
0x2b7: {  	s21 =	sor.u32 s7, s29;
	v18 =	vadd.s32 $0xA, v0;
	v14 =	vld.idx.msk [tilespmem:v14+s4+$0x0], $0xffff  }
0x2b8: {  	s11 =	sadd.s32 $0x4900, s20;
	v8 =	vadd.s32 $0x5, v3;
	s3 =	sor.u32 s6, s3;
	v9 =	vld.idx.msk [tilespmem:v20+s4+$0x0], $0xffff;
	[tilespmem:s21+$0x0] =	vst v13  }
0x2b9: {  	s25 =	sor.u32 s16, s11;
	[tilespmem:s3+$0x0] =	vst v17;
	v13 =	vadd.s32 $0xB, v1;
	v12 =	vld.idx.msk [tilespmem:v12+s4+$0x0], $0xffff  }
0x2ba: {  	s1 =	sor.u32 s18, s29;
	v19 =	vld.idx.msk [tilespmem:v6+s4+$0x0], $0xffff;
	[tilespmem:s25+$0x0] =	vst v10;
	v10 =	vadd.s32 $0xF, v2  }
0x2bb: {  	s12 =	sor.u32 s13, s12;
	[tilespmem:s1+$0x0] =	vst v11;
	s1 =	sadd.s32 $0x3500, s14;
	v11 =	vld.idx.msk [tilespmem:v15+s4+$0x0], $0xffff;
	v15 =	vadd.s32 $0x6, v4  }
0x2bc: {  	v17 =	vld.idx.msk [tilespmem:v18+s4+$0x0], $0xffff;
	s29 =	sor.u32 s8, s1;
	[tilespmem:s12+$0x0] =	vst v16;
	v16 =	vor.u32 $0x1, v6  }
0x2bd: {  	v7 =	vadd.s32 $0x11, v7;
	s21 =	sadd.s32 $0x2100, s15;
	v8 =	vld.idx.msk [tilespmem:v8+s4+$0x0], $0xffff;
	[tilespmem:s29+$0x0] =	vst v14  }
0x2be: {  	s25 =	sor.u32 s7, s21;
	v14 =	vadd.s32 $0x6, v3;
	v13 =	vld.idx.msk [tilespmem:v13+s4+$0x0], $0xffff  }
0x2bf: {  	v21 =	vadd.s32 $0xB, v0;
	s12 =	sadd.s32 $0x4D00, s20;
	[tilespmem:s25+$0x0] =	vst v12;
	v10 =	vld.idx.msk [tilespmem:v10+s4+$0x0], $0xffff  }
0x2c0: {  	v18 =	vadd.s32 $0xC, v1;
	s29 =	sor.u32 s16, s12;
	[tilespmem:s5+$0xD00] =	vst v19;
	v63 =	vld.idx.msk [tilespmem:v15+s4+$0x0], $0xffff  }
0x2c1: {  	v22 =	vadd.s32 $0x10, v2;
	s3 =	sor.u32 s18, s21;
	[tilespmem:s29+$0x0] =	vst v11;
	v15 =	vld.idx.msk [tilespmem:v16+s4+$0x0], $0xffff  }
0x2c2: {  	s1 =	sor.u32 s6, s1;
	v19 =	vadd.s32 $0x7, v4;
	[tilespmem:s3+$0x0] =	vst v8;
	s3 =	sadd.s32 $0x3900, s14;
	v23 =	vld.idx.msk [tilespmem:v7+s4+$0x0], $0xffff  }
0x2c3: {  	[tilespmem:s1+$0x0] =	vst v17;
	v12 =	vld.idx.msk [tilespmem:v14+s4+$0x0], $0xffff;
	s10 =	sor.u32 s8, s3  }
0x2c4: {  	s21 =	sor.u32 s13, s11;
	s12 =	sor.u32 s13, s12;
	s25 =	sadd.s32 $0x2500, s15;
	v8 =	vld.idx.msk [tilespmem:v21+s4+$0x0], $0xffff;
	v14 =	vadd.s32 $0x7, v3;
	[tilespmem:s10+$0x0] =	vst v13  }
0x2c5: {  	s1 =	sadd.s32 $0x1100, s31;
	s29 =	sor.u32 s7, s25;
	v16 =	vadd.s32 $0x2, v6;
	v11 =	vld.idx.msk [tilespmem:v18+s4+$0x0], $0xffff;
	[tilespmem:s21+$0x0] =	vst v10;
	s21 =	sadd.s32 $0x5100, s20  }
0x2c6: {  	s25 =	sor.u32 s18, s25;
	s10 =	simm.s32 $0x6;
	v10 =	vadd.s32 $0xD, v1;
	[tilespmem:s29+$0x0] =	vst v63;
	v7 =	vld.idx.msk [tilespmem:v22+s4+$0x0], $0xffff;
	s29 =	sor.u32 s16, s21  }
0x2c7: {  	v17 =	vadd.s32 $0x2, v5;
	s20 =	sor.u32 s6, s3;
	s5 =	sor.u32 s13, s21;
	s13 =	simm.s32 $0x580;
	v13 =	vld.idx.msk [tilespmem:v19+s4+$0x0], $0xffff;
	[tilespmem:s29+$0x0] =	vst v23  }
.LBB2_14:
0x2c8: {  	v18 =	vld [tilespmem:s13+$0x0];
	s3 =	sor.u32 s30, s1;
	s1 =	sor.u32 s19, s1;
	[tilespmem:s25+$0x0] =	vst v12;
	v12 =	vadd.s32 $0xC, v0;
	s11 =	sadd.s32 $0x3D00, s14  }
0x2c9: {  	[tilespmem:s1+$0x0] =	vst v15;
	v14 =	vld.idx.msk [tilespmem:v14+s4+$0x0], $0xffff;
	v15 =	vadd.s32 $0x8, v4;
	s1 =	sor.u32 s6, s11;
	s16 =	sor.u32 s8, s11;
	s11 =	smov.u32 s30  }
0x2ca: {  	v16 =	vld.idx.msk [tilespmem:v16+s4+$0x0], $0xffff;
	[tilespmem:s16+$0x0] =	vst v11;
	v11 =	vadd.s32 $0x11, v2;
	v2 =	vmovc v0;
	v0 =	vmov v3;
	v3 =	vmov v5;
	s16 =	smov.u32 s14;
	s14 =	smov.u32 s15;
	s15 =	smov.u32 s31  }
0x2cb: {  	s21 =	smov.u32 s8;
	s8 =	smov.u32 s7;
	[tilespmem:s3+$0x0] =	vst v9;
	s3 =	sadd.s32 $0x2900, s14;
	v9 =	vadd.s32 $0x8, v0;
	v10 =	vld.idx.msk [tilespmem:v10+s4+$0x0], $0xffff  }
0x2cc: {  	v19 =	vadd.s32 $0x3, v6;
	s7 =	smov.u32 s19;
	v17 =	vld.idx.msk [tilespmem:v17+s4+$0x0], $0xffff;
	s25 =	sor.u32 s18, s3;
	s3 =	sor.u32 s8, s3;
	[tilespmem:s20+$0x0] =	vst v8  }
0x2cd: {  	[tilespmem:s3+$0x0] =	vst v13;
	v8 =	vld.idx.msk [tilespmem:v12+s4+$0x0], $0xffff;
	v12 =	vadd.s32 $0xE, v1  }
0x2ce: {  	s3 =	sadd.s32 $0x1500, s15;
	v13 =	vadd.s32 $0x3, v3;
	v15 =	vld.idx.msk [tilespmem:v15+s4+$0x0], $0xffff;
	[tilespmem:s12+$0x0] =	vst v7  }
0x2cf: {  	s19 =	sadd.s32 $0x4100, s16;
	s12 =	sor.u32 s11, s3;
	s3 =	sor.u32 s7, s3;
	v7 =	vadd.s32 $0xD, v2;
	[tilespmem:s25+$0x0] =	vst v14;
	v11 =	vld.idx.msk [tilespmem:v11+s4+$0x0], $0xffff  }
0x2d0: {  	v5 =	vmul.u32 $0x12, v18;
	v14 =	vadd.s32 $0x9, v4;
	[tilespmem:s3+$0x0] =	vst v16;
	v9 =	vld.idx.msk [tilespmem:v9+s4+$0x0], $0xffff;
	s3 =	sor.u32 s6, s19;
	s19 =	sor.u32 s21, s19  }
0x2d1: {  	v16 =	vld.idx.msk [tilespmem:v19+s4+$0x0], $0xffff;
	[tilespmem:s19+$0x0] =	vst v10  }
0x2d2: {  	[tilespmem:s12+$0x0] =	vst v17;
	s12 =	sadd.s32 $0x2D00, s14;
	v10 =	vld.idx.msk [tilespmem:v12+s4+$0x0], $0xffff  }
0x2d3: {  	s9 =	sadd.s32 $0x20, s9;
	v12 =	vld.idx.msk [tilespmem:v13+s4+$0x0], $0xffff;
	v13 =	vadd.s32 $0x4, v6;
	s20 =	sor.u32 s18, s12;
	s12 =	sor.u32 s8, s12;
	[tilespmem:s1+$0x0] =	vst v8  }
0x2d4: {  	s10 =	sadd.s32 $0x2, s10;
	s30 =	sand.u32 $0x60, s9;
	s31 =	sand.u32 $0x380, s9;
	v8 =	vadd.s32 $0xF, v1;
	[tilespmem:s12+$0x0] =	vst v15;
	v7 =	vld.idx.msk [tilespmem:v7+s4+$0x0], $0xffff  }
0x2d5: {  	p1 =	slt.u32 s10, $0x3E;
	s19 =	sor.u32 $0x10, s30;
	s1 =	sadd.s32 $0x1900, s15;
	v15 =	vadd.s32 $0x4, v3;
	v14 =	vld.idx.msk [tilespmem:v14+s4+$0x0], $0xffff;
	[tilespmem:s5+$0x0] =	vst v11  }
0x2d6: {  	s12 =	sor.u32 s7, s1;
	s5 =	sor.u32 s31, s19;
	v11 =	vld.idx.msk [tilespmem:v5+s4+$0x0], $0xffff;
	[tilespmem:s20+$0x0] =	vst v9;
	v9 =	vadd.s32 $0x9, v0;
	s20 =	sadd.s32 $0x4500, s16  }
0x2d7: {  	s25 =	sor.u32 s11, s1;
	v17 =	vld [tilespmem:s5+$0x500];
	[tilespmem:s12+$0x0] =	vst v16;
	v16 =	vadd.s32 $0xA, v4;
	s1 =	sor.u32 s6, s20;
	s12 =	sor.u32 s21, s20  }
0x2d8: {  	v18 =	vadd.s32 $0xE, v2;
	v13 =	vld.idx.msk [tilespmem:v13+s4+$0x0], $0xffff;
	[tilespmem:s12+$0x0] =	vst v10  }
0x2d9: {  	v10 =	vor.u32 $0x1, v5;
	s12 =	sadd.s32 $0x3100, s14;
	[tilespmem:s25+$0x0] =	vst v12;
	v8 =	vld.idx.msk [tilespmem:v8+s4+$0x0], $0xffff  }
0x2da: {  	s20 =	sor.u32 s18, s12;
	s12 =	sor.u32 s8, s12;
	v12 =	vld.idx.msk [tilespmem:v15+s4+$0x0], $0xffff;
	v15 =	vadd.s32 $0x5, v6;
	[tilespmem:s3+$0x0] =	vst v7  }
0x2db: {  	v7 =	vld.idx.msk [tilespmem:v9+s4+$0x0], $0xffff;
	[tilespmem:s12+$0x0] =	vst v14;
	v14 =	vadd.s32 $0x10, v1  }
0x2dc: {  	s17 =	sadd.s32 $0x20, s17;
	v19 =	vadd.s32 $0x5, v3;
	s3 =	sadd.s32 $0x1D00, s15;
	v17 =	vmul.u32 $0x12, v17;
	v16 =	vld.idx.msk [tilespmem:v16+s4+$0x0], $0xffff  }
0x2dd: {  	s25 =	sadd.s32 $0x4900, s16;
	s12 =	sor.u32 s11, s3;
	s3 =	sor.u32 s7, s3;
	[tilespmem:s17+$0x0] =	vst v11;
	v11 =	vld.idx.msk [tilespmem:v18+s4+$0x0], $0xffff  }
0x2de: {  	s29 =	sor.u32 s6, s25;
	v9 =	vld.idx.msk [tilespmem:v10+s4+$0x0], $0xffff;
	[tilespmem:s3+$0x0] =	vst v13;
	v10 =	vadd.s32 $0xB, v4;
	s3 =	sor.u32 s21, s25  }
0x2df: {  	v13 =	vld.idx.msk [tilespmem:v15+s4+$0x0], $0xffff;
	v15 =	vadd.s32 $0xA, v0;
	[tilespmem:s3+$0x0] =	vst v8  }
0x2e0: {  	s3 =	sadd.s32 $0x3500, s14;
	v8 =	vadd.s32 $0xF, v2;
	[tilespmem:s12+$0x0] =	vst v12;
	v12 =	vld.idx.msk [tilespmem:v14+s4+$0x0], $0xffff  }
0x2e1: {  	v18 =	vadd.s32 $0x6, v6;
	s25 =	sor.u32 s18, s3;
	s3 =	sor.u32 s8, s3;
	v14 =	vld.idx.msk [tilespmem:v19+s4+$0x0], $0xffff;
	[tilespmem:s20+$0x0] =	vst v7  }
0x2e2: {  	v7 =	vld.idx.msk [tilespmem:v17+s4+$0x0], $0xffff;
	[tilespmem:s3+$0x0] =	vst v16;
	v16 =	vadd.s32 $0x11, v1;
	v1 =	vmovc v4;
	v4 =	vmov v6;
	v6 =	vmov v17  }
0x2e3: {  	s3 =	sadd.s32 $0x2100, s15;
	v17 =	vadd.s32 $0x6, v3;
	v10 =	vld.idx.msk [tilespmem:v10+s4+$0x0], $0xffff;
	[tilespmem:s1+$0x0] =	vst v11  }
0x2e4: {  	s20 =	sadd.s32 $0x4D00, s16;
	v11 =	vor.u32 $0x1, v6;
	s1 =	sor.u32 s11, s3;
	s3 =	sor.u32 s7, s3;
	v19 =	vld.idx.msk [tilespmem:v15+s4+$0x0], $0xffff  }
0x2e5: {  	s12 =	sor.u32 s6, s20;
	[tilespmem:s3+$0x0] =	vst v13;
	v13 =	vadd.s32 $0xC, v1;
	v20 =	vld.idx.msk [tilespmem:v8+s4+$0x0], $0xffff;
	s3 =	sor.u32 s21, s20  }
0x2e6: {  	v8 =	vadd.s32 $0xB, v0;
	v18 =	vld.idx.msk [tilespmem:v18+s4+$0x0], $0xffff;
	[tilespmem:s3+$0x0] =	vst v12  }
0x2e7: {  	v21 =	vadd.s32 $0x10, v2;
	[tilespmem:s1+$0x0] =	vst v14;
	s1 =	sadd.s32 $0x3900, s14;
	v22 =	vld.idx.msk [tilespmem:v16+s4+$0x0], $0xffff  }
0x2e8: {  	v23 =	vadd.s32 $0x7, v4;
	[tilespmem:s5+$0xD00] =	vst v7;
	v12 =	vld.idx.msk [tilespmem:v17+s4+$0x0], $0xffff;
	s20 =	sor.u32 s18, s1;
	s1 =	sor.u32 s8, s1  }
.Ltmp9:
0x2e9: {  	v15 =	vld.idx.msk [tilespmem:v11+s4+$0x0], $0xffff;
	[tilespmem:s1+$0x0] =	vst v10;
	(pc) =	sbr.rel @p1 .LBB2_14-.Ltmp9, $4  }
0x2ea: {  	v14 =	vadd.s32 $0x7, v3;
	s1 =	sadd.s32 $0x2500, s15;
	[tilespmem:s25+$0x0] =	vst v19;
	v11 =	vld.idx.msk [tilespmem:v13+s4+$0x0], $0xffff  }
0x2eb: {  	s3 =	sadd.s32 $0x5100, s16;
	v16 =	vadd.s32 $0x2, v6;
	s25 =	sor.u32 s11, s1;
	s1 =	sor.u32 s7, s1;
	v8 =	vld.idx.msk [tilespmem:v8+s4+$0x0], $0xffff;
	[tilespmem:s29+$0x0] =	vst v20  }
0x2ec: {  	s5 =	sor.u32 s6, s3;
	s3 =	sor.u32 s21, s3;
	s6 =	smov.u32 s18;
	v10 =	vadd.s32 $0xD, v1;
	[tilespmem:s1+$0x0] =	vst v18;
	v7 =	vld.idx.msk [tilespmem:v21+s4+$0x0], $0xffff  }
0x2ed: {  	s13 =	sadd.s32 $0x20, s13;
	v17 =	vadd.s32 $0x2, v5;
	s18 =	smov.u32 s11;
	s1 =	sadd.s32 $0x1100, s31;
	v13 =	vld.idx.msk [tilespmem:v23+s4+$0x0], $0xffff;
	[tilespmem:s3+$0x0] =	vst v22  }
0x2ee: {  	_ =	sdelay $0x1  }
0x2ef: {  	s3 =	sor.u32 s19, s1  }
0x2f0: {  	s10 =	sor.u32 s30, s1;
	[tilespmem:s3+$0x0] =	vst v15  }
0x2f1: {  	[tilespmem:s10+$0x0] =	vst v9;
	v15 =	vld.idx.msk [tilespmem:v16+s4+$0x0], $0xffff  }
0x2f2: {  	v39 =	vadd.s32 $0x3, v6;
	v9 =	vld.idx.msk [tilespmem:v17+s4+$0x0], $0xffff  }
0x2f3: {  	v40 =	vadd.s32 $0x3, v5  }
0x2f4: {  	s11 =	sadd.s32 $0x1500, s31  }
0x2f5: {  	s13 =	sor.u32 s19, s11  }
0x2f6: {  	s1 =	sor.u32 s30, s11;
	[tilespmem:s13+$0x0] =	vst v15  }
0x2f7: {  	[tilespmem:s1+$0x0] =	vst v9;
	v15 =	vld.idx.msk [tilespmem:v39+s4+$0x0], $0xffff  }
0x2f8: {  	v41 =	vadd.s32 $0x4, v6;
	v9 =	vld.idx.msk [tilespmem:v40+s4+$0x0], $0xffff  }
0x2f9: {  	v42 =	vadd.s32 $0x4, v5  }
0x2fa: {  	s16 =	sadd.s32 $0x1900, s31  }
0x2fb: {  	s17 =	sor.u32 s19, s16  }
0x2fc: {  	s1 =	sor.u32 s30, s16;
	[tilespmem:s17+$0x0] =	vst v15  }
0x2fd: {  	[tilespmem:s1+$0x0] =	vst v9;
	v15 =	vld.idx.msk [tilespmem:v41+s4+$0x0], $0xffff  }
0x2fe: {  	v43 =	vadd.s32 $0x5, v6;
	v9 =	vld.idx.msk [tilespmem:v42+s4+$0x0], $0xffff  }
0x2ff: {  	v44 =	vadd.s32 $0x5, v5  }
0x300: {  	s21 =	sadd.s32 $0x1D00, s31  }
0x301: {  	s29 =	sor.u32 s19, s21  }
0x302: {  	s1 =	sor.u32 s30, s21;
	[tilespmem:s29+$0x0] =	vst v15  }
0x303: {  	[tilespmem:s1+$0x0] =	vst v9;
	v15 =	vld.idx.msk [tilespmem:v43+s4+$0x0], $0xffff  }
0x304: {  	v45 =	vadd.s32 $0x6, v6;
	v9 =	vld.idx.msk [tilespmem:v44+s4+$0x0], $0xffff  }
0x305: {  	v46 =	vadd.s32 $0x6, v5  }
0x306: {  	s3 =	sadd.s32 $0x2100, s31  }
0x307: {  	s9 =	sor.u32 s19, s3  }
0x308: {  	s1 =	sor.u32 s30, s3;
	[tilespmem:s9+$0x0] =	vst v15  }
0x309: {  	[tilespmem:s1+$0x0] =	vst v9;
	v15 =	vld.idx.msk [tilespmem:v45+s4+$0x0], $0xffff  }
0x30a: {  	v47 =	vadd.s32 $0x7, v6;
	v9 =	vld.idx.msk [tilespmem:v46+s4+$0x0], $0xffff  }
0x30b: {  	v48 =	vadd.s32 $0x7, v5;
	[tilespmem:s25+$0x0] =	vst v12  }
0x30c: {  	v49 =	vadd.s32 $0x8, v4;
	s10 =	sadd.s32 $0x2500, s31;
	v12 =	vld.idx.msk [tilespmem:v14+s4+$0x0], $0xffff  }
0x30d: {  	v50 =	vadd.s32 $0x8, v3;
	s11 =	sor.u32 s19, s10  }
0x30e: {  	s13 =	sadd.s32 $0x2900, s15;
	s1 =	sor.u32 s30, s10;
	[tilespmem:s11+$0x0] =	vst v15  }
0x30f: {  	s16 =	sor.u32 s7, s13;
	[tilespmem:s1+$0x0] =	vst v9;
	v16 =	vld.idx.msk [tilespmem:v47+s4+$0x0], $0xffff  }
0x310: {  	v51 =	vadd.s32 $0x8, v6;
	[tilespmem:s16+$0x0] =	vst v13;
	s1 =	sor.u32 s18, s13;
	v9 =	vld.idx.msk [tilespmem:v48+s4+$0x0], $0xffff  }
0x311: {  	v18 =	vadd.s32 $0x8, v5;
	v13 =	vld.idx.msk [tilespmem:v49+s4+$0x0], $0xffff;
	[tilespmem:s1+$0x0] =	vst v12  }
0x312: {  	v52 =	vadd.s32 $0x9, v4;
	s17 =	sadd.s32 $0x2900, s31;
	v12 =	vld.idx.msk [tilespmem:v50+s4+$0x0], $0xffff  }
0x313: {  	v53 =	vadd.s32 $0x9, v3;
	s21 =	sor.u32 s19, s17  }
0x314: {  	s25 =	sadd.s32 $0x2D00, s15;
	s3 =	sor.u32 s30, s17;
	[tilespmem:s21+$0x0] =	vst v16  }
0x315: {  	s29 =	sor.u32 s7, s25;
	[tilespmem:s3+$0x0] =	vst v9;
	v16 =	vld.idx.msk [tilespmem:v51+s4+$0x0], $0xffff  }
0x316: {  	v54 =	vadd.s32 $0x9, v6;
	[tilespmem:s29+$0x0] =	vst v13;
	s1 =	sor.u32 s18, s25;
	v9 =	vld.idx.msk [tilespmem:v18+s4+$0x0], $0xffff  }
0x317: {  	v55 =	vadd.s32 $0x9, v5;
	v13 =	vld.idx.msk [tilespmem:v52+s4+$0x0], $0xffff;
	[tilespmem:s1+$0x0] =	vst v12  }
0x318: {  	v56 =	vadd.s32 $0xA, v4;
	s9 =	sadd.s32 $0x2D00, s31;
	v57 =	vld.idx.msk [tilespmem:v53+s4+$0x0], $0xffff  }
0x319: {  	v58 =	vadd.s32 $0xA, v3;
	s10 =	sor.u32 s19, s9  }
0x31a: {  	s11 =	sadd.s32 $0x3100, s15;
	s3 =	sor.u32 s30, s9;
	[tilespmem:s10+$0x0] =	vst v16  }
0x31b: {  	s13 =	sor.u32 s7, s11;
	[tilespmem:s3+$0x0] =	vst v9;
	v16 =	vld.idx.msk [tilespmem:v54+s4+$0x0], $0xffff  }
0x31c: {  	v59 =	vadd.s32 $0xA, v6;
	[tilespmem:s13+$0x0] =	vst v13;
	s1 =	sor.u32 s18, s11;
	v60 =	vld.idx.msk [tilespmem:v55+s4+$0x0], $0xffff  }
0x31d: {  	v61 =	vadd.s32 $0xA, v5;
	v12 =	vld.idx.msk [tilespmem:v56+s4+$0x0], $0xffff;
	[tilespmem:s1+$0x0] =	vst v57  }
0x31e: {  	v62 =	vadd.s32 $0xB, v4;
	s16 =	sadd.s32 $0x3100, s31;
	v14 =	vld.idx.msk [tilespmem:v58+s4+$0x0], $0xffff  }
0x31f: {  	v63 =	vadd.s32 $0xB, v3;
	[tilespmem:s20+$0x0] =	vst v8;
	s17 =	sor.u32 s19, s16  }
0x320: {  	v2 =	vadd.s32 $0x11, v2;
	s9 =	sadd.s32 $0x3500, s15;
	s3 =	sor.u32 s30, s16;
	[tilespmem:s17+$0x0] =	vst v16  }
0x321: {  	v22 =	vadd.s32 $0xC, v0;
	s25 =	sor.u32 s7, s9;
	[tilespmem:s3+$0x0] =	vst v60;
	v9 =	vld.idx.msk [tilespmem:v59+s4+$0x0], $0xffff  }
0x322: {  	v20 =	vadd.s32 $0xB, v6;
	s9 =	sor.u32 s18, s9;
	[tilespmem:s25+$0x0] =	vst v12;
	v17 =	vld.idx.msk [tilespmem:v61+s4+$0x0], $0xffff  }
0x323: {  	v21 =	vadd.s32 $0xB, v5;
	s1 =	sadd.s32 $0x3D00, s14;
	v13 =	vld.idx.msk [tilespmem:v62+s4+$0x0], $0xffff;
	[tilespmem:s9+$0x0] =	vst v14  }
0x324: {  	v23 =	vadd.s32 $0xC, v4;
	[tilespmem:s12+$0x0] =	vst v7;
	s29 =	sadd.s32 $0x3500, s31;
	s21 =	sor.u32 s8, s1;
	v15 =	vld.idx.msk [tilespmem:v63+s4+$0x0], $0xffff  }
0x325: {  	v24 =	vadd.s32 $0xC, v3;
	v2 =	vld.idx.msk [tilespmem:v2+s4+$0x0], $0xffff;
	s10 =	sor.u32 s19, s29;
	[tilespmem:s21+$0x0] =	vst v11  }
0x326: {  	s11 =	sadd.s32 $0x3900, s15;
	v12 =	vld.idx.msk [tilespmem:v22+s4+$0x0], $0xffff;
	s3 =	sor.u32 s30, s29;
	[tilespmem:s10+$0x0] =	vst v9  }
0x327: {  	v27 =	vadd.s32 $0xD, v0;
	s13 =	sor.u32 s7, s11;
	[tilespmem:s3+$0x0] =	vst v17;
	v16 =	vld.idx.msk [tilespmem:v20+s4+$0x0], $0xffff  }
0x328: {  	v25 =	vadd.s32 $0xC, v6;
	[tilespmem:s13+$0x0] =	vst v13;
	s3 =	sor.u32 s18, s11;
	v11 =	vld.idx.msk [tilespmem:v21+s4+$0x0], $0xffff  }
0x329: {  	v26 =	vadd.s32 $0xC, v5;
	v14 =	vld.idx.msk [tilespmem:v23+s4+$0x0], $0xffff;
	[tilespmem:s3+$0x0] =	vst v15  }
0x32a: {  	v28 =	vadd.s32 $0xD, v4;
	[tilespmem:s5+$0x0] =	vst v2;
	s16 =	sadd.s32 $0x3900, s31;
	s1 =	sor.u32 s6, s1;
	v9 =	vld.idx.msk [tilespmem:v24+s4+$0x0], $0xffff  }
0x32b: {  	v29 =	vadd.s32 $0xD, v3;
	v10 =	vld.idx.msk [tilespmem:v10+s4+$0x0], $0xffff;
	[tilespmem:s1+$0x0] =	vst v12;
	s17 =	sor.u32 s19, s16  }
0x32c: {  	v32 =	vadd.s32 $0xE, v1;
	s21 =	sadd.s32 $0x3D00, s15;
	v13 =	vld.idx.msk [tilespmem:v27+s4+$0x0], $0xffff;
	s9 =	sor.u32 s30, s16;
	[tilespmem:s17+$0x0] =	vst v16  }
0x32d: {  	v33 =	vadd.s32 $0xE, v0;
	s25 =	sor.u32 s7, s21;
	[tilespmem:s9+$0x0] =	vst v11;
	v8 =	vld.idx.msk [tilespmem:v25+s4+$0x0], $0xffff  }
0x32e: {  	v30 =	vadd.s32 $0xD, v6;
	s10 =	sadd.s32 $0x4100, s14;
	[tilespmem:s25+$0x0] =	vst v14;
	s3 =	sor.u32 s18, s21;
	v7 =	vld.idx.msk [tilespmem:v26+s4+$0x0], $0xffff  }
0x32f: {  	v31 =	vadd.s32 $0xD, v5;
	s20 =	sor.u32 s8, s10;
	v15 =	vld.idx.msk [tilespmem:v28+s4+$0x0], $0xffff;
	[tilespmem:s3+$0x0] =	vst v9  }
0x330: {  	v34 =	vadd.s32 $0xE, v4;
	s29 =	sadd.s32 $0x3D00, s31;
	s10 =	sor.u32 s6, s10;
	[tilespmem:s20+$0x0] =	vst v10;
	v16 =	vld.idx.msk [tilespmem:v29+s4+$0x0], $0xffff  }
0x331: {  	v35 =	vadd.s32 $0xE, v3;
	[tilespmem:s10+$0x0] =	vst v13;
	v37 =	vld.idx.msk [tilespmem:v32+s4+$0x0], $0xffff;
	s9 =	sor.u32 s19, s29  }
0x332: {  	v39 =	vadd.s32 $0xF, v1;
	s1 =	sor.u32 s30, s29;
	s11 =	sadd.s32 $0x4100, s15;
	v14 =	vld.idx.msk [tilespmem:v33+s4+$0x0], $0xffff;
	[tilespmem:s9+$0x0] =	vst v8  }
0x333: {  	v40 =	vadd.s32 $0xF, v0;
	s12 =	sor.u32 s7, s11;
	[tilespmem:s1+$0x0] =	vst v7;
	v10 =	vld.idx.msk [tilespmem:v30+s4+$0x0], $0xffff  }
0x334: {  	v36 =	vadd.s32 $0xE, v6;
	[tilespmem:s12+$0x0] =	vst v15;
	s17 =	sadd.s32 $0x4500, s14;
	s3 =	sor.u32 s18, s11;
	v7 =	vld.idx.msk [tilespmem:v31+s4+$0x0], $0xffff  }
0x335: {  	v38 =	vadd.s32 $0xE, v5;
	v9 =	vld.idx.msk [tilespmem:v34+s4+$0x0], $0xffff;
	s20 =	sor.u32 s8, s17;
	[tilespmem:s3+$0x0] =	vst v16  }
0x336: {  	v41 =	vadd.s32 $0xF, v4;
	s13 =	sadd.s32 $0x4100, s31;
	s21 =	sor.u32 s6, s17;
	[tilespmem:s20+$0x0] =	vst v37;
	v8 =	vld.idx.msk [tilespmem:v35+s4+$0x0], $0xffff  }
0x337: {  	v42 =	vadd.s32 $0xF, v3;
	s16 =	sor.u32 s19, s13;
	[tilespmem:s21+$0x0] =	vst v14;
	v45 =	vld.idx.msk [tilespmem:v39+s4+$0x0], $0xffff  }
0x338: {  	v47 =	vadd.s32 $0x10, v1;
	s25 =	sadd.s32 $0x4500, s15;
	v15 =	vld.idx.msk [tilespmem:v40+s4+$0x0], $0xffff;
	s1 =	sor.u32 s30, s13;
	[tilespmem:s16+$0x0] =	vst v10  }
0x339: {  	v48 =	vadd.s32 $0x10, v0;
	s29 =	sor.u32 s7, s25;
	[tilespmem:s1+$0x0] =	vst v7;
	v2 =	vld.idx.msk [tilespmem:v36+s4+$0x0], $0xffff  }
0x33a: {  	v43 =	vadd.s32 $0xF, v6;
	s10 =	sadd.s32 $0x4900, s14;
	[tilespmem:s29+$0x0] =	vst v9;
	s3 =	sor.u32 s18, s25;
	v44 =	vld.idx.msk [tilespmem:v38+s4+$0x0], $0xffff  }
0x33b: {  	v46 =	vadd.s32 $0xF, v5;
	s11 =	sor.u32 s8, s10;
	v16 =	vld.idx.msk [tilespmem:v41+s4+$0x0], $0xffff;
	[tilespmem:s3+$0x0] =	vst v8  }
0x33c: {  	s5 =	sadd.s32 $0x4500, s31;
	v49 =	vadd.s32 $0x10, v4;
	s12 =	sor.u32 s6, s10;
	[tilespmem:s11+$0x0] =	vst v45;
	v10 =	vld.idx.msk [tilespmem:v42+s4+$0x0], $0xffff  }
0x33d: {  	v50 =	vadd.s32 $0x10, v3;
	s9 =	sor.u32 s19, s5;
	[tilespmem:s12+$0x0] =	vst v15;
	v53 =	vld.idx.msk [tilespmem:v47+s4+$0x0], $0xffff  }
0x33e: {  	v55 =	vadd.s32 $0x11, v1;
	s13 =	sadd.s32 $0x4900, s15;
	v9 =	vld.idx.msk [tilespmem:v48+s4+$0x0], $0xffff;
	s1 =	sor.u32 s30, s5;
	[tilespmem:s9+$0x0] =	vst v2  }
0x33f: {  	v56 =	vadd.s32 $0x11, v0;
	s16 =	sor.u32 s7, s13;
	[tilespmem:s1+$0x0] =	vst v44;
	v7 =	vld.idx.msk [tilespmem:v43+s4+$0x0], $0xffff  }
0x340: {  	v51 =	vadd.s32 $0x10, v6;
	s21 =	sadd.s32 $0x4D00, s14;
	s3 =	sor.u32 s18, s13;
	[tilespmem:s16+$0x0] =	vst v16;
	v52 =	vld.idx.msk [tilespmem:v46+s4+$0x0], $0xffff  }
0x341: {  	v54 =	vadd.s32 $0x10, v5;
	s25 =	sor.u32 s8, s21;
	v8 =	vld.idx.msk [tilespmem:v49+s4+$0x0], $0xffff;
	[tilespmem:s3+$0x0] =	vst v10  }
0x342: {  	v57 =	vadd.s32 $0x11, v4;
	s17 =	sadd.s32 $0x4900, s31;
	s29 =	sor.u32 s6, s21;
	[tilespmem:s25+$0x0] =	vst v53;
	v2 =	vld.idx.msk [tilespmem:v50+s4+$0x0], $0xffff  }
0x343: {  	v58 =	vadd.s32 $0x11, v3;
	s20 =	sor.u32 s19, s17;
	[tilespmem:s29+$0x0] =	vst v9;
	v1 =	vld.idx.msk [tilespmem:v55+s4+$0x0], $0xffff  }
0x344: {  	s5 =	sadd.s32 $0x4D00, s15;
	v0 =	vld.idx.msk [tilespmem:v56+s4+$0x0], $0xffff;
	s1 =	sor.u32 s30, s17;
	[tilespmem:s20+$0x0] =	vst v7  }
0x345: {  	s9 =	sor.u32 s7, s5;
	[tilespmem:s1+$0x0] =	vst v52;
	v7 =	vld.idx.msk [tilespmem:v51+s4+$0x0], $0xffff  }
0x346: {  	v59 =	vadd.s32 $0x11, v6;
	s12 =	sadd.s32 $0x5100, s14;
	s3 =	sor.u32 s18, s5;
	[tilespmem:s9+$0x0] =	vst v8;
	v60 =	vld.idx.msk [tilespmem:v54+s4+$0x0], $0xffff  }
0x347: {  	v61 =	vadd.s32 $0x11, v5;
	s13 =	sor.u32 s8, s12;
	v4 =	vld.idx.msk [tilespmem:v57+s4+$0x0], $0xffff;
	[tilespmem:s3+$0x0] =	vst v2  }
0x348: {  	s10 =	sadd.s32 $0x4D00, s31;
	s14 =	sor.u32 s6, s12;
	[tilespmem:s13+$0x0] =	vst v1;
	v2 =	vld.idx.msk [tilespmem:v58+s4+$0x0], $0xffff  }
0x349: {  	s11 =	sor.u32 s19, s10;
	[tilespmem:s14+$0x0] =	vst v0  }
0x34a: {  	s16 =	sadd.s32 $0x5100, s15;
	s1 =	sor.u32 s30, s10;
	[tilespmem:s11+$0x0] =	vst v7  }
0x34b: {  	s17 =	sor.u32 s7, s16;
	[tilespmem:s1+$0x0] =	vst v60;
	v62 =	vld.idx.msk [tilespmem:v59+s4+$0x0], $0xffff  }
0x34c: {  	s3 =	sor.u32 s18, s16;
	[tilespmem:s17+$0x0] =	vst v4;
	v63 =	vld.idx.msk [tilespmem:v61+s4+$0x0], $0xffff  }
0x34d: {  	p1 =	sne.s32 s0, $0x18;
	s6 =	sshll.u32 s0, $0x11;
	[tilespmem:s3+$0x0] =	vst v2  }
.Ltmp10:
0x34e: {  	s18 =	sadd.s32 $0x5100, s31;
	s21 =	rddreg [dreg:$0x9];
	(pc) =	sbr.rel @p1 .LBB2_17-.Ltmp10, $4  }
0x34f: {  	s20 =	sor.u32 s19, s18;
	s5 =	sor.u32 s21, s6  }
0x350: {  	s29 =	rddreg [dreg:$0x2];
	s1 =	sor.u32 s30, s18;
	s25 =	sshrl.u32 s5, $0x3;
	[tilespmem:s20+$0x0] =	vst v62  }
0x351: {  	s31 =	simm.s32 $0xD00;
	s30 =	simm.s32 $0x400;
	[tilespmem:s1+$0x0] =	vst v63;
	s1 =	sadd.s32 s29, s25  }
0x352: {  	[hbm4b:s1+s30] =	stream.strided.scatter [tilespmem:s31], [sflag:$0x3], $0x4800, s24, s30, $0x38;
	[tilespmem:$0x9D00] =	vst v63  }
.Ltmp11:
0x353: {  	(pc) =	sbr.rel .LBB2_18-.Ltmp11, $4  }
0x354: {  	_ = 	snop  }
0x355: {  	_ =	swait.ge [sflag:s26], $0x400  }
0x356: {  	[sflag:s26] =	ssyncset.done $0x0  }
0x357: {  	[sflag:s26] =	ssyncadd.s32 $0xFFFFFC00  }
.LBB2_17:
0x358: {  	s1 =	rddreg [dreg:$0xf]  }
0x359: {  	s1 =	sadd.s32 s1, s6  }
0x35a: {  	s1 =	sshrl.u32 s1, $0x3  }
.Ltmp12:
0x35b: {  	s3 =	simm.s32 $0x500;
	s1 =	sadd.s32 s23, s1;
	(pc) =	sbr.rel @p0 .LBB2_19-.Ltmp12, $4  }
0x35c: {  	[tilespmem:s3], [sflag:$0x1] =	stream.linear.gather [hbm4b:s1+s4], $0x400, $0x38;
	[tilespmem:$0x9D00] =	vst v63  }
0x35d: {  	_ =	swait.ge [sflag:s26], $0x400  }
0x35e: {  	[sflag:s26] =	ssyncset.done $0x0  }
0x35f: {  	[sflag:s26] =	ssyncadd.s32 $0xFFFFFC00  }
.LBB2_18:
0x360: {  	_ =	swait.ge [sflag:s28], $0x4800  }
0x361: {  	[sflag:s28] =	ssyncset.done $0x0  }
0x362: {  	[sflag:s28] =	ssyncadd.s32 $0xFFFFB800  }
.LBB2_19:
0x363: {  	s1 =	simm.s32 $0x0  }
0x364: {  	s16 =	sand.u32 $0x60, s1  }
0x365: {  	s9 =	sand.u32 $0x380, s1;
	s20 =	sor.u32 $0x10, s16  }
0x366: {  	s1 =	sor.u32 s9, s20  }
0x367: {  	v0 =	vld [tilespmem:s1+$0x900];
	_ =	sdelay $0x4  }
0x368: {  	v7 =	vmul.u32 $0x12, v0  }
0x369: {  	s3 =	simm.s32 $0x900  }
0x36a: {  	v0 =	vld [tilespmem:s3+$0x0];
	_ =	sdelay $0x3  }
0x36b: {  	v1 =	vld.idx.msk [tilespmem:v7+s4+$0x0], $0xffff  }
0x36c: {  	v3 =	vor.u32 $0x1, v7;
	v2 =	vmul.u32 $0x12, v0;
	_ =	sdelay $0x3  }
0x36d: {  	[tilespmem:s1+$0x5500] =	vst v1  }
0x36e: {  	v0 =	vld.idx.msk [tilespmem:v3+s4+$0x0], $0xffff  }
0x36f: {  	v1 =	vadd.s32 $0x2, v7;
	v3 =	vld.idx.msk [tilespmem:v2+s4+$0x0], $0xffff  }
0x370: {  	v4 =	vor.u32 $0x1, v2  }
0x371: {  	s10 =	sadd.s32 $0x5900, s9  }
0x372: {  	s11 =	sor.u32 s20, s10  }
0x373: {  	s12 =	simm.s32 $0x5500;
	[tilespmem:s11+$0x0] =	vst v0  }
0x374: {  	[tilespmem:s12+$0x0] =	vst v3;
	v0 =	vld.idx.msk [tilespmem:v1+s4+$0x0], $0xffff  }
0x375: {  	v1 =	vadd.s32 $0x3, v7;
	v3 =	vld.idx.msk [tilespmem:v4+s4+$0x0], $0xffff  }
0x376: {  	v4 =	vadd.s32 $0x2, v2  }
0x377: {  	s13 =	sadd.s32 $0x5D00, s9  }
0x378: {  	s5 =	sor.u32 s20, s13  }
0x379: {  	s1 =	sor.u32 s16, s10;
	[tilespmem:s5+$0x0] =	vst v0  }
0x37a: {  	s17 =	simm.s32 $0x20;
	[tilespmem:s1+$0x0] =	vst v3;
	v0 =	vld.idx.msk [tilespmem:v1+s4+$0x0], $0xffff  }
0x37b: {  	s8 =	sand.u32 $0x60, s17;
	v1 =	vadd.s32 $0x4, v7;
	v3 =	vld.idx.msk [tilespmem:v4+s4+$0x0], $0xffff  }
0x37c: {  	s15 =	sand.u32 $0x380, s17;
	s14 =	sor.u32 $0x10, s8;
	v4 =	vadd.s32 $0x3, v2  }
0x37d: {  	s18 =	sadd.s32 $0x6100, s9;
	s5 =	sor.u32 s15, s14  }
0x37e: {  	s7 =	simm.s32 $0x920;
	s10 =	sor.u32 s20, s18;
	v5 =	vld [tilespmem:s5+$0x900]  }
0x37f: {  	v6 =	vld [tilespmem:s7+$0x0];
	s3 =	sor.u32 s16, s13;
	[tilespmem:s10+$0x0] =	vst v0  }
0x380: {  	[tilespmem:s3+$0x0] =	vst v3;
	v8 =	vld.idx.msk [tilespmem:v1+s4+$0x0], $0xffff  }
0x381: {  	v3 =	vadd.s32 $0x5, v7;
	v4 =	vld.idx.msk [tilespmem:v4+s4+$0x0], $0xffff  }
0x382: {  	v9 =	vadd.s32 $0x4, v2  }
0x383: {  	s19 =	sadd.s32 $0x6500, s9;
	v1 =	vmul.u32 $0x12, v5  }
0x384: {  	s21 =	sor.u32 s20, s19  }
0x385: {  	s1 =	sor.u32 s16, s18;
	v0 =	vmul.u32 $0x12, v6;
	[tilespmem:s21+$0x0] =	vst v8  }
0x386: {  	[tilespmem:s1+$0x0] =	vst v4;
	v3 =	vld.idx.msk [tilespmem:v3+s4+$0x0], $0xffff  }
0x387: {  	v4 =	vadd.s32 $0x6, v7;
	v5 =	vld.idx.msk [tilespmem:v9+s4+$0x0], $0xffff  }
0x388: {  	v6 =	vadd.s32 $0x5, v2  }
0x389: {  	s23 =	sadd.s32 $0x6900, s9;
	v8 =	vld.idx.msk [tilespmem:v1+s4+$0x0], $0xffff  }
0x38a: {  	s25 =	sor.u32 s20, s23;
	v9 =	vor.u32 $0x1, v1  }
0x38b: {  	s3 =	sor.u32 s16, s19;
	v10 =	vld.idx.msk [tilespmem:v0+s4+$0x0], $0xffff;
	[tilespmem:s25+$0x0] =	vst v3  }
0x38c: {  	v3 =	vor.u32 $0x1, v0;
	[tilespmem:s3+$0x0] =	vst v5;
	v4 =	vld.idx.msk [tilespmem:v4+s4+$0x0], $0xffff  }
0x38d: {  	v5 =	vadd.s32 $0x7, v7;
	v6 =	vld.idx.msk [tilespmem:v6+s4+$0x0], $0xffff  }
0x38e: {  	[tilespmem:s5+$0x5500] =	vst v8;
	v8 =	vadd.s32 $0x6, v2  }
0x38f: {  	s7 =	sadd.s32 $0x6D00, s9;
	s5 =	simm.s32 $0x5520;
	v9 =	vld.idx.msk [tilespmem:v9+s4+$0x0], $0xffff  }
0x390: {  	s10 =	sor.u32 s20, s7;
	[tilespmem:s5+$0x0] =	vst v10  }
0x391: {  	s1 =	sor.u32 s16, s23;
	v10 =	vadd.s32 $0x2, v1;
	v3 =	vld.idx.msk [tilespmem:v3+s4+$0x0], $0xffff;
	[tilespmem:s10+$0x0] =	vst v4  }
0x392: {  	s11 =	sadd.s32 $0x5900, s15;
	v4 =	vadd.s32 $0x2, v0;
	[tilespmem:s1+$0x0] =	vst v6;
	v5 =	vld.idx.msk [tilespmem:v5+s4+$0x0], $0xffff  }
0x393: {  	s12 =	sor.u32 s14, s11;
	v6 =	vadd.s32 $0x8, v7;
	v8 =	vld.idx.msk [tilespmem:v8+s4+$0x0], $0xffff  }
0x394: {  	[tilespmem:s12+$0x0] =	vst v9;
	v9 =	vadd.s32 $0x7, v2  }
0x395: {  	s17 =	sadd.s32 $0x7100, s9;
	s13 =	sor.u32 s8, s11  }
0x396: {  	s18 =	sor.u32 s20, s17;
	v10 =	vld.idx.msk [tilespmem:v10+s4+$0x0], $0xffff;
	[tilespmem:s13+$0x0] =	vst v3  }
0x397: {  	s19 =	sor.u32 s16, s7;
	v3 =	vadd.s32 $0x3, v1;
	v4 =	vld.idx.msk [tilespmem:v4+s4+$0x0], $0xffff;
	[tilespmem:s18+$0x0] =	vst v5  }
0x398: {  	v5 =	vadd.s32 $0x3, v0;
	[tilespmem:s19+$0x0] =	vst v8;
	v6 =	vld.idx.msk [tilespmem:v6+s4+$0x0], $0xffff  }
0x399: {  	s21 =	sadd.s32 $0x5D00, s15;
	v9 =	vld.idx.msk [tilespmem:v9+s4+$0x0], $0xffff  }
0x39a: {  	s11 =	simm.s32 $0x40;
	s23 =	sor.u32 s14, s21;
	s25 =	simm.s32 $0x940;
	v8 =	vadd.s32 $0x9, v7  }
0x39b: {  	s7 =	sand.u32 $0x60, s11;
	s5 =	sadd.s32 $0x7500, s9;
	v11 =	vld [tilespmem:s25+$0x0];
	s10 =	sor.u32 s8, s21;
	[tilespmem:s23+$0x0] =	vst v10;
	v10 =	vadd.s32 $0x8, v2  }
0x39c: {  	s12 =	sor.u32 s20, s5;
	s18 =	sand.u32 $0x380, s11;
	s19 =	sor.u32 $0x10, s7;
	v3 =	vld.idx.msk [tilespmem:v3+s4+$0x0], $0xffff;
	[tilespmem:s10+$0x0] =	vst v4  }
0x39d: {  	s13 =	sor.u32 s16, s17;
	v4 =	vadd.s32 $0x4, v1;
	s10 =	sor.u32 s18, s19;
	v5 =	vld.idx.msk [tilespmem:v5+s4+$0x0], $0xffff;
	[tilespmem:s12+$0x0] =	vst v6  }
0x39e: {  	v6 =	vadd.s32 $0x4, v0;
	[tilespmem:s13+$0x0] =	vst v9;
	v9 =	vld [tilespmem:s10+$0x900]  }
0x39f: {  	s17 =	sadd.s32 $0x6100, s15;
	v8 =	vld.idx.msk [tilespmem:v8+s4+$0x0], $0xffff  }
0x3a0: {  	v12 =	vadd.s32 $0xA, v7;
	s21 =	sor.u32 s14, s17;
	v10 =	vld.idx.msk [tilespmem:v10+s4+$0x0], $0xffff  }
0x3a1: {  	v13 =	vadd.s32 $0x9, v2;
	s23 =	sor.u32 s8, s17;
	[tilespmem:s21+$0x0] =	vst v3;
	v3 =	vmul.u32 $0x12, v11  }
0x3a2: {  	s25 =	sadd.s32 $0x7900, s9;
	v14 =	vld.idx.msk [tilespmem:v4+s4+$0x0], $0xffff;
	[tilespmem:s23+$0x0] =	vst v5  }
0x3a3: {  	s11 =	sor.u32 s20, s25;
	v5 =	vadd.s32 $0x5, v1;
	v6 =	vld.idx.msk [tilespmem:v6+s4+$0x0], $0xffff  }
0x3a4: {  	s5 =	sor.u32 s16, s5;
	v4 =	vmul.u32 $0x12, v9;
	[tilespmem:s11+$0x0] =	vst v8;
	v8 =	vadd.s32 $0x5, v0  }
0x3a5: {  	s12 =	sadd.s32 $0x6500, s15;
	[tilespmem:s5+$0x0] =	vst v10;
	v9 =	vld.idx.msk [tilespmem:v12+s4+$0x0], $0xffff  }
0x3a6: {  	s13 =	sor.u32 s14, s12;
	v11 =	vadd.s32 $0xB, v7;
	v10 =	vld.idx.msk [tilespmem:v13+s4+$0x0], $0xffff  }
0x3a7: {  	s3 =	sor.u32 s8, s12;
	v12 =	vadd.s32 $0xA, v2;
	[tilespmem:s13+$0x0] =	vst v14;
	v13 =	vld.idx.msk [tilespmem:v3+s4+$0x0], $0xffff  }
0x3a8: {  	s17 =	sadd.s32 $0x7D00, s9;
	v14 =	vor.u32 $0x1, v3;
	v5 =	vld.idx.msk [tilespmem:v5+s4+$0x0], $0xffff;
	[tilespmem:s3+$0x0] =	vst v6  }
0x3a9: {  	s21 =	sor.u32 s20, s17;
	v6 =	vadd.s32 $0x6, v1;
	v8 =	vld.idx.msk [tilespmem:v8+s4+$0x0], $0xffff  }
0x3aa: {  	s1 =	sor.u32 s16, s25;
	v15 =	vld.idx.msk [tilespmem:v4+s4+$0x0], $0xffff;
	[tilespmem:s21+$0x0] =	vst v9;
	v9 =	vadd.s32 $0x6, v0  }
0x3ab: {  	s23 =	sadd.s32 $0x6900, s15;
	s11 =	simm.s32 $0x5540;
	[tilespmem:s1+$0x0] =	vst v10;
	v10 =	vld.idx.msk [tilespmem:v11+s4+$0x0], $0xffff;
	v11 =	vor.u32 $0x1, v4  }
0x3ac: {  	s25 =	sor.u32 s14, s23;
	v12 =	vld.idx.msk [tilespmem:v12+s4+$0x0], $0xffff;
	[tilespmem:s11+$0x0] =	vst v13  }
0x3ad: {  	s11 =	sor.u32 s8, s23;
	[tilespmem:s25+$0x0] =	vst v5;
	v5 =	vadd.s32 $0xC, v7;
	v14 =	vld.idx.msk [tilespmem:v14+s4+$0x0], $0xffff  }
0x3ae: {  	s1 =	sadd.s32 $0x8100, s9;
	v13 =	vadd.s32 $0xB, v2;
	v6 =	vld.idx.msk [tilespmem:v6+s4+$0x0], $0xffff;
	[tilespmem:s11+$0x0] =	vst v8  }
0x3af: {  	s12 =	sor.u32 s20, s1;
	v8 =	vadd.s32 $0x7, v1;
	[tilespmem:s10+$0x5500] =	vst v15;
	v9 =	vld.idx.msk [tilespmem:v9+s4+$0x0], $0xffff  }
0x3b0: {  	s3 =	sor.u32 s16, s17;
	s25 =	simm.s32 $0x960;
	v11 =	vld.idx.msk [tilespmem:v11+s4+$0x0], $0xffff;
	[tilespmem:s12+$0x0] =	vst v10;
	v10 =	vadd.s32 $0x7, v0  }
0x3b1: {  	s13 =	sadd.s32 $0x6D00, s15;
	v16 =	vld [tilespmem:s25+$0x0];
	[tilespmem:s3+$0x0] =	vst v12;
	v12 =	vadd.s32 $0x2, v4  }
0x3b2: {  	s17 =	sor.u32 s14, s13;
	v15 =	vadd.s32 $0x2, v3;
	v5 =	vld.idx.msk [tilespmem:v5+s4+$0x0], $0xffff  }
0x3b3: {  	s21 =	sor.u32 s8, s13;
	s23 =	sadd.s32 $0x5900, s18;
	v13 =	vld.idx.msk [tilespmem:v13+s4+$0x0], $0xffff;
	[tilespmem:s17+$0x0] =	vst v6;
	v6 =	vadd.s32 $0xD, v7  }
0x3b4: {  	s11 =	sor.u32 s19, s23;
	v8 =	vld.idx.msk [tilespmem:v8+s4+$0x0], $0xffff;
	[tilespmem:s21+$0x0] =	vst v9;
	v9 =	vadd.s32 $0xC, v2  }
0x3b5: {  	s5 =	sor.u32 s7, s23;
	s3 =	sadd.s32 $0x8500, s9;
	[tilespmem:s11+$0x0] =	vst v11;
	v10 =	vld.idx.msk [tilespmem:v10+s4+$0x0], $0xffff;
	v11 =	vadd.s32 $0x8, v1  }
0x3b6: {  	v17 =	vadd.s32 $0x8, v0;
	s12 =	sor.u32 s20, s3;
	[tilespmem:s5+$0x0] =	vst v14;
	v12 =	vld.idx.msk [tilespmem:v12+s4+$0x0], $0xffff  }
0x3b7: {  	s13 =	sadd.s32 $0x7100, s15;
	s1 =	sor.u32 s16, s1;
	v14 =	vadd.s32 $0x3, v4;
	v15 =	vld.idx.msk [tilespmem:v15+s4+$0x0], $0xffff;
	[tilespmem:s12+$0x0] =	vst v5  }
0x3b8: {  	s17 =	sor.u32 s14, s13;
	[tilespmem:s1+$0x0] =	vst v13;
	v6 =	vld.idx.msk [tilespmem:v6+s4+$0x0], $0xffff  }
0x3b9: {  	s23 =	sadd.s32 $0x5D00, s18;
	s21 =	sor.u32 s8, s13;
	v13 =	vadd.s32 $0xE, v7;
	[tilespmem:s17+$0x0] =	vst v8;
	s17 =	simm.s32 $0x60;
	v8 =	vld.idx.msk [tilespmem:v9+s4+$0x0], $0xffff  }
0x3ba: {  	s25 =	sor.u32 s19, s23;
	v9 =	vadd.s32 $0x3, v3;
	s13 =	sand.u32 $0x60, s17;
	v11 =	vld.idx.msk [tilespmem:v11+s4+$0x0], $0xffff;
	[tilespmem:s21+$0x0] =	vst v10  }
0x3bb: {  	s1 =	sadd.s32 $0x8900, s9;
	s31 =	sand.u32 $0x380, s17;
	v10 =	vadd.s32 $0xD, v2;
	s30 =	sor.u32 $0x10, s13;
	[tilespmem:s25+$0x0] =	vst v12;
	v12 =	vld.idx.msk [tilespmem:v17+s4+$0x0], $0xffff  }
0x3bc: {  	v5 =	vmul.u32 $0x12, v16;
	v16 =	vadd.s32 $0x9, v1;
	s11 =	sor.u32 s20, s1;
	s10 =	sor.u32 s31, s30;
	v14 =	vld.idx.msk [tilespmem:v14+s4+$0x0], $0xffff  }
0x3bd: {  	s5 =	sor.u32 s7, s23;
	[tilespmem:s11+$0x0] =	vst v6;
	v18 =	vld [tilespmem:s10+$0x900]  }
0x3be: {  	s3 =	sor.u32 s16, s3;
	[tilespmem:s5+$0x0] =	vst v15;
	s5 =	sadd.s32 $0x7500, s15;
	v17 =	vadd.s32 $0x9, v0;
	v6 =	vld.idx.msk [tilespmem:v13+s4+$0x0], $0xffff  }
0x3bf: {  	s12 =	sor.u32 s14, s5;
	v13 =	vadd.s32 $0x4, v4;
	v9 =	vld.idx.msk [tilespmem:v9+s4+$0x0], $0xffff;
	[tilespmem:s3+$0x0] =	vst v8  }
0x3c0: {  	s5 =	sor.u32 s8, s5;
	s21 =	sadd.s32 $0x6100, s18;
	[tilespmem:s12+$0x0] =	vst v11;
	v8 =	vld.idx.msk [tilespmem:v10+s4+$0x0], $0xffff;
	v10 =	vadd.s32 $0xF, v7  }
0x3c1: {  	s23 =	sor.u32 s19, s21;
	v11 =	vadd.s32 $0x4, v3;
	s12 =	sadd.s32 $0x8D00, s9;
	v15 =	vld.idx.msk [tilespmem:v16+s4+$0x0], $0xffff;
	[tilespmem:s5+$0x0] =	vst v12  }
0x3c2: {  	v19 =	vadd.s32 $0xE, v2;
	v16 =	vld.idx.msk [tilespmem:v5+s4+$0x0], $0xffff;
	s25 =	sor.u32 s20, s12;
	[tilespmem:s23+$0x0] =	vst v14  }
0x3c3: {  	s3 =	sor.u32 s7, s21;
	v14 =	vadd.s32 $0xA, v1;
	v17 =	vld.idx.msk [tilespmem:v17+s4+$0x0], $0xffff;
	[tilespmem:s25+$0x0] =	vst v6  }
0x3c4: {  	s1 =	sor.u32 s16, s1;
	v20 =	vor.u32 $0x1, v5;
	v13 =	vld.idx.msk [tilespmem:v13+s4+$0x0], $0xffff;
	[tilespmem:s3+$0x0] =	vst v9;
	s3 =	sadd.s32 $0x7900, s15  }
0x3c5: {  	v12 =	vadd.s32 $0x5, v4;
	v6 =	vmul.u32 $0x12, v18;
	v10 =	vld.idx.msk [tilespmem:v10+s4+$0x0], $0xffff;
	s21 =	sor.u32 s14, s3;
	[tilespmem:s1+$0x0] =	vst v8  }
0x3c6: {  	s5 =	simm.s32 $0x5560;
	v11 =	vld.idx.msk [tilespmem:v11+s4+$0x0], $0xffff;
	[tilespmem:s21+$0x0] =	vst v15  }
0x3c7: {  	s1 =	sadd.s32 $0x6500, s18;
	v15 =	vadd.s32 $0x10, v7;
	[tilespmem:s5+$0x0] =	vst v16;
	v16 =	vld.idx.msk [tilespmem:v19+s4+$0x0], $0xffff  }
0x3c8: {  	v18 =	vadd.s32 $0xA, v0;
	s23 =	sor.u32 s19, s1;
	v14 =	vld.idx.msk [tilespmem:v14+s4+$0x0], $0xffff  }
0x3c9: {  	v8 =	vadd.s32 $0x5, v3;
	s3 =	sor.u32 s8, s3;
	s21 =	sadd.s32 $0x9100, s9;
	v9 =	vld.idx.msk [tilespmem:v20+s4+$0x0], $0xffff;
	[tilespmem:s23+$0x0] =	vst v13  }
0x3ca: {  	s25 =	sor.u32 s20, s21;
	[tilespmem:s3+$0x0] =	vst v17;
	v13 =	vadd.s32 $0xB, v1;
	v12 =	vld.idx.msk [tilespmem:v12+s4+$0x0], $0xffff  }
0x3cb: {  	s1 =	sor.u32 s7, s1;
	v19 =	vld.idx.msk [tilespmem:v6+s4+$0x0], $0xffff;
	[tilespmem:s25+$0x0] =	vst v10;
	v10 =	vadd.s32 $0xF, v2  }
0x3cc: {  	[tilespmem:s1+$0x0] =	vst v11;
	s1 =	sadd.s32 $0x7D00, s15;
	s25 =	sor.u32 s16, s12;
	v11 =	vld.idx.msk [tilespmem:v15+s4+$0x0], $0xffff;
	v15 =	vadd.s32 $0x6, v4  }
0x3cd: {  	v17 =	vld.idx.msk [tilespmem:v18+s4+$0x0], $0xffff;
	s23 =	sor.u32 s14, s1;
	[tilespmem:s25+$0x0] =	vst v16;
	v16 =	vor.u32 $0x1, v6  }
0x3ce: {  	v7 =	vadd.s32 $0x11, v7;
	s3 =	sadd.s32 $0x6900, s18;
	v8 =	vld.idx.msk [tilespmem:v8+s4+$0x0], $0xffff;
	[tilespmem:s23+$0x0] =	vst v14  }
0x3cf: {  	s12 =	sor.u32 s19, s3;
	v14 =	vadd.s32 $0x6, v3;
	v13 =	vld.idx.msk [tilespmem:v13+s4+$0x0], $0xffff  }
0x3d0: {  	v21 =	vadd.s32 $0xB, v0;
	s23 =	sadd.s32 $0x9500, s9;
	[tilespmem:s12+$0x0] =	vst v12;
	v10 =	vld.idx.msk [tilespmem:v10+s4+$0x0], $0xffff  }
0x3d1: {  	v18 =	vadd.s32 $0xC, v1;
	s25 =	sor.u32 s20, s23;
	[tilespmem:s10+$0x5500] =	vst v19;
	v63 =	vld.idx.msk [tilespmem:v15+s4+$0x0], $0xffff  }
0x3d2: {  	v22 =	vadd.s32 $0x10, v2;
	s3 =	sor.u32 s7, s3;
	[tilespmem:s25+$0x0] =	vst v11;
	v15 =	vld.idx.msk [tilespmem:v16+s4+$0x0], $0xffff  }
0x3d3: {  	s1 =	sor.u32 s8, s1;
	v19 =	vadd.s32 $0x7, v4;
	[tilespmem:s3+$0x0] =	vst v8;
	s3 =	sadd.s32 $0x8100, s15;
	v23 =	vld.idx.msk [tilespmem:v7+s4+$0x0], $0xffff  }
0x3d4: {  	[tilespmem:s1+$0x0] =	vst v17;
	v12 =	vld.idx.msk [tilespmem:v14+s4+$0x0], $0xffff;
	s11 =	sor.u32 s14, s3  }
0x3d5: {  	s21 =	sor.u32 s16, s21;
	s9 =	sadd.s32 $0x9900, s9;
	s25 =	sadd.s32 $0x6D00, s18;
	v8 =	vld.idx.msk [tilespmem:v21+s4+$0x0], $0xffff;
	v14 =	vadd.s32 $0x7, v3;
	[tilespmem:s11+$0x0] =	vst v13  }
0x3d6: {  	s1 =	sadd.s32 $0x5900, s31;
	s12 =	sor.u32 s16, s23;
	v16 =	vadd.s32 $0x2, v6;
	s23 =	sor.u32 s19, s25;
	v11 =	vld.idx.msk [tilespmem:v18+s4+$0x0], $0xffff;
	[tilespmem:s21+$0x0] =	vst v10  }
0x3d7: {  	s10 =	simm.s32 $0x6;
	s29 =	sor.u32 s7, s25;
	s25 =	sor.u32 s20, s9;
	v10 =	vadd.s32 $0xD, v1;
	[tilespmem:s23+$0x0] =	vst v63;
	v7 =	vld.idx.msk [tilespmem:v22+s4+$0x0], $0xffff  }
0x3d8: {  	v17 =	vadd.s32 $0x2, v5;
	s9 =	sor.u32 s16, s9;
	s16 =	simm.s32 $0x980;
	s11 =	sor.u32 s8, s3;
	v13 =	vld.idx.msk [tilespmem:v19+s4+$0x0], $0xffff;
	[tilespmem:s25+$0x0] =	vst v23  }
.LBB2_20:
0x3d9: {  	v18 =	vld [tilespmem:s16+$0x0];
	s3 =	sor.u32 s13, s1;
	s1 =	sor.u32 s30, s1;
	[tilespmem:s29+$0x0] =	vst v12;
	v12 =	vadd.s32 $0xC, v0;
	s20 =	sadd.s32 $0x8500, s15  }
0x3da: {  	[tilespmem:s1+$0x0] =	vst v15;
	v14 =	vld.idx.msk [tilespmem:v14+s4+$0x0], $0xffff;
	v15 =	vadd.s32 $0x8, v4;
	s1 =	sor.u32 s8, s20;
	s21 =	sor.u32 s14, s20;
	s20 =	smov.u32 s13  }
0x3db: {  	v16 =	vld.idx.msk [tilespmem:v16+s4+$0x0], $0xffff;
	[tilespmem:s21+$0x0] =	vst v11;
	v11 =	vadd.s32 $0x11, v2;
	v2 =	vmovc v0;
	v0 =	vmov v3;
	v3 =	vmov v5;
	s21 =	smov.u32 s15;
	s15 =	smov.u32 s18;
	s18 =	smov.u32 s31  }
0x3dc: {  	s25 =	smov.u32 s14;
	s14 =	smov.u32 s19;
	[tilespmem:s3+$0x0] =	vst v9;
	s3 =	sadd.s32 $0x7100, s15;
	v9 =	vadd.s32 $0x8, v0;
	v10 =	vld.idx.msk [tilespmem:v10+s4+$0x0], $0xffff  }
0x3dd: {  	v19 =	vadd.s32 $0x3, v6;
	s19 =	smov.u32 s30;
	v17 =	vld.idx.msk [tilespmem:v17+s4+$0x0], $0xffff;
	s13 =	sor.u32 s7, s3;
	s3 =	sor.u32 s14, s3;
	[tilespmem:s11+$0x0] =	vst v8  }
0x3de: {  	[tilespmem:s3+$0x0] =	vst v13;
	v8 =	vld.idx.msk [tilespmem:v12+s4+$0x0], $0xffff;
	v12 =	vadd.s32 $0xE, v1  }
0x3df: {  	s3 =	sadd.s32 $0x5D00, s18;
	v13 =	vadd.s32 $0x3, v3;
	v15 =	vld.idx.msk [tilespmem:v15+s4+$0x0], $0xffff;
	[tilespmem:s12+$0x0] =	vst v7  }
0x3e0: {  	s11 =	sor.u32 s20, s3;
	s3 =	sor.u32 s19, s3;
	v7 =	vadd.s32 $0xD, v2;
	s12 =	sadd.s32 $0x8900, s21;
	[tilespmem:s13+$0x0] =	vst v14;
	v11 =	vld.idx.msk [tilespmem:v11+s4+$0x0], $0xffff  }
0x3e1: {  	v5 =	vmul.u32 $0x12, v18;
	v14 =	vadd.s32 $0x9, v4;
	[tilespmem:s3+$0x0] =	vst v16;
	v9 =	vld.idx.msk [tilespmem:v9+s4+$0x0], $0xffff;
	s3 =	sor.u32 s8, s12;
	s12 =	sor.u32 s25, s12  }
0x3e2: {  	v16 =	vld.idx.msk [tilespmem:v19+s4+$0x0], $0xffff;
	[tilespmem:s12+$0x0] =	vst v10  }
0x3e3: {  	[tilespmem:s11+$0x0] =	vst v17;
	s11 =	sadd.s32 $0x7500, s15;
	v10 =	vld.idx.msk [tilespmem:v12+s4+$0x0], $0xffff  }
0x3e4: {  	s17 =	sadd.s32 $0x20, s17;
	v12 =	vld.idx.msk [tilespmem:v13+s4+$0x0], $0xffff;
	v13 =	vadd.s32 $0x4, v6;
	s12 =	sor.u32 s7, s11;
	s11 =	sor.u32 s14, s11;
	[tilespmem:s1+$0x0] =	vst v8  }
0x3e5: {  	s10 =	sadd.s32 $0x2, s10;
	s31 =	sand.u32 $0x380, s17;
	s13 =	sand.u32 $0x60, s17;
	v8 =	vadd.s32 $0xF, v1;
	[tilespmem:s11+$0x0] =	vst v15;
	v7 =	vld.idx.msk [tilespmem:v7+s4+$0x0], $0xffff  }
0x3e6: {  	p0 =	slt.u32 s10, $0x3E;
	s30 =	sor.u32 $0x10, s13;
	s1 =	sadd.s32 $0x6100, s18;
	v15 =	vadd.s32 $0x4, v3;
	v14 =	vld.idx.msk [tilespmem:v14+s4+$0x0], $0xffff;
	[tilespmem:s9+$0x0] =	vst v11  }
0x3e7: {  	s11 =	sor.u32 s19, s1;
	s9 =	sor.u32 s31, s30;
	v11 =	vld.idx.msk [tilespmem:v5+s4+$0x0], $0xffff;
	[tilespmem:s12+$0x0] =	vst v9;
	v9 =	vadd.s32 $0x9, v0;
	s12 =	sadd.s32 $0x8D00, s21  }
0x3e8: {  	s1 =	sor.u32 s20, s1;
	v17 =	vld [tilespmem:s9+$0x900];
	[tilespmem:s11+$0x0] =	vst v16;
	v16 =	vadd.s32 $0xA, v4;
	s11 =	sor.u32 s8, s12;
	s12 =	sor.u32 s25, s12  }
0x3e9: {  	v18 =	vadd.s32 $0xE, v2;
	v13 =	vld.idx.msk [tilespmem:v13+s4+$0x0], $0xffff;
	[tilespmem:s12+$0x0] =	vst v10  }
0x3ea: {  	v10 =	vor.u32 $0x1, v5;
	[tilespmem:s1+$0x0] =	vst v12;
	s1 =	sadd.s32 $0x7900, s15;
	v8 =	vld.idx.msk [tilespmem:v8+s4+$0x0], $0xffff  }
0x3eb: {  	v12 =	vld.idx.msk [tilespmem:v15+s4+$0x0], $0xffff;
	v15 =	vadd.s32 $0x5, v6;
	s12 =	sor.u32 s7, s1;
	s1 =	sor.u32 s14, s1;
	[tilespmem:s3+$0x0] =	vst v7  }
0x3ec: {  	v7 =	vld.idx.msk [tilespmem:v9+s4+$0x0], $0xffff;
	[tilespmem:s1+$0x0] =	vst v14;
	v14 =	vadd.s32 $0x10, v1  }
0x3ed: {  	s5 =	sadd.s32 $0x20, s5;
	v19 =	vadd.s32 $0x5, v3;
	s1 =	sadd.s32 $0x6500, s18;
	v17 =	vmul.u32 $0x12, v17;
	v16 =	vld.idx.msk [tilespmem:v16+s4+$0x0], $0xffff  }
0x3ee: {  	s29 =	sadd.s32 $0x9100, s21;
	s3 =	sor.u32 s20, s1;
	s1 =	sor.u32 s19, s1;
	[tilespmem:s5+$0x0] =	vst v11;
	v11 =	vld.idx.msk [tilespmem:v18+s4+$0x0], $0xffff  }
0x3ef: {  	v9 =	vld.idx.msk [tilespmem:v10+s4+$0x0], $0xffff;
	[tilespmem:s1+$0x0] =	vst v13;
	v10 =	vadd.s32 $0xB, v4;
	s1 =	sor.u32 s8, s29;
	s29 =	sor.u32 s25, s29  }
0x3f0: {  	v13 =	vld.idx.msk [tilespmem:v15+s4+$0x0], $0xffff;
	v15 =	vadd.s32 $0xA, v0;
	[tilespmem:s29+$0x0] =	vst v8  }
0x3f1: {  	v8 =	vadd.s32 $0xF, v2;
	[tilespmem:s3+$0x0] =	vst v12;
	s3 =	sadd.s32 $0x7D00, s15;
	v12 =	vld.idx.msk [tilespmem:v14+s4+$0x0], $0xffff  }
0x3f2: {  	v18 =	vadd.s32 $0x6, v6;
	v14 =	vld.idx.msk [tilespmem:v19+s4+$0x0], $0xffff;
	[tilespmem:s12+$0x0] =	vst v7;
	s29 =	sor.u32 s7, s3;
	s3 =	sor.u32 s14, s3  }
0x3f3: {  	v7 =	vld.idx.msk [tilespmem:v17+s4+$0x0], $0xffff;
	[tilespmem:s3+$0x0] =	vst v16;
	v16 =	vadd.s32 $0x11, v1;
	v1 =	vmovc v4;
	v4 =	vmov v6;
	v6 =	vmov v17  }
0x3f4: {  	s3 =	sadd.s32 $0x6900, s18;
	v17 =	vadd.s32 $0x6, v3;
	v10 =	vld.idx.msk [tilespmem:v10+s4+$0x0], $0xffff;
	[tilespmem:s11+$0x0] =	vst v11  }
0x3f5: {  	s23 =	sadd.s32 $0x9500, s21;
	v11 =	vor.u32 $0x1, v6;
	s11 =	sor.u32 s20, s3;
	s3 =	sor.u32 s19, s3;
	v19 =	vld.idx.msk [tilespmem:v15+s4+$0x0], $0xffff  }
0x3f6: {  	s12 =	sor.u32 s8, s23;
	[tilespmem:s3+$0x0] =	vst v13;
	v13 =	vadd.s32 $0xC, v1;
	v20 =	vld.idx.msk [tilespmem:v8+s4+$0x0], $0xffff;
	s3 =	sor.u32 s25, s23  }
0x3f7: {  	v8 =	vadd.s32 $0xB, v0;
	v18 =	vld.idx.msk [tilespmem:v18+s4+$0x0], $0xffff;
	[tilespmem:s3+$0x0] =	vst v12  }
0x3f8: {  	v21 =	vadd.s32 $0x10, v2;
	s3 =	sadd.s32 $0x8100, s15;
	[tilespmem:s11+$0x0] =	vst v14;
	v22 =	vld.idx.msk [tilespmem:v16+s4+$0x0], $0xffff  }
0x3f9: {  	v23 =	vadd.s32 $0x7, v4;
	s11 =	sor.u32 s7, s3;
	s3 =	sor.u32 s14, s3;
	[tilespmem:s9+$0x5500] =	vst v7;
	v12 =	vld.idx.msk [tilespmem:v17+s4+$0x0], $0xffff  }
.Ltmp13:
0x3fa: {  	v15 =	vld.idx.msk [tilespmem:v11+s4+$0x0], $0xffff;
	[tilespmem:s3+$0x0] =	vst v10;
	(pc) =	sbr.rel @p0 .LBB2_20-.Ltmp13, $4  }
0x3fb: {  	v14 =	vadd.s32 $0x7, v3;
	s3 =	sadd.s32 $0x6D00, s18;
	[tilespmem:s29+$0x0] =	vst v19;
	v11 =	vld.idx.msk [tilespmem:v13+s4+$0x0], $0xffff  }
0x3fc: {  	v16 =	vadd.s32 $0x2, v6;
	s29 =	sor.u32 s20, s3;
	s3 =	sor.u32 s19, s3;
	v8 =	vld.idx.msk [tilespmem:v8+s4+$0x0], $0xffff;
	[tilespmem:s1+$0x0] =	vst v20;
	s1 =	sadd.s32 $0x9900, s21  }
0x3fd: {  	v10 =	vadd.s32 $0xD, v1;
	[tilespmem:s3+$0x0] =	vst v18;
	v7 =	vld.idx.msk [tilespmem:v21+s4+$0x0], $0xffff;
	s9 =	sor.u32 s8, s1;
	s3 =	sor.u32 s25, s1;
	s8 =	smov.u32 s7  }
0x3fe: {  	s16 =	sadd.s32 $0x20, s16;
	v17 =	vadd.s32 $0x2, v5;
	s1 =	sadd.s32 $0x5900, s31;
	s7 =	smov.u32 s20;
	v13 =	vld.idx.msk [tilespmem:v23+s4+$0x0], $0xffff;
	[tilespmem:s3+$0x0] =	vst v22  }
0x3ff: {  	_ =	sdelay $0x1  }
0x400: {  	s3 =	sor.u32 s30, s1  }
0x401: {  	s10 =	sor.u32 s13, s1;
	[tilespmem:s3+$0x0] =	vst v15  }
0x402: {  	[tilespmem:s10+$0x0] =	vst v9;
	v15 =	vld.idx.msk [tilespmem:v16+s4+$0x0], $0xffff  }
0x403: {  	v39 =	vadd.s32 $0x3, v6;
	v9 =	vld.idx.msk [tilespmem:v17+s4+$0x0], $0xffff  }
0x404: {  	v40 =	vadd.s32 $0x3, v5  }
0x405: {  	s16 =	sadd.s32 $0x5D00, s31  }
0x406: {  	s17 =	sor.u32 s30, s16  }
0x407: {  	s1 =	sor.u32 s13, s16;
	[tilespmem:s17+$0x0] =	vst v15  }
0x408: {  	[tilespmem:s1+$0x0] =	vst v9;
	v15 =	vld.idx.msk [tilespmem:v39+s4+$0x0], $0xffff  }
0x409: {  	v41 =	vadd.s32 $0x4, v6;
	v9 =	vld.idx.msk [tilespmem:v40+s4+$0x0], $0xffff  }
0x40a: {  	v42 =	vadd.s32 $0x4, v5  }
0x40b: {  	s20 =	sadd.s32 $0x6100, s31  }
0x40c: {  	s21 =	sor.u32 s30, s20  }
0x40d: {  	s1 =	sor.u32 s13, s20;
	[tilespmem:s21+$0x0] =	vst v15  }
0x40e: {  	[tilespmem:s1+$0x0] =	vst v9;
	v15 =	vld.idx.msk [tilespmem:v41+s4+$0x0], $0xffff  }
0x40f: {  	v43 =	vadd.s32 $0x5, v6;
	v9 =	vld.idx.msk [tilespmem:v42+s4+$0x0], $0xffff  }
0x410: {  	v44 =	vadd.s32 $0x5, v5  }
0x411: {  	s23 =	sadd.s32 $0x6500, s31  }
0x412: {  	s25 =	sor.u32 s30, s23  }
0x413: {  	s1 =	sor.u32 s13, s23;
	[tilespmem:s25+$0x0] =	vst v15  }
0x414: {  	[tilespmem:s1+$0x0] =	vst v9;
	v15 =	vld.idx.msk [tilespmem:v43+s4+$0x0], $0xffff  }
0x415: {  	v45 =	vadd.s32 $0x6, v6;
	v9 =	vld.idx.msk [tilespmem:v44+s4+$0x0], $0xffff  }
0x416: {  	v46 =	vadd.s32 $0x6, v5  }
0x417: {  	s3 =	sadd.s32 $0x6900, s31  }
0x418: {  	s5 =	sor.u32 s30, s3  }
0x419: {  	s1 =	sor.u32 s13, s3;
	[tilespmem:s5+$0x0] =	vst v15  }
0x41a: {  	[tilespmem:s1+$0x0] =	vst v9;
	v15 =	vld.idx.msk [tilespmem:v45+s4+$0x0], $0xffff  }
0x41b: {  	v47 =	vadd.s32 $0x7, v6;
	v9 =	vld.idx.msk [tilespmem:v46+s4+$0x0], $0xffff  }
0x41c: {  	v48 =	vadd.s32 $0x7, v5;
	[tilespmem:s29+$0x0] =	vst v12  }
0x41d: {  	v49 =	vadd.s32 $0x8, v4;
	s10 =	sadd.s32 $0x6D00, s31;
	v12 =	vld.idx.msk [tilespmem:v14+s4+$0x0], $0xffff  }
0x41e: {  	v50 =	vadd.s32 $0x8, v3;
	s16 =	sor.u32 s30, s10  }
0x41f: {  	s17 =	sadd.s32 $0x7100, s18;
	s1 =	sor.u32 s13, s10;
	[tilespmem:s16+$0x0] =	vst v15  }
0x420: {  	s20 =	sor.u32 s19, s17;
	[tilespmem:s1+$0x0] =	vst v9;
	v16 =	vld.idx.msk [tilespmem:v47+s4+$0x0], $0xffff  }
0x421: {  	v51 =	vadd.s32 $0x8, v6;
	[tilespmem:s20+$0x0] =	vst v13;
	s1 =	sor.u32 s7, s17;
	v9 =	vld.idx.msk [tilespmem:v48+s4+$0x0], $0xffff  }
0x422: {  	v18 =	vadd.s32 $0x8, v5;
	v13 =	vld.idx.msk [tilespmem:v49+s4+$0x0], $0xffff;
	[tilespmem:s1+$0x0] =	vst v12  }
0x423: {  	v52 =	vadd.s32 $0x9, v4;
	s21 =	sadd.s32 $0x7100, s31;
	v12 =	vld.idx.msk [tilespmem:v50+s4+$0x0], $0xffff  }
0x424: {  	v53 =	vadd.s32 $0x9, v3;
	s23 =	sor.u32 s30, s21  }
0x425: {  	s3 =	sor.u32 s13, s21;
	s25 =	sadd.s32 $0x7500, s18;
	[tilespmem:s23+$0x0] =	vst v16  }
0x426: {  	s29 =	sor.u32 s19, s25;
	[tilespmem:s3+$0x0] =	vst v9;
	v16 =	vld.idx.msk [tilespmem:v51+s4+$0x0], $0xffff  }
0x427: {  	v54 =	vadd.s32 $0x9, v6;
	[tilespmem:s29+$0x0] =	vst v13;
	s1 =	sor.u32 s7, s25;
	v9 =	vld.idx.msk [tilespmem:v18+s4+$0x0], $0xffff  }
0x428: {  	v55 =	vadd.s32 $0x9, v5;
	v13 =	vld.idx.msk [tilespmem:v52+s4+$0x0], $0xffff;
	[tilespmem:s1+$0x0] =	vst v12  }
0x429: {  	v56 =	vadd.s32 $0xA, v4;
	s5 =	sadd.s32 $0x7500, s31;
	v57 =	vld.idx.msk [tilespmem:v53+s4+$0x0], $0xffff  }
0x42a: {  	v58 =	vadd.s32 $0xA, v3;
	s10 =	sor.u32 s30, s5  }
0x42b: {  	s16 =	sadd.s32 $0x7900, s18;
	s3 =	sor.u32 s13, s5;
	[tilespmem:s10+$0x0] =	vst v16  }
0x42c: {  	s17 =	sor.u32 s19, s16;
	[tilespmem:s3+$0x0] =	vst v9;
	v16 =	vld.idx.msk [tilespmem:v54+s4+$0x0], $0xffff  }
0x42d: {  	v59 =	vadd.s32 $0xA, v6;
	[tilespmem:s17+$0x0] =	vst v13;
	s1 =	sor.u32 s7, s16;
	v60 =	vld.idx.msk [tilespmem:v55+s4+$0x0], $0xffff  }
0x42e: {  	v61 =	vadd.s32 $0xA, v5;
	v12 =	vld.idx.msk [tilespmem:v56+s4+$0x0], $0xffff;
	[tilespmem:s1+$0x0] =	vst v57  }
0x42f: {  	v62 =	vadd.s32 $0xB, v4;
	s20 =	sadd.s32 $0x7900, s31;
	v14 =	vld.idx.msk [tilespmem:v58+s4+$0x0], $0xffff  }
0x430: {  	v63 =	vadd.s32 $0xB, v3;
	[tilespmem:s11+$0x0] =	vst v8;
	s21 =	sor.u32 s30, s20  }
0x431: {  	v2 =	vadd.s32 $0x11, v2;
	s5 =	sadd.s32 $0x7D00, s18;
	s3 =	sor.u32 s13, s20;
	[tilespmem:s21+$0x0] =	vst v16  }
0x432: {  	v22 =	vadd.s32 $0xC, v0;
	s25 =	sor.u32 s19, s5;
	[tilespmem:s3+$0x0] =	vst v60;
	v9 =	vld.idx.msk [tilespmem:v59+s4+$0x0], $0xffff  }
0x433: {  	v20 =	vadd.s32 $0xB, v6;
	s5 =	sor.u32 s7, s5;
	[tilespmem:s25+$0x0] =	vst v12;
	v17 =	vld.idx.msk [tilespmem:v61+s4+$0x0], $0xffff  }
0x434: {  	v21 =	vadd.s32 $0xB, v5;
	s1 =	sadd.s32 $0x8500, s15;
	v13 =	vld.idx.msk [tilespmem:v62+s4+$0x0], $0xffff;
	[tilespmem:s5+$0x0] =	vst v14  }
0x435: {  	v23 =	vadd.s32 $0xC, v4;
	[tilespmem:s12+$0x0] =	vst v7;
	s29 =	sadd.s32 $0x7D00, s31;
	s23 =	sor.u32 s14, s1;
	v15 =	vld.idx.msk [tilespmem:v63+s4+$0x0], $0xffff  }
0x436: {  	v24 =	vadd.s32 $0xC, v3;
	v2 =	vld.idx.msk [tilespmem:v2+s4+$0x0], $0xffff;
	s10 =	sor.u32 s30, s29;
	[tilespmem:s23+$0x0] =	vst v11  }
0x437: {  	s11 =	sadd.s32 $0x8100, s18;
	v12 =	vld.idx.msk [tilespmem:v22+s4+$0x0], $0xffff;
	s3 =	sor.u32 s13, s29;
	[tilespmem:s10+$0x0] =	vst v9  }
0x438: {  	v27 =	vadd.s32 $0xD, v0;
	s16 =	sor.u32 s19, s11;
	[tilespmem:s3+$0x0] =	vst v17;
	v16 =	vld.idx.msk [tilespmem:v20+s4+$0x0], $0xffff  }
0x439: {  	v25 =	vadd.s32 $0xC, v6;
	[tilespmem:s16+$0x0] =	vst v13;
	s3 =	sor.u32 s7, s11;
	v11 =	vld.idx.msk [tilespmem:v21+s4+$0x0], $0xffff  }
0x43a: {  	v26 =	vadd.s32 $0xC, v5;
	v14 =	vld.idx.msk [tilespmem:v23+s4+$0x0], $0xffff;
	[tilespmem:s3+$0x0] =	vst v15  }
0x43b: {  	v28 =	vadd.s32 $0xD, v4;
	[tilespmem:s9+$0x0] =	vst v2;
	s17 =	sadd.s32 $0x8100, s31;
	s1 =	sor.u32 s8, s1;
	v9 =	vld.idx.msk [tilespmem:v24+s4+$0x0], $0xffff  }
0x43c: {  	v29 =	vadd.s32 $0xD, v3;
	s20 =	sor.u32 s30, s17;
	v10 =	vld.idx.msk [tilespmem:v10+s4+$0x0], $0xffff;
	[tilespmem:s1+$0x0] =	vst v12  }
0x43d: {  	v32 =	vadd.s32 $0xE, v1;
	s23 =	sadd.s32 $0x8500, s18;
	v13 =	vld.idx.msk [tilespmem:v27+s4+$0x0], $0xffff;
	s5 =	sor.u32 s13, s17;
	[tilespmem:s20+$0x0] =	vst v16  }
0x43e: {  	v33 =	vadd.s32 $0xE, v0;
	s25 =	sor.u32 s19, s23;
	[tilespmem:s5+$0x0] =	vst v11;
	v8 =	vld.idx.msk [tilespmem:v25+s4+$0x0], $0xffff  }
0x43f: {  	v30 =	vadd.s32 $0xD, v6;
	s10 =	sadd.s32 $0x8900, s15;
	[tilespmem:s25+$0x0] =	vst v14;
	s3 =	sor.u32 s7, s23;
	v7 =	vld.idx.msk [tilespmem:v26+s4+$0x0], $0xffff  }
0x440: {  	v31 =	vadd.s32 $0xD, v5;
	s21 =	sor.u32 s14, s10;
	v15 =	vld.idx.msk [tilespmem:v28+s4+$0x0], $0xffff;
	[tilespmem:s3+$0x0] =	vst v9  }
0x441: {  	v34 =	vadd.s32 $0xE, v4;
	s29 =	sadd.s32 $0x8500, s31;
	s11 =	sor.u32 s8, s10;
	[tilespmem:s21+$0x0] =	vst v10;
	v16 =	vld.idx.msk [tilespmem:v29+s4+$0x0], $0xffff  }
0x442: {  	v35 =	vadd.s32 $0xE, v3;
	[tilespmem:s11+$0x0] =	vst v13;
	v37 =	vld.idx.msk [tilespmem:v32+s4+$0x0], $0xffff;
	s5 =	sor.u32 s30, s29  }
0x443: {  	s12 =	sadd.s32 $0x8900, s18;
	v39 =	vadd.s32 $0xF, v1;
	s1 =	sor.u32 s13, s29;
	v14 =	vld.idx.msk [tilespmem:v33+s4+$0x0], $0xffff;
	[tilespmem:s5+$0x0] =	vst v8  }
0x444: {  	v40 =	vadd.s32 $0xF, v0;
	s16 =	sor.u32 s19, s12;
	[tilespmem:s1+$0x0] =	vst v7;
	v10 =	vld.idx.msk [tilespmem:v30+s4+$0x0], $0xffff  }
0x445: {  	v36 =	vadd.s32 $0xE, v6;
	s21 =	sadd.s32 $0x8D00, s15;
	[tilespmem:s16+$0x0] =	vst v15;
	s3 =	sor.u32 s7, s12;
	v7 =	vld.idx.msk [tilespmem:v31+s4+$0x0], $0xffff  }
0x446: {  	v38 =	vadd.s32 $0xE, v5;
	s23 =	sor.u32 s14, s21;
	v9 =	vld.idx.msk [tilespmem:v34+s4+$0x0], $0xffff;
	[tilespmem:s3+$0x0] =	vst v16  }
0x447: {  	v41 =	vadd.s32 $0xF, v4;
	s17 =	sadd.s32 $0x8900, s31;
	s25 =	sor.u32 s8, s21;
	[tilespmem:s23+$0x0] =	vst v37;
	v8 =	vld.idx.msk [tilespmem:v35+s4+$0x0], $0xffff  }
0x448: {  	v42 =	vadd.s32 $0xF, v3;
	s20 =	sor.u32 s30, s17;
	[tilespmem:s25+$0x0] =	vst v14;
	v45 =	vld.idx.msk [tilespmem:v39+s4+$0x0], $0xffff  }
0x449: {  	v47 =	vadd.s32 $0x10, v1;
	s29 =	sadd.s32 $0x8D00, s18;
	v15 =	vld.idx.msk [tilespmem:v40+s4+$0x0], $0xffff;
	s1 =	sor.u32 s13, s17;
	[tilespmem:s20+$0x0] =	vst v10  }
0x44a: {  	v48 =	vadd.s32 $0x10, v0;
	s5 =	sor.u32 s19, s29;
	[tilespmem:s1+$0x0] =	vst v7;
	v2 =	vld.idx.msk [tilespmem:v36+s4+$0x0], $0xffff  }
0x44b: {  	v43 =	vadd.s32 $0xF, v6;
	s11 =	sadd.s32 $0x9100, s15;
	s3 =	sor.u32 s7, s29;
	[tilespmem:s5+$0x0] =	vst v9;
	v44 =	vld.idx.msk [tilespmem:v38+s4+$0x0], $0xffff  }
0x44c: {  	v46 =	vadd.s32 $0xF, v5;
	s12 =	sor.u32 s14, s11;
	v16 =	vld.idx.msk [tilespmem:v41+s4+$0x0], $0xffff;
	[tilespmem:s3+$0x0] =	vst v8  }
0x44d: {  	s9 =	sadd.s32 $0x8D00, s31;
	v49 =	vadd.s32 $0x10, v4;
	s16 =	sor.u32 s8, s11;
	[tilespmem:s12+$0x0] =	vst v45;
	v10 =	vld.idx.msk [tilespmem:v42+s4+$0x0], $0xffff  }
0x44e: {  	v50 =	vadd.s32 $0x10, v3;
	s10 =	sor.u32 s30, s9;
	[tilespmem:s16+$0x0] =	vst v15;
	v53 =	vld.idx.msk [tilespmem:v47+s4+$0x0], $0xffff  }
0x44f: {  	v55 =	vadd.s32 $0x11, v1;
	s17 =	sadd.s32 $0x9100, s18;
	v9 =	vld.idx.msk [tilespmem:v48+s4+$0x0], $0xffff;
	s1 =	sor.u32 s13, s9;
	[tilespmem:s10+$0x0] =	vst v2  }
0x450: {  	v56 =	vadd.s32 $0x11, v0;
	s20 =	sor.u32 s19, s17;
	[tilespmem:s1+$0x0] =	vst v44;
	v7 =	vld.idx.msk [tilespmem:v43+s4+$0x0], $0xffff  }
0x451: {  	v51 =	vadd.s32 $0x10, v6;
	s25 =	sadd.s32 $0x9500, s15;
	s3 =	sor.u32 s7, s17;
	[tilespmem:s20+$0x0] =	vst v16;
	v52 =	vld.idx.msk [tilespmem:v46+s4+$0x0], $0xffff  }
0x452: {  	v54 =	vadd.s32 $0x10, v5;
	s29 =	sor.u32 s14, s25;
	v8 =	vld.idx.msk [tilespmem:v49+s4+$0x0], $0xffff;
	[tilespmem:s3+$0x0] =	vst v10  }
0x453: {  	v57 =	vadd.s32 $0x11, v4;
	s21 =	sadd.s32 $0x9100, s31;
	s5 =	sor.u32 s8, s25;
	[tilespmem:s29+$0x0] =	vst v53;
	v2 =	vld.idx.msk [tilespmem:v50+s4+$0x0], $0xffff  }
0x454: {  	v58 =	vadd.s32 $0x11, v3;
	s23 =	sor.u32 s30, s21;
	[tilespmem:s5+$0x0] =	vst v9;
	v1 =	vld.idx.msk [tilespmem:v55+s4+$0x0], $0xffff  }
0x455: {  	s9 =	sadd.s32 $0x9500, s18;
	v0 =	vld.idx.msk [tilespmem:v56+s4+$0x0], $0xffff;
	s1 =	sor.u32 s13, s21;
	[tilespmem:s23+$0x0] =	vst v7  }
0x456: {  	s10 =	sor.u32 s19, s9;
	[tilespmem:s1+$0x0] =	vst v52;
	v7 =	vld.idx.msk [tilespmem:v51+s4+$0x0], $0xffff  }
0x457: {  	v59 =	vadd.s32 $0x11, v6;
	s15 =	sadd.s32 $0x9900, s15;
	s3 =	sor.u32 s7, s9;
	[tilespmem:s10+$0x0] =	vst v8;
	v60 =	vld.idx.msk [tilespmem:v54+s4+$0x0], $0xffff  }
0x458: {  	v61 =	vadd.s32 $0x11, v5;
	s16 =	sor.u32 s14, s15;
	v4 =	vld.idx.msk [tilespmem:v57+s4+$0x0], $0xffff;
	[tilespmem:s3+$0x0] =	vst v2  }
0x459: {  	s11 =	sadd.s32 $0x9500, s31;
	s17 =	sor.u32 s8, s15;
	[tilespmem:s16+$0x0] =	vst v1;
	v2 =	vld.idx.msk [tilespmem:v58+s4+$0x0], $0xffff  }
0x45a: {  	s12 =	sor.u32 s30, s11;
	[tilespmem:s17+$0x0] =	vst v0  }
0x45b: {  	s18 =	sadd.s32 $0x9900, s18;
	s1 =	sor.u32 s13, s11;
	[tilespmem:s12+$0x0] =	vst v7  }
0x45c: {  	s19 =	sor.u32 s19, s18;
	[tilespmem:s1+$0x0] =	vst v60;
	v62 =	vld.idx.msk [tilespmem:v59+s4+$0x0], $0xffff  }
0x45d: {  	s3 =	sor.u32 s7, s18;
	[tilespmem:s19+$0x0] =	vst v4;
	v63 =	vld.idx.msk [tilespmem:v61+s4+$0x0], $0xffff  }
0x45e: {  	p0 =	seq.s32 s0, $0x18;
	[tilespmem:s3+$0x0] =	vst v2  }
.Ltmp14:
0x45f: {  	s20 =	sadd.s32 $0x9900, s31;
	s23 =	rddreg [dreg:$0xa];
	(pc) =	sbr.rel @p0 .LBB2_23-.Ltmp14, $4  }
0x460: {  	s21 =	sor.u32 s30, s20;
	s5 =	sor.u32 s23, s6  }
0x461: {  	s29 =	rddreg [dreg:$0x2];
	s1 =	sor.u32 s13, s20;
	s25 =	sshrl.u32 s5, $0x3;
	[tilespmem:s21+$0x0] =	vst v62  }
0x462: {  	s31 =	simm.s32 $0x5500;
	s30 =	simm.s32 $0x400;
	[tilespmem:s1+$0x0] =	vst v63;
	s1 =	sadd.s32 s29, s25  }
0x463: {  	[hbm4b:s1+s30] =	stream.strided.scatter [tilespmem:s31], [sflag:$0x4], $0x4800, s24, s30, $0x38;
	[tilespmem:$0x9D00] =	vst v63  }
.Ltmp15:
0x464: {  	s1 =	rddreg [dreg:$0x10];
	(pc) =	sbr.rel .LBB2_13-.Ltmp15, $4  }
0x465: {  	s1 =	sadd.s32 s1, s6  }
0x466: {  	s23 =	rddreg [dreg:$0x0];
	s1 =	sshrl.u32 s1, $0x3  }
0x467: {  	s3 =	simm.s32 $0x900;
	s0 =	sadd.s32 $0x1, s0;
	s1 =	sadd.s32 s23, s1  }
0x468: {  	[tilespmem:s3], [sflag:$0x2] =	stream.linear.gather [hbm4b:s1+s4], $0x400, $0x38;
	[tilespmem:$0x9D00] =	vst v63  }
.LBB2_24:
0x469: {  	_ =	sfence.sel $0x180000  }
0x46a: {  	[bflag:$0x0] =	sbarrier.arrive $0xFFFF  }
0x46b: {  	_ =	strace $0x90000047  }
0x46c: {  	s0 =	stileid.u32;
	[bflag:$0x2] =	sbarrier.arrive $0xFFFF  }
0x46d: {  	p0 =	sne.s32 s0, $0x0;
	s0 =	rddreg [dreg:$0x3]  }
0x46e: {  	s0 =	sadd.s32 @!p0 $0x100000, s0  }
0x46f: {  	[sflag:s0] =	ssyncadd.tile.s32 @!p0 $0x1;
	_ =	shalt  }
.Lfunc_end2:
_tile_overlayer_lowered:
.L_overlay_start_2:
0x470: {  	(tag) =	ssettag $0x2  }
0x471: {  	s0 =	rddreg [dreg:$0x0];
	s2 =	stileid.u32  }
0x472: {  	s1 =	rddreg [dreg:$0x1];
	p0 =	sne.s32 s2, $0x0  }
0x473: {  	s3 =	rddreg [dreg:$0x2];
	[bflag:$0x3] =	sbarrier.arrive $0xFFFF;
	s2 =	simm.s32 @!p0 $0x1C05  }
0x474: {  	[timem:s3], [sflag:s2] =	dma.local @!p0 [hbm:s0], s1  }
0x475: {  	s0 =	simm.s32 @!p0 $0x5  }
0x476: {  	_ =	swait.ge @!p0 [sflag:s0], s1  }
0x477: {  	s1 =	ssub.s32 @!p0 $0x0, s1;
	[sflag:s0] =	ssyncset.done @!p0 $0x0  }
0x478: {  	[sflag:s0] =	ssyncadd.s32 @!p0 s1  }
0x479: {  	[bflag:$0x3] =	sbarrier.arrive $0xFFFF  }
0x47a: {  	_ =	shalt  }

</sc_bundles>
